<compile_context>
chip_gen: v7x
topology: tpu7x:2x2x1
jax: 0.10.2.dev20260603
libtpu: 0.0.44.dev20260713+nightly
codegen_flags: <defaults>
</compile_context>

<pallas_src>
import jax
import jax.numpy as jnp
from jax import lax
from jax.experimental import pallas as pl
from jax.experimental.pallas import tpu as pltpu
from jax.experimental.pallas import tpu_sc as plsc

B = 16384
D = 16
NC = 2
NS = 16
NW = NC * NS
ROWS = B // NW
W = 16
NWAVE = ROWS // W
LANE = 128
GRP = 16
RPB = LANE // D


def _irt_body(theta_hbm, alpha_hbm, betab_hbm, sid_hbm, qid_hbm, out_hbm,
              sid_v, qid_v,
              tbuf0, tbuf1, abuf0, abuf1, bbuf0, bbuf1, out_v,
              sem0, sem1):
    wid = lax.axis_index("s") * NC + lax.axis_index("c")

    for cp in [pltpu.async_copy(sid_hbm.at[wid], sid_v, sem0),
               pltpu.async_copy(qid_hbm.at[wid], qid_v, sem0)]:
        cp.wait()

    iota = lax.broadcasted_iota(jnp.int32, (GRP,), 0)

    def fire(w, tb, ab, bb, s):
        base = w * W
        qv = qid_v[pl.ds(base, W)]
        pltpu.async_copy(alpha_hbm.at[qv >> 3], ab, s)
        pltpu.async_copy(betab_hbm.at[qv >> 7], bb, s)
        slab = sid_v[pl.ds(base, W)] >> 7
        for k in range(W):
            pltpu.async_copy(theta_hbm.at[:, pl.ds(slab[k] * LANE, LANE)],
                             tb.at[:, pl.ds(k * LANE, LANE)], s)

    def drain(tb, ab, bb, s):
        pltpu.make_async_copy(alpha_hbm.at[pl.ds(0, W)], ab, s).wait()
        pltpu.make_async_copy(betab_hbm.at[pl.ds(0, W)], bb, s).wait()
        for k in range(W):
            pltpu.make_async_copy(theta_hbm.at[:, pl.ds(0, LANE)],
                                  tb.at[:, pl.ds(k * LANE, LANE)], s).wait()

    def compute(w, tb, ab, bb):
        r0 = w * W
        sv = sid_v[pl.ds(r0, GRP)]
        qv = qid_v[pl.ds(r0, GRP)]
        tlane = iota * LANE + (sv & (LANE - 1))
        ao = (qv & (RPB - 1)) * D
        bvals = plsc.load_gather(bb, [iota, qv & (LANE - 1)])
        for d in range(D):
            dvec = jnp.full((GRP,), d, jnp.int32)
            t = plsc.load_gather(tb, [dvec, tlane])
            a = plsc.load_gather(ab, [iota, ao + d])
            x = 1.702 * (a * (t - bvals))
            out_v[d, pl.ds(r0, GRP)] = 1.0 / (1.0 + jnp.exp(-x))

    fire(0, tbuf0, abuf0, bbuf0, sem0)

    def body(u, carry):
        w0 = u * 2
        fire(w0 + 1, tbuf1, abuf1, bbuf1, sem1)
        drain(tbuf0, abuf0, bbuf0, sem0)
        compute(w0, tbuf0, abuf0, bbuf0)

        @pl.when(w0 + 2 < NWAVE)
        def _():
            fire(w0 + 2, tbuf0, abuf0, bbuf0, sem0)

        drain(tbuf1, abuf1, bbuf1, sem1)
        compute(w0 + 1, tbuf1, abuf1, bbuf1)
        return carry

    lax.fori_loop(0, NWAVE // 2, body, 0)

    pltpu.sync_copy(out_v, out_hbm.at[:, pl.ds(wid * ROWS, ROWS)])


@jax.jit
def kernel(theta_table, alpha_table, beta_table, student_ids, question_ids):
    sid = student_ids.astype(jnp.int32).reshape(NW, ROWS)
    qid = question_ids.astype(jnp.int32).reshape(NW, ROWS)

    theta_t = theta_table.T
    alpha128 = alpha_table.reshape(-1, LANE)
    nbeta = beta_table.shape[0]
    nbblk = (nbeta + LANE - 1) // LANE
    beta128 = jnp.pad(beta_table.reshape(-1),
                      (0, nbblk * LANE - nbeta)).reshape(nbblk, LANE)

    mesh = plsc.VectorSubcoreMesh(core_axis_name="c", subcore_axis_name="s")
    run = pl.kernel(
        _irt_body,
        mesh=mesh,
        out_type=jax.ShapeDtypeStruct((D, B), jnp.float32),
        compiler_params=pltpu.CompilerParams(needs_layout_passes=False),
        scratch_types=[
            pltpu.VMEM((ROWS,), jnp.int32),
            pltpu.VMEM((ROWS,), jnp.int32),
            pltpu.VMEM((D, W * LANE), jnp.float32),
            pltpu.VMEM((D, W * LANE), jnp.float32),
            pltpu.VMEM((W, LANE), jnp.float32),
            pltpu.VMEM((W, LANE), jnp.float32),
            pltpu.VMEM((W, LANE), jnp.float32),
            pltpu.VMEM((W, LANE), jnp.float32),
            pltpu.VMEM((D, ROWS), jnp.float32),
            pltpu.SemaphoreType.DMA,
            pltpu.SemaphoreType.DMA,
        ],
    )
    out_t = run(theta_t, alpha128, beta128, sid, qid)
    return out_t.T

# --- scband reference (transcript-rebuilt; emitter-appended) ---
"""Pipeline reference for scband-irt-78743930405316 (READ-ONLY COPY).

The authoritative reference and input builder live on the scoring server;
editing this copy changes nothing except your own understanding.
"""

import jax, jax.numpy as jnp
import numpy as np

NUM_STUDENTS = 1000000
NUM_QUESTIONS = 100000
NUM_DIM = 16
BATCH = 16384


def setup_inputs(seed: int = 0) -> dict:
    key = jax.random.key(seed)
    k1, k2, k3, k4, k5 = jax.random.split(key, 5)
    student_ids = jax.random.randint(k1, (BATCH,), 0, NUM_STUDENTS, dtype=jnp.int64 if jax.config.jax_enable_x64 else jnp.int32)
    question_ids = jax.random.randint(k2, (BATCH,), 0, NUM_QUESTIONS, dtype=jnp.int64 if jax.config.jax_enable_x64 else jnp.int32)
    # xavier_normal init for embedding weights: std = sqrt(2/(fan_in+fan_out))
    theta_std = float(np.sqrt(2.0 / (NUM_STUDENTS + NUM_DIM)))
    alpha_std = float(np.sqrt(2.0 / (NUM_QUESTIONS + NUM_DIM)))
    beta_std = float(np.sqrt(2.0 / (NUM_QUESTIONS + 1)))
    theta_table = jax.random.normal(k3, (NUM_STUDENTS, NUM_DIM), dtype=jnp.float32) * theta_std
    alpha_table = jax.random.normal(k4, (NUM_QUESTIONS, NUM_DIM), dtype=jnp.float32) * alpha_std
    beta_table = jax.random.normal(k5, (NUM_QUESTIONS, 1), dtype=jnp.float32) * beta_std
    return {
        "theta_table": theta_table,
        "alpha_table": alpha_table,
        "beta_table": beta_table,
        "student_ids": student_ids,
        "question_ids": question_ids,
    }


def reference(theta_table, alpha_table, beta_table, student_ids, question_ids):
    theta = jnp.take(theta_table, student_ids, axis=0)      # [B, D]
    alpha = jnp.take(alpha_table, question_ids, axis=0)     # [B, D]
    beta = jnp.take(beta_table, question_ids, axis=0)       # [B, 1]
    pred = 1.702 * (alpha * (theta - beta))
    pred = jax.nn.sigmoid(pred)
    return pred

if __name__ == "__main__":
    import jax
    _d = setup_inputs()
    print(jax.jit(kernel)(*tuple(_d.values())))

</pallas_src>

<mosaic_0001>
#map = affine_map<(d0, d1) -> (0, 0)>
module attributes {stable_mosaic.version = 14 : i64} {
  func.func @_irt_body(%arg0: i32, %arg1: i32, %arg2: memref<16x1000000xf32, #tpu.memory_space<hbm>>, %arg3: memref<12500x128xf32, #tpu.memory_space<hbm>>, %arg4: memref<782x128xf32, #tpu.memory_space<hbm>>, %arg5: memref<32x512xi32, #tpu.memory_space<hbm>>, %arg6: memref<32x512xi32, #tpu.memory_space<hbm>>, %arg7: memref<16x16384xf32, #tpu.memory_space<hbm>>, %arg8: memref<512xi32, #tpu.memory_space<vmem>>, %arg9: memref<512xi32, #tpu.memory_space<vmem>>, %arg10: memref<16x2048xf32, #tpu.memory_space<vmem>>, %arg11: memref<16x2048xf32, #tpu.memory_space<vmem>>, %arg12: memref<16x128xf32, #tpu.memory_space<vmem>>, %arg13: memref<16x128xf32, #tpu.memory_space<vmem>>, %arg14: memref<16x128xf32, #tpu.memory_space<vmem>>, %arg15: memref<16x128xf32, #tpu.memory_space<vmem>>, %arg16: memref<16x512xf32, #tpu.memory_space<vmem>>, %arg17: memref<!tpu.dma_semaphore, #tpu.memory_space<semaphore_mem>>, %arg18: memref<!tpu.dma_semaphore, #tpu.memory_space<semaphore_mem>>) attributes {dimension_semantics = [#tpu.dimension_semantics<core_parallel>, #tpu.dimension_semantics<subcore_parallel>], iteration_bounds = array<i64: 2, 16>, scalar_prefetch = 0 : i64, scratch_operands = 11 : i64, tpu.core_type = #tpu.core_type<sc_vector_subcore>, window_params = [{transform_indices = #map}, {transform_indices = #map}, {transform_indices = #map}, {transform_indices = #map}, {transform_indices = #map}, {transform_indices = #map}]} {
    %mul3A = arith.constant 2 : i32
    %mul3A_0 = arith.muli %arg1, %mul3A : i32
    %add3A = arith.addi %mul3A_0, %arg0 : i32
    %dma_start3A = arith.constant 0 : i32
    %dma_start3A_1 = tpu.memref_slice %arg5[%add3A, %dma_start3A] : memref<32x512xi32, #tpu.memory_space<hbm>> -> memref<1x512xi32, #tpu.memory_space<hbm>>
    %dma_start3A_2 = tpu.memref_squeeze %dma_start3A_1 : memref<1x512xi32, #tpu.memory_space<hbm>> -> memref<512xi32, #tpu.memory_space<hbm>>
    %dma_start3A_3 = arith.constant 0 : i32
    %dma_start3A_4 = tpu.memref_slice %arg5[%add3A, %dma_start3A_3] : memref<32x512xi32, #tpu.memory_space<hbm>> -> memref<1x512xi32, #tpu.memory_space<hbm>>
    %dma_start3A_5 = tpu.memref_squeeze %dma_start3A_4 : memref<1x512xi32, #tpu.memory_space<hbm>> -> memref<512xi32, #tpu.memory_space<hbm>>
    tpu.enqueue_dma source(%dma_start3A_5 : memref<512xi32, #tpu.memory_space<hbm>>) target(%arg8 : memref<512xi32, #tpu.memory_space<vmem>>) target_semaphore(%arg17 : memref<!tpu.dma_semaphore, #tpu.memory_space<semaphore_mem>>)
    %dma_start3A_6 = arith.constant 0 : i32
    %dma_start3A_7 = tpu.memref_slice %arg6[%add3A, %dma_start3A_6] : memref<32x512xi32, #tpu.memory_space<hbm>> -> memref<1x512xi32, #tpu.memory_space<hbm>>
    %dma_start3A_8 = tpu.memref_squeeze %dma_start3A_7 : memref<1x512xi32, #tpu.memory_space<hbm>> -> memref<512xi32, #tpu.memory_space<hbm>>
    %dma_start3A_9 = arith.constant 0 : i32
    %dma_start3A_10 = tpu.memref_slice %arg6[%add3A, %dma_start3A_9] : memref<32x512xi32, #tpu.memory_space<hbm>> -> memref<1x512xi32, #tpu.memory_space<hbm>>
    %dma_start3A_11 = tpu.memref_squeeze %dma_start3A_10 : memref<1x512xi32, #tpu.memory_space<hbm>> -> memref<512xi32, #tpu.memory_space<hbm>>
    tpu.enqueue_dma source(%dma_start3A_11 : memref<512xi32, #tpu.memory_space<hbm>>) target(%arg9 : memref<512xi32, #tpu.memory_space<vmem>>) target_semaphore(%arg17 : memref<!tpu.dma_semaphore, #tpu.memory_space<semaphore_mem>>)
    %dma_wait3A = arith.constant 0 : i32
    %dma_wait3A_12 = tpu.memref_slice %arg5[%add3A, %dma_wait3A] : memref<32x512xi32, #tpu.memory_space<hbm>> -> memref<1x512xi32, #tpu.memory_space<hbm>>
    %dma_wait3A_13 = tpu.memref_squeeze %dma_wait3A_12 : memref<1x512xi32, #tpu.memory_space<hbm>> -> memref<512xi32, #tpu.memory_space<hbm>>
    %dma_wait3A_14 = arith.constant 0 : i32
    %dma_wait3A_15 = tpu.memref_slice %arg5[%add3A, %dma_wait3A_14] : memref<32x512xi32, #tpu.memory_space<hbm>> -> memref<1x512xi32, #tpu.memory_space<hbm>>
    %dma_wait3A_16 = tpu.memref_squeeze %dma_wait3A_15 : memref<1x512xi32, #tpu.memory_space<hbm>> -> memref<512xi32, #tpu.memory_space<hbm>>
    tpu.wait_dma2 semaphore(%arg17 : memref<!tpu.dma_semaphore, #tpu.memory_space<semaphore_mem>>) src(%dma_wait3A_16 : memref<512xi32, #tpu.memory_space<hbm>>) dst(%arg8 : memref<512xi32, #tpu.memory_space<vmem>>)
    %dma_wait3A_17 = arith.constant 0 : i32
    %dma_wait3A_18 = tpu.memref_slice %arg6[%add3A, %dma_wait3A_17] : memref<32x512xi32, #tpu.memory_space<hbm>> -> memref<1x512xi32, #tpu.memory_space<hbm>>
    %dma_wait3A_19 = tpu.memref_squeeze %dma_wait3A_18 : memref<1x512xi32, #tpu.memory_space<hbm>> -> memref<512xi32, #tpu.memory_space<hbm>>
    %dma_wait3A_20 = arith.constant 0 : i32
    %dma_wait3A_21 = tpu.memref_slice %arg6[%add3A, %dma_wait3A_20] : memref<32x512xi32, #tpu.memory_space<hbm>> -> memref<1x512xi32, #tpu.memory_space<hbm>>
    %dma_wait3A_22 = tpu.memref_squeeze %dma_wait3A_21 : memref<1x512xi32, #tpu.memory_space<hbm>> -> memref<512xi32, #tpu.memory_space<hbm>>
    tpu.wait_dma2 semaphore(%arg17 : memref<!tpu.dma_semaphore, #tpu.memory_space<semaphore_mem>>) src(%dma_wait3A_22 : memref<512xi32, #tpu.memory_space<hbm>>) dst(%arg9 : memref<512xi32, #tpu.memory_space<vmem>>)
    %iota3A = tpu.iota {dimensions = array<i32: 0>} : vector<16xi32>
    %get3A = arith.constant 0 : index
    %get3A_23 = tpu.vector_load %arg9[%get3A] {strides = array<i32>} : memref<512xi32, #tpu.memory_space<vmem>>, vector<16xi32>,
    %shift_right_arithmetic3A = arith.constant 3 : i32
    %shift_right_arithmetic3A_24 = vector.broadcast %shift_right_arithmetic3A : i32 to vector<16xi32>
    %shift_right_arithmetic3A_25 = arith.shrsi %get3A_23, %shift_right_arithmetic3A_24 : vector<16xi32>
    %dma_start3A_26 = arith.constant 0 : i32
    %dma_start3A_27 = arith.constant 0 : i32
    %dma_start3A_28 = tpu.memref_slice %arg3[%dma_start3A_26, %dma_start3A_27] : memref<12500x128xf32, #tpu.memory_space<hbm>> -> memref<12500x128xf32, #tpu.memory_space<hbm>>
    tpu.enqueue_indirect_dma source(%dma_start3A_28 : memref<12500x128xf32, #tpu.memory_space<hbm>>) target(%arg12 : memref<16x128xf32, #tpu.memory_space<vmem>>) offsets(%shift_right_arithmetic3A_25 : vector<16xi32>) semaphore(%arg17 : memref<!tpu.dma_semaphore, #tpu.memory_space<semaphore_mem>>)
    %shift_right_arithmetic3A_29 = arith.constant 7 : i32
    %shift_right_arithmetic3A_30 = vector.broadcast %shift_right_arithmetic3A_29 : i32 to vector<16xi32>
    %shift_right_arithmetic3A_31 = arith.shrsi %get3A_23, %shift_right_arithmetic3A_30 : vector<16xi32>
    %dma_start3A_32 = arith.constant 0 : i32
    %dma_start3A_33 = arith.constant 0 : i32
    %dma_start3A_34 = tpu.memref_slice %arg4[%dma_start3A_32, %dma_start3A_33] : memref<782x128xf32, #tpu.memory_space<hbm>> -> memref<782x128xf32, #tpu.memory_space<hbm>>
    tpu.enqueue_indirect_dma source(%dma_start3A_34 : memref<782x128xf32, #tpu.memory_space<hbm>>) target(%arg14 : memref<16x128xf32, #tpu.memory_space<vmem>>) offsets(%shift_right_arithmetic3A_31 : vector<16xi32>) semaphore(%arg17 : memref<!tpu.dma_semaphore, #tpu.memory_space<semaphore_mem>>)
    %get3A_35 = arith.constant 0 : index
    %get3A_36 = tpu.vector_load %arg8[%get3A_35] {strides = array<i32>} : memref<512xi32, #tpu.memory_space<vmem>>, vector<16xi32>,
    %shift_right_arithmetic3A_37 = arith.constant 7 : i32
    %shift_right_arithmetic3A_38 = vector.broadcast %shift_right_arithmetic3A_37 : i32 to vector<16xi32>
    %shift_right_arithmetic3A_39 = arith.shrsi %get3A_36, %shift_right_arithmetic3A_38 : vector<16xi32>
    %slice3A = vector.extract_strided_slice %shift_right_arithmetic3A_39 {offsets = [0], sizes = [1], strides = [1]} : vector<16xi32> to vector<1xi32>
    %squeeze3A = vector.extract %slice3A[0] : i32 from vector<1xi32>
    %mul3A_40 = arith.constant 128 : i32
    %mul3A_41 = arith.muli %squeeze3A, %mul3A_40 : i32
    %dma_start3A_42 = arith.constant 0 : i32
    %dma_start3A_43 = arith.constant 0 : i32
    %dma_start3A_44 = tpu.memref_slice %arg10[%dma_start3A_42, %dma_start3A_43] : memref<16x2048xf32, #tpu.memory_space<vmem>> -> memref<16x128xf32, #tpu.memory_space<vmem>>
    %dma_start3A_45 = arith.constant 0 : i32
    %dma_start3A_46 = tpu.memref_slice %arg2[%dma_start3A_45, %mul3A_41] : memref<16x1000000xf32, #tpu.memory_space<hbm>> -> memref<16x128xf32, #tpu.memory_space<hbm>>
    %dma_start3A_47 = arith.constant 0 : i32
    %dma_start3A_48 = arith.constant 0 : i32
    %dma_start3A_49 = tpu.memref_slice %arg10[%dma_start3A_47, %dma_start3A_48] : memref<16x2048xf32, #tpu.memory_space<vmem>> -> memref<16x128xf32, #tpu.memory_space<vmem>>
    %dma_start3A_50 = arith.constant 0 : i32
    %dma_start3A_51 = tpu.memref_slice %arg2[%dma_start3A_50, %mul3A_41] : memref<16x1000000xf32, #tpu.memory_space<hbm>> -> memref<16x128xf32, #tpu.memory_space<hbm>>
    tpu.enqueue_dma source(%dma_start3A_51 : memref<16x128xf32, #tpu.memory_space<hbm>>) target(%dma_start3A_49 : memref<16x128xf32, #tpu.memory_space<vmem>>) target_semaphore(%arg17 : memref<!tpu.dma_semaphore, #tpu.memory_space<semaphore_mem>>)
    %slice3A_52 = vector.extract_strided_slice %shift_right_arithmetic3A_39 {offsets = [1], sizes = [1], strides = [1]} : vector<16xi32> to vector<1xi32>
    %squeeze3A_53 = vector.extract %slice3A_52[0] : i32 from vector<1xi32>
    %mul3A_54 = arith.constant 128 : i32
    %mul3A_55 = arith.muli %squeeze3A_53, %mul3A_54 : i32
    %dma_start3A_56 = arith.constant 0 : i32
    %dma_start3A_57 = arith.constant 128 : i32
    %dma_start3A_58 = tpu.memref_slice %arg10[%dma_start3A_56, %dma_start3A_57] : memref<16x2048xf32, #tpu.memory_space<vmem>> -> memref<16x128xf32, #tpu.memory_space<vmem>>
    %dma_start3A_59 = arith.constant 0 : i32
    %dma_start3A_60 = tpu.memref_slice %arg2[%dma_start3A_59, %mul3A_55] : memref<16x1000000xf32, #tpu.memory_space<hbm>> -> memref<16x128xf32, #tpu.memory_space<hbm>>
    %dma_start3A_61 = arith.constant 0 : i32
    %dma_start3A_62 = arith.constant 128 : i32
    %dma_start3A_63 = tpu.memref_slice %arg10[%dma_start3A_61, %dma_start3A_62] : memref<16x2048xf32, #tpu.memory_space<vmem>> -> memref<16x128xf32, #tpu.memory_space<vmem>>
    %dma_start3A_64 = arith.constant 0 : i32
    %dma_start3A_65 = tpu.memref_slice %arg2[%dma_start3A_64, %mul3A_55] : memref<16x1000000xf32, #tpu.memory_space<hbm>> -> memref<16x128xf32, #tpu.memory_space<hbm>>
    tpu.enqueue_dma source(%dma_start3A_65 : memref<16x128xf32, #tpu.memory_space<hbm>>) target(%dma_start3A_63 : memref<16x128xf32, #tpu.memory_space<vmem>>) target_semaphore(%arg17 : memref<!tpu.dma_semaphore, #tpu.memory_space<semaphore_mem>>)
    %slice3A_66 = vector.extract_strided_slice %shift_right_arithmetic3A_39 {offsets = [2], sizes = [1], strides = [1]} : vector<16xi32> to vector<1xi32>
    %squeeze3A_67 = vector.extract %slice3A_66[0] : i32 from vector<1xi32>
    %mul3A_68 = arith.constant 128 : i32
    %mul3A_69 = arith.muli %squeeze3A_67, %mul3A_68 : i32
    %dma_start3A_70 = arith.constant 0 : i32
    %dma_start3A_71 = arith.constant 256 : i32
    %dma_start3A_72 = tpu.memref_slice %arg10[%dma_start3A_70, %dma_start3A_71] : memref<16x2048xf32, #tpu.memory_space<vmem>> -> memref<16x128xf32, #tpu.memory_space<vmem>>
    %dma_start3A_73 = arith.constant 0 : i32
    %dma_start3A_74 = tpu.memref_slice %arg2[%dma_start3A_73, %mul3A_69] : memref<16x1000000xf32, #tpu.memory_space<hbm>> -> memref<16x128xf32, #tpu.memory_space<hbm>>
    %dma_start3A_75 = arith.constant 0 : i32
    %dma_start3A_76 = arith.constant 256 : i32
    %dma_start3A_77 = tpu.memref_slice %arg10[%dma_start3A_75, %dma_start3A_76] : memref<16x2048xf32, #tpu.memory_space<vmem>> -> memref<16x128xf32, #tpu.memory_space<vmem>>
    %dma_start3A_78 = arith.constant 0 : i32
    %dma_start3A_79 = tpu.memref_slice %arg2[%dma_start3A_78, %mul3A_69] : memref<16x1000000xf32, #tpu.memory_space<hbm>> -> memref<16x128xf32, #tpu.memory_space<hbm>>
    tpu.enqueue_dma source(%dma_start3A_79 : memref<16x128xf32, #tpu.memory_space<hbm>>) target(%dma_start3A_77 : memref<16x128xf32, #tpu.memory_space<vmem>>) target_semaphore(%arg17 : memref<!tpu.dma_semaphore, #tpu.memory_space<semaphore_mem>>)
    %slice3A_80 = vector.extract_strided_slice %shift_right_arithmetic3A_39 {offsets = [3], sizes = [1], strides = [1]} : vector<16xi32> to vector<1xi32>
    %squeeze3A_81 = vector.extract %slice3A_80[0] : i32 from vector<1xi32>
    %mul3A_82 = arith.constant 128 : i32
    %mul3A_83 = arith.muli %squeeze3A_81, %mul3A_82 : i32
    %dma_start3A_84 = arith.constant 0 : i32
    %dma_start3A_85 = arith.constant 384 : i32
    %dma_start3A_86 = tpu.memref_slice %arg10[%dma_start3A_84, %dma_start3A_85] : memref<16x2048xf32, #tpu.memory_space<vmem>> -> memref<16x128xf32, #tpu.memory_space<vmem>>
    %dma_start3A_87 = arith.constant 0 : i32
    %dma_start3A_88 = tpu.memref_slice %arg2[%dma_start3A_87, %mul3A_83] : memref<16x1000000xf32, #tpu.memory_space<hbm>> -> memref<16x128xf32, #tpu.memory_space<hbm>>
    %dma_start3A_89 = arith.constant 0 : i32
    %dma_start3A_90 = arith.constant 384 : i32
    %dma_start3A_91 = tpu.memref_slice %arg10[%dma_start3A_89, %dma_start3A_90] : memref<16x2048xf32, #tpu.memory_space<vmem>> -> memref<16x128xf32, #tpu.memory_space<vmem>>
    %dma_start3A_92 = arith.constant 0 : i32
    %dma_start3A_93 = tpu.memref_slice %arg2[%dma_start3A_92, %mul3A_83] : memref<16x1000000xf32, #tpu.memory_space<hbm>> -> memref<16x128xf32, #tpu.memory_space<hbm>>
    tpu.enqueue_dma source(%dma_start3A_93 : memref<16x128xf32, #tpu.memory_space<hbm>>) target(%dma_start3A_91 : memref<16x128xf32, #tpu.memory_space<vmem>>) target_semaphore(%arg17 : memref<!tpu.dma_semaphore, #tpu.memory_space<semaphore_mem>>)
    %slice3A_94 = vector.extract_strided_slice %shift_right_arithmetic3A_39 {offsets = [4], sizes = [1], strides = [1]} : vector<16xi32> to vector<1xi32>
    %squeeze3A_95 = vector.extract %slice3A_94[0] : i32 from vector<1xi32>
    %mul3A_96 = arith.constant 128 : i32
    %mul3A_97 = arith.muli %squeeze3A_95, %mul3A_96 : i32
    %dma_start3A_98 = arith.constant 0 : i32
    %dma_start3A_99 = arith.constant 512 : i32
    %dma_start3A_100 = tpu.memref_slice %arg10[%dma_start3A_98, %dma_start3A_99] : memref<16x2048xf32, #tpu.memory_space<vmem>> -> memref<16x128xf32, #tpu.memory_space<vmem>>
    %dma_start3A_101 = arith.constant 0 : i32
    %dma_start3A_102 = tpu.memref_slice %arg2[%dma_start3A_101, %mul3A_97] : memref<16x1000000xf32, #tpu.memory_space<hbm>> -> memref<16x128xf32, #tpu.memory_space<hbm>>
    %dma_start3A_103 = arith.constant 0 : i32
    %dma_start3A_104 = arith.constant 512 : i32
    %dma_start3A_105 = tpu.memref_slice %arg10[%dma_start3A_103, %dma_start3A_104] : memref<16x2048xf32, #tpu.memory_space<vmem>> -> memref<16x128xf32, #tpu.memory_space<vmem>>
    %dma_start3A_106 = arith.constant 0 : i32
    %dma_start3A_107 = tpu.memref_slice %arg2[%dma_start3A_106, %mul3A_97] : memref<16x1000000xf32, #tpu.memory_space<hbm>> -> memref<16x128xf32, #tpu.memory_space<hbm>>
    tpu.enqueue_dma source(%dma_start3A_107 : memref<16x128xf32, #tpu.memory_space<hbm>>) target(%dma_start3A_105 : memref<16x128xf32, #tpu.memory_space<vmem>>) target_semaphore(%arg17 : memref<!tpu.dma_semaphore, #tpu.memory_space<semaphore_mem>>)
    %slice3A_108 = vector.extract_strided_slice %shift_right_arithmetic3A_39 {offsets = [5], sizes = [1], strides = [1]} : vector<16xi32> to vector<1xi32>
    %squeeze3A_109 = vector.extract %slice3A_108[0] : i32 from vector<1xi32>
    %mul3A_110 = arith.constant 128 : i32
    %mul3A_111 = arith.muli %squeeze3A_109, %mul3A_110 : i32
    %dma_start3A_112 = arith.constant 0 : i32
    %dma_start3A_113 = arith.constant 640 : i32
    %dma_start3A_114 = tpu.memref_slice %arg10[%dma_start3A_112, %dma_start3A_113] : memref<16x2048xf32, #tpu.memory_space<vmem>> -> memref<16x128xf32, #tpu.memory_space<vmem>>
    %dma_start3A_115 = arith.constant 0 : i32
    %dma_start3A_116 = tpu.memref_slice %arg2[%dma_start3A_115, %mul3A_111] : memref<16x1000000xf32, #tpu.memory_space<hbm>> -> memref<16x128xf32, #tpu.memory_space<hbm>>
    %dma_start3A_117 = arith.constant 0 : i32
    %dma_start3A_118 = arith.constant 640 : i32
    %dma_start3A_119 = tpu.memref_slice %arg10[%dma_start3A_117, %dma_start3A_118] : memref<16x2048xf32, #tpu.memory_space<vmem>> -> memref<16x128xf32, #tpu.memory_space<vmem>>
    %dma_start3A_120 = arith.constant 0 : i32
    %dma_start3A_121 = tpu.memref_slice %arg2[%dma_start3A_120, %mul3A_111] : memref<16x1000000xf32, #tpu.memory_space<hbm>> -> memref<16x128xf32, #tpu.memory_space<hbm>>
    tpu.enqueue_dma source(%dma_start3A_121 : memref<16x128xf32, #tpu.memory_space<hbm>>) target(%dma_start3A_119 : memref<16x128xf32, #tpu.memory_space<vmem>>) target_semaphore(%arg17 : memref<!tpu.dma_semaphore, #tpu.memory_space<semaphore_mem>>)
    %slice3A_122 = vector.extract_strided_slice %shift_right_arithmetic3A_39 {offsets = [6], sizes = [1], strides = [1]} : vector<16xi32> to vector<1xi32>
    %squeeze3A_123 = vector.extract %slice3A_122[0] : i32 from vector<1xi32>
    %mul3A_124 = arith.constant 128 : i32
    %mul3A_125 = arith.muli %squeeze3A_123, %mul3A_124 : i32
    %dma_start3A_126 = arith.constant 0 : i32
    %dma_start3A_127 = arith.constant 768 : i32
    %dma_start3A_128 = tpu.memref_slice %arg10[%dma_start3A_126, %dma_start3A_127] : memref<16x2048xf32, #tpu.memory_space<vmem>> -> memref<16x128xf32, #tpu.memory_space<vmem>>
    %dma_start3A_129 = arith.constant 0 : i32
    %dma_start3A_130 = tpu.memref_slice %arg2[%dma_start3A_129, %mul3A_125] : memref<16x1000000xf32, #tpu.memory_space<hbm>> -> memref<16x128xf32, #tpu.memory_space<hbm>>
    %dma_start3A_131 = arith.constant 0 : i32
    %dma_start3A_132 = arith.constant 768 : i32
    %dma_start3A_133 = tpu.memref_slice %arg10[%dma_start3A_131, %dma_start3A_132] : memref<16x2048xf32, #tpu.memory_space<vmem>> -> memref<16x128xf32, #tpu.memory_space<vmem>>
    %dma_start3A_134 = arith.constant 0 : i32
    %dma_start3A_135 = tpu.memref_slice %arg2[%dma_start3A_134, %mul3A_125] : memref<16x1000000xf32, #tpu.memory_space<hbm>> -> memref<16x128xf32, #tpu.memory_space<hbm>>
    tpu.enqueue_dma source(%dma_start3A_135 : memref<16x128xf32, #tpu.memory_space<hbm>>) target(%dma_start3A_133 : memref<16x128xf32, #tpu.memory_space<vmem>>) target_semaphore(%arg17 : memref<!tpu.dma_semaphore, #tpu.memory_space<semaphore_mem>>)
    %slice3A_136 = vector.extract_strided_slice %shift_right_arithmetic3A_39 {offsets = [7], sizes = [1], strides = [1]} : vector<16xi32> to vector<1xi32>
    %squeeze3A_137 = vector.extract %slice3A_136[0] : i32 from vector<1xi32>
    %mul3A_138 = arith.constant 128 : i32
    %mul3A_139 = arith.muli %squeeze3A_137, %mul3A_138 : i32
    %dma_start3A_140 = arith.constant 0 : i32
    %dma_start3A_141 = arith.constant 896 : i32
    %dma_start3A_142 = tpu.memref_slice %arg10[%dma_start3A_140, %dma_start3A_141] : memref<16x2048xf32, #tpu.memory_space<vmem>> -> memref<16x128xf32, #tpu.memory_space<vmem>>
    %dma_start3A_143 = arith.constant 0 : i32
    %dma_start3A_144 = tpu.memref_slice %arg2[%dma_start3A_143, %mul3A_139] : memref<16x1000000xf32, #tpu.memory_space<hbm>> -> memref<16x128xf32, #tpu.memory_space<hbm>>
    %dma_start3A_145 = arith.constant 0 : i32
    %dma_start3A_146 = arith.constant 896 : i32
    %dma_start3A_147 = tpu.memref_slice %arg10[%dma_start3A_145, %dma_start3A_146] : memref<16x2048xf32, #tpu.memory_space<vmem>> -> memref<16x128xf32, #tpu.memory_space<vmem>>
    %dma_start3A_148 = arith.constant 0 : i32
    %dma_start3A_149 = tpu.memref_slice %arg2[%dma_start3A_148, %mul3A_139] : memref<16x1000000xf32, #tpu.memory_space<hbm>> -> memref<16x128xf32, #tpu.memory_space<hbm>>
    tpu.enqueue_dma source(%dma_start3A_149 : memref<16x128xf32, #tpu.memory_space<hbm>>) target(%dma_start3A_147 : memref<16x128xf32, #tpu.memory_space<vmem>>) target_semaphore(%arg17 : memref<!tpu.dma_semaphore, #tpu.memory_space<semaphore_mem>>)
    %slice3A_150 = vector.extract_strided_slice %shift_right_arithmetic3A_39 {offsets = [8], sizes = [1], strides = [1]} : vector<16xi32> to vector<1xi32>
    %squeeze3A_151 = vector.extract %slice3A_150[0] : i32 from vector<1xi32>
    %mul3A_152 = arith.constant 128 : i32
    %mul3A_153 = arith.muli %squeeze3A_151, %mul3A_152 : i32
    %dma_start3A_154 = arith.constant 0 : i32
    %dma_start3A_155 = arith.constant 1024 : i32
    %dma_start3A_156 = tpu.memref_slice %arg10[%dma_start3A_154, %dma_start3A_155] : memref<16x2048xf32, #tpu.memory_space<vmem>> -> memref<16x128xf32, #tpu.memory_space<vmem>>
    %dma_start3A_157 = arith.constant 0 : i32
    %dma_start3A_158 = tpu.memref_slice %arg2[%dma_start3A_157, %mul3A_153] : memref<16x1000000xf32, #tpu.memory_space<hbm>> -> memref<16x128xf32, #tpu.memory_space<hbm>>
    %dma_start3A_159 = arith.constant 0 : i32
    %dma_start3A_160 = arith.constant 1024 : i32
    %dma_start3A_161 = tpu.memref_slice %arg10[%dma_start3A_159, %dma_start3A_160] : memref<16x2048xf32, #tpu.memory_space<vmem>> -> memref<16x128xf32, #tpu.memory_space<vmem>>
    %dma_start3A_162 = arith.constant 0 : i32
    %dma_start3A_163 = tpu.memref_slice %arg2[%dma_start3A_162, %mul3A_153] : memref<16x1000000xf32, #tpu.memory_space<hbm>> -> memref<16x128xf32, #tpu.memory_space<hbm>>
    tpu.enqueue_dma source(%dma_start3A_163 : memref<16x128xf32, #tpu.memory_space<hbm>>) target(%dma_start3A_161 : memref<16x128xf32, #tpu.memory_space<vmem>>) target_semaphore(%arg17 : memref<!tpu.dma_semaphore, #tpu.memory_space<semaphore_mem>>)
    %slice3A_164 = vector.extract_strided_slice %shift_right_arithmetic3A_39 {offsets = [9], sizes = [1], strides = [1]} : vector<16xi32> to vector<1xi32>
    %squeeze3A_165 = vector.extract %slice3A_164[0] : i32 from vector<1xi32>
    %mul3A_166 = arith.constant 128 : i32
    %mul3A_167 = arith.muli %squeeze3A_165, %mul3A_166 : i32
    %dma_start3A_168 = arith.constant 0 : i32
    %dma_start3A_169 = arith.constant 1152 : i32
    %dma_start3A_170 = tpu.memref_slice %arg10[%dma_start3A_168, %dma_start3A_169] : memref<16x2048xf32, #tpu.memory_space<vmem>> -> memref<16x128xf32, #tpu.memory_space<vmem>>
    %dma_start3A_171 = arith.constant 0 : i32
    %dma_start3A_172 = tpu.memref_slice %arg2[%dma_start3A_171, %mul3A_167] : memref<16x1000000xf32, #tpu.memory_space<hbm>> -> memref<16x128xf32, #tpu.memory_space<hbm>>
    %dma_start3A_173 = arith.constant 0 : i32
    %dma_start3A_174 = arith.constant 1152 : i32
    %dma_start3A_175 = tpu.memref_slice %arg10[%dma_start3A_173, %dma_start3A_174] : memref<16x2048xf32, #tpu.memory_space<vmem>> -> memref<16x128xf32, #tpu.memory_space<vmem>>
    %dma_start3A_176 = arith.constant 0 : i32
    %dma_start3A_177 = tpu.memref_slice %arg2[%dma_start3A_176, %mul3A_167] : memref<16x1000000xf32, #tpu.memory_space<hbm>> -> memref<16x128xf32, #tpu.memory_space<hbm>>
    tpu.enqueue_dma source(%dma_start3A_177 : memref<16x128xf32, #tpu.memory_space<hbm>>) target(%dma_start3A_175 : memref<16x128xf32, #tpu.memory_space<vmem>>) target_semaphore(%arg17 : memref<!tpu.dma_semaphore, #tpu.memory_space<semaphore_mem>>)
    %slice3A_178 = vector.extract_strided_slice %shift_right_arithmetic3A_39 {offsets = [10], sizes = [1], strides = [1]} : vector<16xi32> to vector<1xi32>
    %squeeze3A_179 = vector.extract %slice3A_178[0] : i32 from vector<1xi32>
    %mul3A_180 = arith.constant 128 : i32
    %mul3A_181 = arith.muli %squeeze3A_179, %mul3A_180 : i32
    %dma_start3A_182 = arith.constant 0 : i32
    %dma_start3A_183 = arith.constant 1280 : i32
    %dma_start3A_184 = tpu.memref_slice %arg10[%dma_start3A_182, %dma_start3A_183] : memref<16x2048xf32, #tpu.memory_space<vmem>> -> memref<16x128xf32, #tpu.memory_space<vmem>>
    %dma_start3A_185 = arith.constant 0 : i32
    %dma_start3A_186 = tpu.memref_slice %arg2[%dma_start3A_185, %mul3A_181] : memref<16x1000000xf32, #tpu.memory_space<hbm>> -> memref<16x128xf32, #tpu.memory_space<hbm>>
    %dma_start3A_187 = arith.constant 0 : i32
    %dma_start3A_188 = arith.constant 1280 : i32
    %dma_start3A_189 = tpu.memref_slice %arg10[%dma_start3A_187, %dma_start3A_188] : memref<16x2048xf32, #tpu.memory_space<vmem>> -> memref<16x128xf32, #tpu.memory_space<vmem>>
    %dma_start3A_190 = arith.constant 0 : i32
    %dma_start3A_191 = tpu.memref_slice %arg2[%dma_start3A_190, %mul3A_181] : memref<16x1000000xf32, #tpu.memory_space<hbm>> -> memref<16x128xf32, #tpu.memory_space<hbm>>
    tpu.enqueue_dma source(%dma_start3A_191 : memref<16x128xf32, #tpu.memory_space<hbm>>) target(%dma_start3A_189 : memref<16x128xf32, #tpu.memory_space<vmem>>) target_semaphore(%arg17 : memref<!tpu.dma_semaphore, #tpu.memory_space<semaphore_mem>>)
    %slice3A_192 = vector.extract_strided_slice %shift_right_arithmetic3A_39 {offsets = [11], sizes = [1], strides = [1]} : vector<16xi32> to vector<1xi32>
    %squeeze3A_193 = vector.extract %slice3A_192[0] : i32 from vector<1xi32>
    %mul3A_194 = arith.constant 128 : i32
    %mul3A_195 = arith.muli %squeeze3A_193, %mul3A_194 : i32
    %dma_start3A_196 = arith.constant 0 : i32
    %dma_start3A_197 = arith.constant 1408 : i32
    %dma_start3A_198 = tpu.memref_slice %arg10[%dma_start3A_196, %dma_start3A_197] : memref<16x2048xf32, #tpu.memory_space<vmem>> -> memref<16x128xf32, #tpu.memory_space<vmem>>
    %dma_start3A_199 = arith.constant 0 : i32
    %dma_start3A_200 = tpu.memref_slice %arg2[%dma_start3A_199, %mul3A_195] : memref<16x1000000xf32, #tpu.memory_space<hbm>> -> memref<16x128xf32, #tpu.memory_space<hbm>>
    %dma_start3A_201 = arith.constant 0 : i32
    %dma_start3A_202 = arith.constant 1408 : i32
    %dma_start3A_203 = tpu.memref_slice %arg10[%dma_start3A_201, %dma_start3A_202] : memref<16x2048xf32, #tpu.memory_space<vmem>> -> memref<16x128xf32, #tpu.memory_space<vmem>>
    %dma_start3A_204 = arith.constant 0 : i32
    %dma_start3A_205 = tpu.memref_slice %arg2[%dma_start3A_204, %mul3A_195] : memref<16x1000000xf32, #tpu.memory_space<hbm>> -> memref<16x128xf32, #tpu.memory_space<hbm>>
    tpu.enqueue_dma source(%dma_start3A_205 : memref<16x128xf32, #tpu.memory_space<hbm>>) target(%dma_start3A_203 : memref<16x128xf32, #tpu.memory_space<vmem>>) target_semaphore(%arg17 : memref<!tpu.dma_semaphore, #tpu.memory_space<semaphore_mem>>)
    %slice3A_206 = vector.extract_strided_slice %shift_right_arithmetic3A_39 {offsets = [12], sizes = [1], strides = [1]} : vector<16xi32> to vector<1xi32>
    %squeeze3A_207 = vector.extract %slice3A_206[0] : i32 from vector<1xi32>
    %mul3A_208 = arith.constant 128 : i32
    %mul3A_209 = arith.muli %squeeze3A_207, %mul3A_208 : i32
    %dma_start3A_210 = arith.constant 0 : i32
    %dma_start3A_211 = arith.constant 1536 : i32
    %dma_start3A_212 = tpu.memref_slice %arg10[%dma_start3A_210, %dma_start3A_211] : memref<16x2048xf32, #tpu.memory_space<vmem>> -> memref<16x128xf32, #tpu.memory_space<vmem>>
    %dma_start3A_213 = arith.constant 0 : i32
    %dma_start3A_214 = tpu.memref_slice %arg2[%dma_start3A_213, %mul3A_209] : memref<16x1000000xf32, #tpu.memory_space<hbm>> -> memref<16x128xf32, #tpu.memory_space<hbm>>
    %dma_start3A_215 = arith.constant 0 : i32
    %dma_start3A_216 = arith.constant 1536 : i32
    %dma_start3A_217 = tpu.memref_slice %arg10[%dma_start3A_215, %dma_start3A_216] : memref<16x2048xf32, #tpu.memory_space<vmem>> -> memref<16x128xf32, #tpu.memory_space<vmem>>
    %dma_start3A_218 = arith.constant 0 : i32
    %dma_start3A_219 = tpu.memref_slice %arg2[%dma_start3A_218, %mul3A_209] : memref<16x1000000xf32, #tpu.memory_space<hbm>> -> memref<16x128xf32, #tpu.memory_space<hbm>>
    tpu.enqueue_dma source(%dma_start3A_219 : memref<16x128xf32, #tpu.memory_space<hbm>>) target(%dma_start3A_217 : memref<16x128xf32, #tpu.memory_space<vmem>>) target_semaphore(%arg17 : memref<!tpu.dma_semaphore, #tpu.memory_space<semaphore_mem>>)
    %slice3A_220 = vector.extract_strided_slice %shift_right_arithmetic3A_39 {offsets = [13], sizes = [1], strides = [1]} : vector<16xi32> to vector<1xi32>
    %squeeze3A_221 = vector.extract %slice3A_220[0] : i32 from vector<1xi32>
    %mul3A_222 = arith.constant 128 : i32
    %mul3A_223 = arith.muli %squeeze3A_221, %mul3A_222 : i32
    %dma_start3A_224 = arith.constant 0 : i32
    %dma_start3A_225 = arith.constant 1664 : i32
    %dma_start3A_226 = tpu.memref_slice %arg10[%dma_start3A_224, %dma_start3A_225] : memref<16x2048xf32, #tpu.memory_space<vmem>> -> memref<16x128xf32, #tpu.memory_space<vmem>>
    %dma_start3A_227 = arith.constant 0 : i32
    %dma_start3A_228 = tpu.memref_slice %arg2[%dma_start3A_227, %mul3A_223] : memref<16x1000000xf32, #tpu.memory_space<hbm>> -> memref<16x128xf32, #tpu.memory_space<hbm>>
    %dma_start3A_229 = arith.constant 0 : i32
    %dma_start3A_230 = arith.constant 1664 : i32
    %dma_start3A_231 = tpu.memref_slice %arg10[%dma_start3A_229, %dma_start3A_230] : memref<16x2048xf32, #tpu.memory_space<vmem>> -> memref<16x128xf32, #tpu.memory_space<vmem>>
    %dma_start3A_232 = arith.constant 0 : i32
    %dma_start3A_233 = tpu.memref_slice %arg2[%dma_start3A_232, %mul3A_223] : memref<16x1000000xf32, #tpu.memory_space<hbm>> -> memref<16x128xf32, #tpu.memory_space<hbm>>
    tpu.enqueue_dma source(%dma_start3A_233 : memref<16x128xf32, #tpu.memory_space<hbm>>) target(%dma_start3A_231 : memref<16x128xf32, #tpu.memory_space<vmem>>) target_semaphore(%arg17 : memref<!tpu.dma_semaphore, #tpu.memory_space<semaphore_mem>>)
    %slice3A_234 = vector.extract_strided_slice %shift_right_arithmetic3A_39 {offsets = [14], sizes = [1], strides = [1]} : vector<16xi32> to vector<1xi32>
    %squeeze3A_235 = vector.extract %slice3A_234[0] : i32 from vector<1xi32>
    %mul3A_236 = arith.constant 128 : i32
    %mul3A_237 = arith.muli %squeeze3A_235, %mul3A_236 : i32
    %dma_start3A_238 = arith.constant 0 : i32
    %dma_start3A_239 = arith.constant 1792 : i32
    %dma_start3A_240 = tpu.memref_slice %arg10[%dma_start3A_238, %dma_start3A_239] : memref<16x2048xf32, #tpu.memory_space<vmem>> -> memref<16x128xf32, #tpu.memory_space<vmem>>
    %dma_start3A_241 = arith.constant 0 : i32
    %dma_start3A_242 = tpu.memref_slice %arg2[%dma_start3A_241, %mul3A_237] : memref<16x1000000xf32, #tpu.memory_space<hbm>> -> memref<16x128xf32, #tpu.memory_space<hbm>>
    %dma_start3A_243 = arith.constant 0 : i32
    %dma_start3A_244 = arith.constant 1792 : i32
    %dma_start3A_245 = tpu.memref_slice %arg10[%dma_start3A_243, %dma_start3A_244] : memref<16x2048xf32, #tpu.memory_space<vmem>> -> memref<16x128xf32, #tpu.memory_space<vmem>>
    %dma_start3A_246 = arith.constant 0 : i32
    %dma_start3A_247 = tpu.memref_slice %arg2[%dma_start3A_246, %mul3A_237] : memref<16x1000000xf32, #tpu.memory_space<hbm>> -> memref<16x128xf32, #tpu.memory_space<hbm>>
    tpu.enqueue_dma source(%dma_start3A_247 : memref<16x128xf32, #tpu.memory_space<hbm>>) target(%dma_start3A_245 : memref<16x128xf32, #tpu.memory_space<vmem>>) target_semaphore(%arg17 : memref<!tpu.dma_semaphore, #tpu.memory_space<semaphore_mem>>)
    %slice3A_248 = vector.extract_strided_slice %shift_right_arithmetic3A_39 {offsets = [15], sizes = [1], strides = [1]} : vector<16xi32> to vector<1xi32>
    %squeeze3A_249 = vector.extract %slice3A_248[0] : i32 from vector<1xi32>
    %mul3A_250 = arith.constant 128 : i32
    %mul3A_251 = arith.muli %squeeze3A_249, %mul3A_250 : i32
    %dma_start3A_252 = arith.constant 0 : i32
    %dma_start3A_253 = arith.constant 1920 : i32
    %dma_start3A_254 = tpu.memref_slice %arg10[%dma_start3A_252, %dma_start3A_253] : memref<16x2048xf32, #tpu.memory_space<vmem>> -> memref<16x128xf32, #tpu.memory_space<vmem>>
    %dma_start3A_255 = arith.constant 0 : i32
    %dma_start3A_256 = tpu.memref_slice %arg2[%dma_start3A_255, %mul3A_251] : memref<16x1000000xf32, #tpu.memory_space<hbm>> -> memref<16x128xf32, #tpu.memory_space<hbm>>
    %dma_start3A_257 = arith.constant 0 : i32
    %dma_start3A_258 = arith.constant 1920 : i32
    %dma_start3A_259 = tpu.memref_slice %arg10[%dma_start3A_257, %dma_start3A_258] : memref<16x2048xf32, #tpu.memory_space<vmem>> -> memref<16x128xf32, #tpu.memory_space<vmem>>
    %dma_start3A_260 = arith.constant 0 : i32
    %dma_start3A_261 = tpu.memref_slice %arg2[%dma_start3A_260, %mul3A_251] : memref<16x1000000xf32, #tpu.memory_space<hbm>> -> memref<16x128xf32, #tpu.memory_space<hbm>>
    tpu.enqueue_dma source(%dma_start3A_261 : memref<16x128xf32, #tpu.memory_space<hbm>>) target(%dma_start3A_259 : memref<16x128xf32, #tpu.memory_space<vmem>>) target_semaphore(%arg17 : memref<!tpu.dma_semaphore, #tpu.memory_space<semaphore_mem>>)
    %scan3A = arith.constant 0 : i32
    %scan3A_262 = arith.constant 0 : i32
    %scan3A_263 = arith.constant 16 : i32
    %scan3A_264 = arith.addi %scan3A_262, %scan3A_263 : i32
    %scan3A_265 = arith.constant 1 : i32
    scf.for %scan3A_269 = %scan3A_262 to %scan3A_264 step %scan3A_265  : i32 {
      %mul3A_270 = arith.constant 2 : i32
      %mul3A_271 = arith.muli %scan3A_269, %mul3A_270 : i32
      %add3A_272 = arith.constant 1 : i32
      %add3A_273 = arith.addi %mul3A_271, %add3A_272 : i32
      %mul3A_274 = arith.constant 16 : i32
      %mul3A_275 = arith.muli %add3A_273, %mul3A_274 : i32
      %get3A_276 = arith.index_cast %mul3A_275 : i32 to index
      %get3A_277 = tpu.vector_load %arg9[%get3A_276] {strides = array<i32>} : memref<512xi32, #tpu.memory_space<vmem>>, vector<16xi32>,
      %shift_right_arithmetic3A_278 = arith.constant 3 : i32
      %shift_right_arithmetic3A_279 = vector.broadcast %shift_right_arithmetic3A_278 : i32 to vector<16xi32>
      %shift_right_arithmetic3A_280 = arith.shrsi %get3A_277, %shift_right_arithmetic3A_279 : vector<16xi32>
      %dma_start3A_281 = arith.constant 0 : i32
      %dma_start3A_282 = arith.constant 0 : i32
      %dma_start3A_283 = tpu.memref_slice %arg3[%dma_start3A_281, %dma_start3A_282] : memref<12500x128xf32, #tpu.memory_space<hbm>> -> memref<12500x128xf32, #tpu.memory_space<hbm>>
      tpu.enqueue_indirect_dma source(%dma_start3A_283 : memref<12500x128xf32, #tpu.memory_space<hbm>>) target(%arg13 : memref<16x128xf32, #tpu.memory_space<vmem>>) offsets(%shift_right_arithmetic3A_280 : vector<16xi32>) semaphore(%arg18 : memref<!tpu.dma_semaphore, #tpu.memory_space<semaphore_mem>>)
      %shift_right_arithmetic3A_284 = arith.constant 7 : i32
      %shift_right_arithmetic3A_285 = vector.broadcast %shift_right_arithmetic3A_284 : i32 to vector<16xi32>
      %shift_right_arithmetic3A_286 = arith.shrsi %get3A_277, %shift_right_arithmetic3A_285 : vector<16xi32>
      %dma_start3A_287 = arith.constant 0 : i32
      %dma_start3A_288 = arith.constant 0 : i32
      %dma_start3A_289 = tpu.memref_slice %arg4[%dma_start3A_287, %dma_start3A_288] : memref<782x128xf32, #tpu.memory_space<hbm>> -> memref<782x128xf32, #tpu.memory_space<hbm>>
      tpu.enqueue_indirect_dma source(%dma_start3A_289 : memref<782x128xf32, #tpu.memory_space<hbm>>) target(%arg15 : memref<16x128xf32, #tpu.memory_space<vmem>>) offsets(%shift_right_arithmetic3A_286 : vector<16xi32>) semaphore(%arg18 : memref<!tpu.dma_semaphore, #tpu.memory_space<semaphore_mem>>)
      %get3A_290 = arith.index_cast %mul3A_275 : i32 to index
      %get3A_291 = tpu.vector_load %arg8[%get3A_290] {strides = array<i32>} : memref<512xi32, #tpu.memory_space<vmem>>, vector<16xi32>,
      %shift_right_arithmetic3A_292 = arith.constant 7 : i32
      %shift_right_arithmetic3A_293 = vector.broadcast %shift_right_arithmetic3A_292 : i32 to vector<16xi32>
      %shift_right_arithmetic3A_294 = arith.shrsi %get3A_291, %shift_right_arithmetic3A_293 : vector<16xi32>
      %slice3A_295 = vector.extract_strided_slice %shift_right_arithmetic3A_294 {offsets = [0], sizes = [1], strides = [1]} : vector<16xi32> to vector<1xi32>
      %squeeze3A_296 = vector.extract %slice3A_295[0] : i32 from vector<1xi32>
      %mul3A_297 = arith.constant 128 : i32
      %mul3A_298 = arith.muli %squeeze3A_296, %mul3A_297 : i32
      %dma_start3A_299 = arith.constant 0 : i32
      %dma_start3A_300 = arith.constant 0 : i32
      %dma_start3A_301 = tpu.memref_slice %arg11[%dma_start3A_299, %dma_start3A_300] : memref<16x2048xf32, #tpu.memory_space<vmem>> -> memref<16x128xf32, #tpu.memory_space<vmem>>
      %dma_start3A_302 = arith.constant 0 : i32
      %dma_start3A_303 = tpu.memref_slice %arg2[%dma_start3A_302, %mul3A_298] : memref<16x1000000xf32, #tpu.memory_space<hbm>> -> memref<16x128xf32, #tpu.memory_space<hbm>>
      %dma_start3A_304 = arith.constant 0 : i32
      %dma_start3A_305 = arith.constant 0 : i32
      %dma_start3A_306 = tpu.memref_slice %arg11[%dma_start3A_304, %dma_start3A_305] : memref<16x2048xf32, #tpu.memory_space<vmem>> -> memref<16x128xf32, #tpu.memory_space<vmem>>
      %dma_start3A_307 = arith.constant 0 : i32
      %dma_start3A_308 = tpu.memref_slice %arg2[%dma_start3A_307, %mul3A_298] : memref<16x1000000xf32, #tpu.memory_space<hbm>> -> memref<16x128xf32, #tpu.memory_space<hbm>>
      tpu.enqueue_dma source(%dma_start3A_308 : memref<16x128xf32, #tpu.memory_space<hbm>>) target(%dma_start3A_306 : memref<16x128xf32, #tpu.memory_space<vmem>>) target_semaphore(%arg18 : memref<!tpu.dma_semaphore, #tpu.memory_space<semaphore_mem>>)
      %slice3A_309 = vector.extract_strided_slice %shift_right_arithmetic3A_294 {offsets = [1], sizes = [1], strides = [1]} : vector<16xi32> to vector<1xi32>
      %squeeze3A_310 = vector.extract %slice3A_309[0] : i32 from vector<1xi32>
      %mul3A_311 = arith.constant 128 : i32
      %mul3A_312 = arith.muli %squeeze3A_310, %mul3A_311 : i32
      %dma_start3A_313 = arith.constant 0 : i32
      %dma_start3A_314 = arith.constant 128 : i32
      %dma_start3A_315 = tpu.memref_slice %arg11[%dma_start3A_313, %dma_start3A_314] : memref<16x2048xf32, #tpu.memory_space<vmem>> -> memref<16x128xf32, #tpu.memory_space<vmem>>
      %dma_start3A_316 = arith.constant 0 : i32
      %dma_start3A_317 = tpu.memref_slice %arg2[%dma_start3A_316, %mul3A_312] : memref<16x1000000xf32, #tpu.memory_space<hbm>> -> memref<16x128xf32, #tpu.memory_space<hbm>>
      %dma_start3A_318 = arith.constant 0 : i32
      %dma_start3A_319 = arith.constant 128 : i32
      %dma_start3A_320 = tpu.memref_slice %arg11[%dma_start3A_318, %dma_start3A_319] : memref<16x2048xf32, #tpu.memory_space<vmem>> -> memref<16x128xf32, #tpu.memory_space<vmem>>
      %dma_start3A_321 = arith.constant 0 : i32
      %dma_start3A_322 = tpu.memref_slice %arg2[%dma_start3A_321, %mul3A_312] : memref<16x1000000xf32, #tpu.memory_space<hbm>> -> memref<16x128xf32, #tpu.memory_space<hbm>>
      tpu.enqueue_dma source(%dma_start3A_322 : memref<16x128xf32, #tpu.memory_space<hbm>>) target(%dma_start3A_320 : memref<16x128xf32, #tpu.memory_space<vmem>>) target_semaphore(%arg18 : memref<!tpu.dma_semaphore, #tpu.memory_space<semaphore_mem>>)
      %slice3A_323 = vector.extract_strided_slice %shift_right_arithmetic3A_294 {offsets = [2], sizes = [1], strides = [1]} : vector<16xi32> to vector<1xi32>
      %squeeze3A_324 = vector.extract %slice3A_323[0] : i32 from vector<1xi32>
      %mul3A_325 = arith.constant 128 : i32
      %mul3A_326 = arith.muli %squeeze3A_324, %mul3A_325 : i32
      %dma_start3A_327 = arith.constant 0 : i32
      %dma_start3A_328 = arith.constant 256 : i32
      %dma_start3A_329 = tpu.memref_slice %arg11[%dma_start3A_327, %dma_start3A_328] : memref<16x2048xf32, #tpu.memory_space<vmem>> -> memref<16x128xf32, #tpu.memory_space<vmem>>
      %dma_start3A_330 = arith.constant 0 : i32
      %dma_start3A_331 = tpu.memref_slice %arg2[%dma_start3A_330, %mul3A_326] : memref<16x1000000xf32, #tpu.memory_space<hbm>> -> memref<16x128xf32, #tpu.memory_space<hbm>>
      %dma_start3A_332 = arith.constant 0 : i32
      %dma_start3A_333 = arith.constant 256 : i32
      %dma_start3A_334 = tpu.memref_slice %arg11[%dma_start3A_332, %dma_start3A_333] : memref<16x2048xf32, #tpu.memory_space<vmem>> -> memref<16x128xf32, #tpu.memory_space<vmem>>
      %dma_start3A_335 = arith.constant 0 : i32
      %dma_start3A_336 = tpu.memref_slice %arg2[%dma_start3A_335, %mul3A_326] : memref<16x1000000xf32, #tpu.memory_space<hbm>> -> memref<16x128xf32, #tpu.memory_space<hbm>>
      tpu.enqueue_dma source(%dma_start3A_336 : memref<16x128xf32, #tpu.memory_space<hbm>>) target(%dma_start3A_334 : memref<16x128xf32, #tpu.memory_space<vmem>>) target_semaphore(%arg18 : memref<!tpu.dma_semaphore, #tpu.memory_space<semaphore_mem>>)
      %slice3A_337 = vector.extract_strided_slice %shift_right_arithmetic3A_294 {offsets = [3], sizes = [1], strides = [1]} : vector<16xi32> to vector<1xi32>
      %squeeze3A_338 = vector.extract %slice3A_337[0] : i32 from vector<1xi32>
      %mul3A_339 = arith.constant 128 : i32
      %mul3A_340 = arith.muli %squeeze3A_338, %mul3A_339 : i32
      %dma_start3A_341 = arith.constant 0 : i32
      %dma_start3A_342 = arith.constant 384 : i32
      %dma_start3A_343 = tpu.memref_slice %arg11[%dma_start3A_341, %dma_start3A_342] : memref<16x2048xf32, #tpu.memory_space<vmem>> -> memref<16x128xf32, #tpu.memory_space<vmem>>
      %dma_start3A_344 = arith.constant 0 : i32
      %dma_start3A_345 = tpu.memref_slice %arg2[%dma_start3A_344, %mul3A_340] : memref<16x1000000xf32, #tpu.memory_space<hbm>> -> memref<16x128xf32, #tpu.memory_space<hbm>>
      %dma_start3A_346 = arith.constant 0 : i32
      %dma_start3A_347 = arith.constant 384 : i32
      %dma_start3A_348 = tpu.memref_slice %arg11[%dma_start3A_346, %dma_start3A_347] : memref<16x2048xf32, #tpu.memory_space<vmem>> -> memref<16x128xf32, #tpu.memory_space<vmem>>
      %dma_start3A_349 = arith.constant 0 : i32
      %dma_start3A_350 = tpu.memref_slice %arg2[%dma_start3A_349, %mul3A_340] : memref<16x1000000xf32, #tpu.memory_space<hbm>> -> memref<16x128xf32, #tpu.memory_space<hbm>>
      tpu.enqueue_dma source(%dma_start3A_350 : memref<16x128xf32, #tpu.memory_space<hbm>>) target(%dma_start3A_348 : memref<16x128xf32, #tpu.memory_space<vmem>>) target_semaphore(%arg18 : memref<!tpu.dma_semaphore, #tpu.memory_space<semaphore_mem>>)
      %slice3A_351 = vector.extract_strided_slice %shift_right_arithmetic3A_294 {offsets = [4], sizes = [1], strides = [1]} : vector<16xi32> to vector<1xi32>
      %squeeze3A_352 = vector.extract %slice3A_351[0] : i32 from vector<1xi32>
      %mul3A_353 = arith.constant 128 : i32
      %mul3A_354 = arith.muli %squeeze3A_352, %mul3A_353 : i32
      %dma_start3A_355 = arith.constant 0 : i32
      %dma_start3A_356 = arith.constant 512 : i32
      %dma_start3A_357 = tpu.memref_slice %arg11[%dma_start3A_355, %dma_start3A_356] : memref<16x2048xf32, #tpu.memory_space<vmem>> -> memref<16x128xf32, #tpu.memory_space<vmem>>
      %dma_start3A_358 = arith.constant 0 : i32
      %dma_start3A_359 = tpu.memref_slice %arg2[%dma_start3A_358, %mul3A_354] : memref<16x1000000xf32, #tpu.memory_space<hbm>> -> memref<16x128xf32, #tpu.memory_space<hbm>>
      %dma_start3A_360 = arith.constant 0 : i32
      %dma_start3A_361 = arith.constant 512 : i32
      %dma_start3A_362 = tpu.memref_slice %arg11[%dma_start3A_360, %dma_start3A_361] : memref<16x2048xf32, #tpu.memory_space<vmem>> -> memref<16x128xf32, #tpu.memory_space<vmem>>
      %dma_start3A_363 = arith.constant 0 : i32
      %dma_start3A_364 = tpu.memref_slice %arg2[%dma_start3A_363, %mul3A_354] : memref<16x1000000xf32, #tpu.memory_space<hbm>> -> memref<16x128xf32, #tpu.memory_space<hbm>>
      tpu.enqueue_dma source(%dma_start3A_364 : memref<16x128xf32, #tpu.memory_space<hbm>>) target(%dma_start3A_362 : memref<16x128xf32, #tpu.memory_space<vmem>>) target_semaphore(%arg18 : memref<!tpu.dma_semaphore, #tpu.memory_space<semaphore_mem>>)
      %slice3A_365 = vector.extract_strided_slice %shift_right_arithmetic3A_294 {offsets = [5], sizes = [1], strides = [1]} : vector<16xi32> to vector<1xi32>
      %squeeze3A_366 = vector.extract %slice3A_365[0] : i32 from vector<1xi32>
      %mul3A_367 = arith.constant 128 : i32
      %mul3A_368 = arith.muli %squeeze3A_366, %mul3A_367 : i32
      %dma_start3A_369 = arith.constant 0 : i32
      %dma_start3A_370 = arith.constant 640 : i32
      %dma_start3A_371 = tpu.memref_slice %arg11[%dma_start3A_369, %dma_start3A_370] : memref<16x2048xf32, #tpu.memory_space<vmem>> -> memref<16x128xf32, #tpu.memory_space<vmem>>
      %dma_start3A_372 = arith.constant 0 : i32
      %dma_start3A_373 = tpu.memref_slice %arg2[%dma_start3A_372, %mul3A_368] : memref<16x1000000xf32, #tpu.memory_space<hbm>> -> memref<16x128xf32, #tpu.memory_space<hbm>>
      %dma_start3A_374 = arith.constant 0 : i32
      %dma_start3A_375 = arith.constant 640 : i32
      %dma_start3A_376 = tpu.memref_slice %arg11[%dma_start3A_374, %dma_start3A_375] : memref<16x2048xf32, #tpu.memory_space<vmem>> -> memref<16x128xf32, #tpu.memory_space<vmem>>
      %dma_start3A_377 = arith.constant 0 : i32
      %dma_start3A_378 = tpu.memref_slice %arg2[%dma_start3A_377, %mul3A_368] : memref<16x1000000xf32, #tpu.memory_space<hbm>> -> memref<16x128xf32, #tpu.memory_space<hbm>>
      tpu.enqueue_dma source(%dma_start3A_378 : memref<16x128xf32, #tpu.memory_space<hbm>>) target(%dma_start3A_376 : memref<16x128xf32, #tpu.memory_space<vmem>>) target_semaphore(%arg18 : memref<!tpu.dma_semaphore, #tpu.memory_space<semaphore_mem>>)
      %slice3A_379 = vector.extract_strided_slice %shift_right_arithmetic3A_294 {offsets = [6], sizes = [1], strides = [1]} : vector<16xi32> to vector<1xi32>
      %squeeze3A_380 = vector.extract %slice3A_379[0] : i32 from vector<1xi32>
      %mul3A_381 = arith.constant 128 : i32
      %mul3A_382 = arith.muli %squeeze3A_380, %mul3A_381 : i32
      %dma_start3A_383 = arith.constant 0 : i32
      %dma_start3A_384 = arith.constant 768 : i32
      %dma_start3A_385 = tpu.memref_slice %arg11[%dma_start3A_383, %dma_start3A_384] : memref<16x2048xf32, #tpu.memory_space<vmem>> -> memref<16x128xf32, #tpu.memory_space<vmem>>
      %dma_start3A_386 = arith.constant 0 : i32
      %dma_start3A_387 = tpu.memref_slice %arg2[%dma_start3A_386, %mul3A_382] : memref<16x1000000xf32, #tpu.memory_space<hbm>> -> memref<16x128xf32, #tpu.memory_space<hbm>>
      %dma_start3A_388 = arith.constant 0 : i32
      %dma_start3A_389 = arith.constant 768 : i32
      %dma_start3A_390 = tpu.memref_slice %arg11[%dma_start3A_388, %dma_start3A_389] : memref<16x2048xf32, #tpu.memory_space<vmem>> -> memref<16x128xf32, #tpu.memory_space<vmem>>
      %dma_start3A_391 = arith.constant 0 : i32
      %dma_start3A_392 = tpu.memref_slice %arg2[%dma_start3A_391, %mul3A_382] : memref<16x1000000xf32, #tpu.memory_space<hbm>> -> memref<16x128xf32, #tpu.memory_space<hbm>>
      tpu.enqueue_dma source(%dma_start3A_392 : memref<16x128xf32, #tpu.memory_space<hbm>>) target(%dma_start3A_390 : memref<16x128xf32, #tpu.memory_space<vmem>>) target_semaphore(%arg18 : memref<!tpu.dma_semaphore, #tpu.memory_space<semaphore_mem>>)
      %slice3A_393 = vector.extract_strided_slice %shift_right_arithmetic3A_294 {offsets = [7], sizes = [1], strides = [1]} : vector<16xi32> to vector<1xi32>
      %squeeze3A_394 = vector.extract %slice3A_393[0] : i32 from vector<1xi32>
      %mul3A_395 = arith.constant 128 : i32
      %mul3A_396 = arith.muli %squeeze3A_394, %mul3A_395 : i32
      %dma_start3A_397 = arith.constant 0 : i32
      %dma_start3A_398 = arith.constant 896 : i32
      %dma_start3A_399 = tpu.memref_slice %arg11[%dma_start3A_397, %dma_start3A_398] : memref<16x2048xf32, #tpu.memory_space<vmem>> -> memref<16x128xf32, #tpu.memory_space<vmem>>
      %dma_start3A_400 = arith.constant 0 : i32
      %dma_start3A_401 = tpu.memref_slice %arg2[%dma_start3A_400, %mul3A_396] : memref<16x1000000xf32, #tpu.memory_space<hbm>> -> memref<16x128xf32, #tpu.memory_space<hbm>>
      %dma_start3A_402 = arith.constant 0 : i32
      %dma_start3A_403 = arith.constant 896 : i32
      %dma_start3A_404 = tpu.memref_slice %arg11[%dma_start3A_402, %dma_start3A_403] : memref<16x2048xf32, #tpu.memory_space<vmem>> -> memref<16x128xf32, #tpu.memory_space<vmem>>
      %dma_start3A_405 = arith.constant 0 : i32
      %dma_start3A_406 = tpu.memref_slice %arg2[%dma_start3A_405, %mul3A_396] : memref<16x1000000xf32, #tpu.memory_space<hbm>> -> memref<16x128xf32, #tpu.memory_space<hbm>>
      tpu.enqueue_dma source(%dma_start3A_406 : memref<16x128xf32, #tpu.memory_space<hbm>>) target(%dma_start3A_404 : memref<16x128xf32, #tpu.memory_space<vmem>>) target_semaphore(%arg18 : memref<!tpu.dma_semaphore, #tpu.memory_space<semaphore_mem>>)
      %slice3A_407 = vector.extract_strided_slice %shift_right_arithmetic3A_294 {offsets = [8], sizes = [1], strides = [1]} : vector<16xi32> to vector<1xi32>
      %squeeze3A_408 = vector.extract %slice3A_407[0] : i32 from vector<1xi32>
      %mul3A_409 = arith.constant 128 : i32
      %mul3A_410 = arith.muli %squeeze3A_408, %mul3A_409 : i32
      %dma_start3A_411 = arith.constant 0 : i32
      %dma_start3A_412 = arith.constant 1024 : i32
      %dma_start3A_413 = tpu.memref_slice %arg11[%dma_start3A_411, %dma_start3A_412] : memref<16x2048xf32, #tpu.memory_space<vmem>> -> memref<16x128xf32, #tpu.memory_space<vmem>>
      %dma_start3A_414 = arith.constant 0 : i32
      %dma_start3A_415 = tpu.memref_slice %arg2[%dma_start3A_414, %mul3A_410] : memref<16x1000000xf32, #tpu.memory_space<hbm>> -> memref<16x128xf32, #tpu.memory_space<hbm>>
      %dma_start3A_416 = arith.constant 0 : i32
      %dma_start3A_417 = arith.constant 1024 : i32
      %dma_start3A_418 = tpu.memref_slice %arg11[%dma_start3A_416, %dma_start3A_417] : memref<16x2048xf32, #tpu.memory_space<vmem>> -> memref<16x128xf32, #tpu.memory_space<vmem>>
      %dma_start3A_419 = arith.constant 0 : i32
      %dma_start3A_420 = tpu.memref_slice %arg2[%dma_start3A_419, %mul3A_410] : memref<16x1000000xf32, #tpu.memory_space<hbm>> -> memref<16x128xf32, #tpu.memory_space<hbm>>
      tpu.enqueue_dma source(%dma_start3A_420 : memref<16x128xf32, #tpu.memory_space<hbm>>) target(%dma_start3A_418 : memref<16x128xf32, #tpu.memory_space<vmem>>) target_semaphore(%arg18 : memref<!tpu.dma_semaphore, #tpu.memory_space<semaphore_mem>>)
      %slice3A_421 = vector.extract_strided_slice %shift_right_arithmetic3A_294 {offsets = [9], sizes = [1], strides = [1]} : vector<16xi32> to vector<1xi32>
      %squeeze3A_422 = vector.extract %slice3A_421[0] : i32 from vector<1xi32>
      %mul3A_423 = arith.constant 128 : i32
      %mul3A_424 = arith.muli %squeeze3A_422, %mul3A_423 : i32
      %dma_start3A_425 = arith.constant 0 : i32
      %dma_start3A_426 = arith.constant 1152 : i32
      %dma_start3A_427 = tpu.memref_slice %arg11[%dma_start3A_425, %dma_start3A_426] : memref<16x2048xf32, #tpu.memory_space<vmem>> -> memref<16x128xf32, #tpu.memory_space<vmem>>
      %dma_start3A_428 = arith.constant 0 : i32
      %dma_start3A_429 = tpu.memref_slice %arg2[%dma_start3A_428, %mul3A_424] : memref<16x1000000xf32, #tpu.memory_space<hbm>> -> memref<16x128xf32, #tpu.memory_space<hbm>>
      %dma_start3A_430 = arith.constant 0 : i32
      %dma_start3A_431 = arith.constant 1152 : i32
      %dma_start3A_432 = tpu.memref_slice %arg11[%dma_start3A_430, %dma_start3A_431] : memref<16x2048xf32, #tpu.memory_space<vmem>> -> memref<16x128xf32, #tpu.memory_space<vmem>>
      %dma_start3A_433 = arith.constant 0 : i32
      %dma_start3A_434 = tpu.memref_slice %arg2[%dma_start3A_433, %mul3A_424] : memref<16x1000000xf32, #tpu.memory_space<hbm>> -> memref<16x128xf32, #tpu.memory_space<hbm>>
      tpu.enqueue_dma source(%dma_start3A_434 : memref<16x128xf32, #tpu.memory_space<hbm>>) target(%dma_start3A_432 : memref<16x128xf32, #tpu.memory_space<vmem>>) target_semaphore(%arg18 : memref<!tpu.dma_semaphore, #tpu.memory_space<semaphore_mem>>)
      %slice3A_435 = vector.extract_strided_slice %shift_right_arithmetic3A_294 {offsets = [10], sizes = [1], strides = [1]} : vector<16xi32> to vector<1xi32>
      %squeeze3A_436 = vector.extract %slice3A_435[0] : i32 from vector<1xi32>
      %mul3A_437 = arith.constant 128 : i32
      %mul3A_438 = arith.muli %squeeze3A_436, %mul3A_437 : i32
      %dma_start3A_439 = arith.constant 0 : i32
      %dma_start3A_440 = arith.constant 1280 : i32
      %dma_start3A_441 = tpu.memref_slice %arg11[%dma_start3A_439, %dma_start3A_440] : memref<16x2048xf32, #tpu.memory_space<vmem>> -> memref<16x128xf32, #tpu.memory_space<vmem>>
      %dma_start3A_442 = arith.constant 0 : i32
      %dma_start3A_443 = tpu.memref_slice %arg2[%dma_start3A_442, %mul3A_438] : memref<16x1000000xf32, #tpu.memory_space<hbm>> -> memref<16x128xf32, #tpu.memory_space<hbm>>
      %dma_start3A_444 = arith.constant 0 : i32
      %dma_start3A_445 = arith.constant 1280 : i32
      %dma_start3A_446 = tpu.memref_slice %arg11[%dma_start3A_444, %dma_start3A_445] : memref<16x2048xf32, #tpu.memory_space<vmem>> -> memref<16x128xf32, #tpu.memory_space<vmem>>
      %dma_start3A_447 = arith.constant 0 : i32
      %dma_start3A_448 = tpu.memref_slice %arg2[%dma_start3A_447, %mul3A_438] : memref<16x1000000xf32, #tpu.memory_space<hbm>> -> memref<16x128xf32, #tpu.memory_space<hbm>>
      tpu.enqueue_dma source(%dma_start3A_448 : memref<16x128xf32, #tpu.memory_space<hbm>>) target(%dma_start3A_446 : memref<16x128xf32, #tpu.memory_space<vmem>>) target_semaphore(%arg18 : memref<!tpu.dma_semaphore, #tpu.memory_space<semaphore_mem>>)
      %slice3A_449 = vector.extract_strided_slice %shift_right_arithmetic3A_294 {offsets = [11], sizes = [1], strides = [1]} : vector<16xi32> to vector<1xi32>
      %squeeze3A_450 = vector.extract %slice3A_449[0] : i32 from vector<1xi32>
      %mul3A_451 = arith.constant 128 : i32
      %mul3A_452 = arith.muli %squeeze3A_450, %mul3A_451 : i32
      %dma_start3A_453 = arith.constant 0 : i32
      %dma_start3A_454 = arith.constant 1408 : i32
      %dma_start3A_455 = tpu.memref_slice %arg11[%dma_start3A_453, %dma_start3A_454] : memref<16x2048xf32, #tpu.memory_space<vmem>> -> memref<16x128xf32, #tpu.memory_space<vmem>>
      %dma_start3A_456 = arith.constant 0 : i32
      %dma_start3A_457 = tpu.memref_slice %arg2[%dma_start3A_456, %mul3A_452] : memref<16x1000000xf32, #tpu.memory_space<hbm>> -> memref<16x128xf32, #tpu.memory_space<hbm>>
      %dma_start3A_458 = arith.constant 0 : i32
      %dma_start3A_459 = arith.constant 1408 : i32
      %dma_start3A_460 = tpu.memref_slice %arg11[%dma_start3A_458, %dma_start3A_459] : memref<16x2048xf32, #tpu.memory_space<vmem>> -> memref<16x128xf32, #tpu.memory_space<vmem>>
      %dma_start3A_461 = arith.constant 0 : i32
      %dma_start3A_462 = tpu.memref_slice %arg2[%dma_start3A_461, %mul3A_452] : memref<16x1000000xf32, #tpu.memory_space<hbm>> -> memref<16x128xf32, #tpu.memory_space<hbm>>
      tpu.enqueue_dma source(%dma_start3A_462 : memref<16x128xf32, #tpu.memory_space<hbm>>) target(%dma_start3A_460 : memref<16x128xf32, #tpu.memory_space<vmem>>) target_semaphore(%arg18 : memref<!tpu.dma_semaphore, #tpu.memory_space<semaphore_mem>>)
      %slice3A_463 = vector.extract_strided_slice %shift_right_arithmetic3A_294 {offsets = [12], sizes = [1], strides = [1]} : vector<16xi32> to vector<1xi32>
      %squeeze3A_464 = vector.extract %slice3A_463[0] : i32 from vector<1xi32>
      %mul3A_465 = arith.constant 128 : i32
      %mul3A_466 = arith.muli %squeeze3A_464, %mul3A_465 : i32
      %dma_start3A_467 = arith.constant 0 : i32
      %dma_start3A_468 = arith.constant 1536 : i32
      %dma_start3A_469 = tpu.memref_slice %arg11[%dma_start3A_467, %dma_start3A_468] : memref<16x2048xf32, #tpu.memory_space<vmem>> -> memref<16x128xf32, #tpu.memory_space<vmem>>
      %dma_start3A_470 = arith.constant 0 : i32
      %dma_start3A_471 = tpu.memref_slice %arg2[%dma_start3A_470, %mul3A_466] : memref<16x1000000xf32, #tpu.memory_space<hbm>> -> memref<16x128xf32, #tpu.memory_space<hbm>>
      %dma_start3A_472 = arith.constant 0 : i32
      %dma_start3A_473 = arith.constant 1536 : i32
      %dma_start3A_474 = tpu.memref_slice %arg11[%dma_start3A_472, %dma_start3A_473] : memref<16x2048xf32, #tpu.memory_space<vmem>> -> memref<16x128xf32, #tpu.memory_space<vmem>>
      %dma_start3A_475 = arith.constant 0 : i32
      %dma_start3A_476 = tpu.memref_slice %arg2[%dma_start3A_475, %mul3A_466] : memref<16x1000000xf32, #tpu.memory_space<hbm>> -> memref<16x128xf32, #tpu.memory_space<hbm>>
      tpu.enqueue_dma source(%dma_start3A_476 : memref<16x128xf32, #tpu.memory_space<hbm>>) target(%dma_start3A_474 : memref<16x128xf32, #tpu.memory_space<vmem>>) target_semaphore(%arg18 : memref<!tpu.dma_semaphore, #tpu.memory_space<semaphore_mem>>)
      %slice3A_477 = vector.extract_strided_slice %shift_right_arithmetic3A_294 {offsets = [13], sizes = [1], strides = [1]} : vector<16xi32> to vector<1xi32>
      %squeeze3A_478 = vector.extract %slice3A_477[0] : i32 from vector<1xi32>
      %mul3A_479 = arith.constant 128 : i32
      %mul3A_480 = arith.muli %squeeze3A_478, %mul3A_479 : i32
      %dma_start3A_481 = arith.constant 0 : i32
      %dma_start3A_482 = arith.constant 1664 : i32
      %dma_start3A_483 = tpu.memref_slice %arg11[%dma_start3A_481, %dma_start3A_482] : memref<16x2048xf32, #tpu.memory_space<vmem>> -> memref<16x128xf32, #tpu.memory_space<vmem>>
      %dma_start3A_484 = arith.constant 0 : i32
      %dma_start3A_485 = tpu.memref_slice %arg2[%dma_start3A_484, %mul3A_480] : memref<16x1000000xf32, #tpu.memory_space<hbm>> -> memref<16x128xf32, #tpu.memory_space<hbm>>
      %dma_start3A_486 = arith.constant 0 : i32
      %dma_start3A_487 = arith.constant 1664 : i32
      %dma_start3A_488 = tpu.memref_slice %arg11[%dma_start3A_486, %dma_start3A_487] : memref<16x2048xf32, #tpu.memory_space<vmem>> -> memref<16x128xf32, #tpu.memory_space<vmem>>
      %dma_start3A_489 = arith.constant 0 : i32
      %dma_start3A_490 = tpu.memref_slice %arg2[%dma_start3A_489, %mul3A_480] : memref<16x1000000xf32, #tpu.memory_space<hbm>> -> memref<16x128xf32, #tpu.memory_space<hbm>>
      tpu.enqueue_dma source(%dma_start3A_490 : memref<16x128xf32, #tpu.memory_space<hbm>>) target(%dma_start3A_488 : memref<16x128xf32, #tpu.memory_space<vmem>>) target_semaphore(%arg18 : memref<!tpu.dma_semaphore, #tpu.memory_space<semaphore_mem>>)
      %slice3A_491 = vector.extract_strided_slice %shift_right_arithmetic3A_294 {offsets = [14], sizes = [1], strides = [1]} : vector<16xi32> to vector<1xi32>
      %squeeze3A_492 = vector.extract %slice3A_491[0] : i32 from vector<1xi32>
      %mul3A_493 = arith.constant 128 : i32
      %mul3A_494 = arith.muli %squeeze3A_492, %mul3A_493 : i32
      %dma_start3A_495 = arith.constant 0 : i32
      %dma_start3A_496 = arith.constant 1792 : i32
      %dma_start3A_497 = tpu.memref_slice %arg11[%dma_start3A_495, %dma_start3A_496] : memref<16x2048xf32, #tpu.memory_space<vmem>> -> memref<16x128xf32, #tpu.memory_space<vmem>>
      %dma_start3A_498 = arith.constant 0 : i32
      %dma_start3A_499 = tpu.memref_slice %arg2[%dma_start3A_498, %mul3A_494] : memref<16x1000000xf32, #tpu.memory_space<hbm>> -> memref<16x128xf32, #tpu.memory_space<hbm>>
      %dma_start3A_500 = arith.constant 0 : i32
      %dma_start3A_501 = arith.constant 1792 : i32
      %dma_start3A_502 = tpu.memref_slice %arg11[%dma_start3A_500, %dma_start3A_501] : memref<16x2048xf32, #tpu.memory_space<vmem>> -> memref<16x128xf32, #tpu.memory_space<vmem>>
      %dma_start3A_503 = arith.constant 0 : i32
      %dma_start3A_504 = tpu.memref_slice %arg2[%dma_start3A_503, %mul3A_494] : memref<16x1000000xf32, #tpu.memory_space<hbm>> -> memref<16x128xf32, #tpu.memory_space<hbm>>
      tpu.enqueue_dma source(%dma_start3A_504 : memref<16x128xf32, #tpu.memory_space<hbm>>) target(%dma_start3A_502 : memref<16x128xf32, #tpu.memory_space<vmem>>) target_semaphore(%arg18 : memref<!tpu.dma_semaphore, #tpu.memory_space<semaphore_mem>>)
      %slice3A_505 = vector.extract_strided_slice %shift_right_arithmetic3A_294 {offsets = [15], sizes = [1], strides = [1]} : vector<16xi32> to vector<1xi32>
      %squeeze3A_506 = vector.extract %slice3A_505[0] : i32 from vector<1xi32>
      %mul3A_507 = arith.constant 128 : i32
      %mul3A_508 = arith.muli %squeeze3A_506, %mul3A_507 : i32
      %dma_start3A_509 = arith.constant 0 : i32
      %dma_start3A_510 = arith.constant 1920 : i32
      %dma_start3A_511 = tpu.memref_slice %arg11[%dma_start3A_509, %dma_start3A_510] : memref<16x2048xf32, #tpu.memory_space<vmem>> -> memref<16x128xf32, #tpu.memory_space<vmem>>
      %dma_start3A_512 = arith.constant 0 : i32
      %dma_start3A_513 = tpu.memref_slice %arg2[%dma_start3A_512, %mul3A_508] : memref<16x1000000xf32, #tpu.memory_space<hbm>> -> memref<16x128xf32, #tpu.memory_space<hbm>>
      %dma_start3A_514 = arith.constant 0 : i32
      %dma_start3A_515 = arith.constant 1920 : i32
      %dma_start3A_516 = tpu.memref_slice %arg11[%dma_start3A_514, %dma_start3A_515] : memref<16x2048xf32, #tpu.memory_space<vmem>> -> memref<16x128xf32, #tpu.memory_space<vmem>>
      %dma_start3A_517 = arith.constant 0 : i32
      %dma_start3A_518 = tpu.memref_slice %arg2[%dma_start3A_517, %mul3A_508] : memref<16x1000000xf32, #tpu.memory_space<hbm>> -> memref<16x128xf32, #tpu.memory_space<hbm>>
      tpu.enqueue_dma source(%dma_start3A_518 : memref<16x128xf32, #tpu.memory_space<hbm>>) target(%dma_start3A_516 : memref<16x128xf32, #tpu.memory_space<vmem>>) target_semaphore(%arg18 : memref<!tpu.dma_semaphore, #tpu.memory_space<semaphore_mem>>)
      %dma_wait3A_519 = arith.constant 0 : i32
      %dma_wait3A_520 = arith.constant 0 : i32
      %dma_wait3A_521 = tpu.memref_slice %arg3[%dma_wait3A_519, %dma_wait3A_520] : memref<12500x128xf32, #tpu.memory_space<hbm>> -> memref<16x128xf32, #tpu.memory_space<hbm>>
      %dma_wait3A_522 = arith.constant 0 : i32
      %dma_wait3A_523 = arith.constant 0 : i32
      %dma_wait3A_524 = tpu.memref_slice %arg3[%dma_wait3A_522, %dma_wait3A_523] : memref<12500x128xf32, #tpu.memory_space<hbm>> -> memref<16x128xf32, #tpu.memory_space<hbm>>
      tpu.wait_dma2 semaphore(%arg17 : memref<!tpu.dma_semaphore, #tpu.memory_space<semaphore_mem>>) src(%dma_wait3A_524 : memref<16x128xf32, #tpu.memory_space<hbm>>) dst(%arg12 : memref<16x128xf32, #tpu.memory_space<vmem>>)
      %dma_wait3A_525 = arith.constant 0 : i32
      %dma_wait3A_526 = arith.constant 0 : i32
      %dma_wait3A_527 = tpu.memref_slice %arg4[%dma_wait3A_525, %dma_wait3A_526] : memref<782x128xf32, #tpu.memory_space<hbm>> -> memref<16x128xf32, #tpu.memory_space<hbm>>
      %dma_wait3A_528 = arith.constant 0 : i32
      %dma_wait3A_529 = arith.constant 0 : i32
      %dma_wait3A_530 = tpu.memref_slice %arg4[%dma_wait3A_528, %dma_wait3A_529] : memref<782x128xf32, #tpu.memory_space<hbm>> -> memref<16x128xf32, #tpu.memory_space<hbm>>
      tpu.wait_dma2 semaphore(%arg17 : memref<!tpu.dma_semaphore, #tpu.memory_space<semaphore_mem>>) src(%dma_wait3A_530 : memref<16x128xf32, #tpu.memory_space<hbm>>) dst(%arg14 : memref<16x128xf32, #tpu.memory_space<vmem>>)
      %dma_wait3A_531 = arith.constant 0 : i32
      %dma_wait3A_532 = arith.constant 0 : i32
      %dma_wait3A_533 = tpu.memref_slice %arg10[%dma_wait3A_531, %dma_wait3A_532] : memref<16x2048xf32, #tpu.memory_space<vmem>> -> memref<16x128xf32, #tpu.memory_space<vmem>>
      %dma_wait3A_534 = arith.constant 0 : i32
      %dma_wait3A_535 = arith.constant 0 : i32
      %dma_wait3A_536 = tpu.memref_slice %arg2[%dma_wait3A_534, %dma_wait3A_535] : memref<16x1000000xf32, #tpu.memory_space<hbm>> -> memref<16x128xf32, #tpu.memory_space<hbm>>
      %dma_wait3A_537 = arith.constant 0 : i32
      %dma_wait3A_538 = arith.constant 0 : i32
      %dma_wait3A_539 = tpu.memref_slice %arg10[%dma_wait3A_537, %dma_wait3A_538] : memref<16x2048xf32, #tpu.memory_space<vmem>> -> memref<16x128xf32, #tpu.memory_space<vmem>>
      %dma_wait3A_540 = arith.constant 0 : i32
      %dma_wait3A_541 = arith.constant 0 : i32
      %dma_wait3A_542 = tpu.memref_slice %arg2[%dma_wait3A_540, %dma_wait3A_541] : memref<16x1000000xf32, #tpu.memory_space<hbm>> -> memref<16x128xf32, #tpu.memory_space<hbm>>
      tpu.wait_dma2 semaphore(%arg17 : memref<!tpu.dma_semaphore, #tpu.memory_space<semaphore_mem>>) src(%dma_wait3A_542 : memref<16x128xf32, #tpu.memory_space<hbm>>) dst(%dma_wait3A_539 : memref<16x128xf32, #tpu.memory_space<vmem>>)
      %dma_wait3A_543 = arith.constant 0 : i32
      %dma_wait3A_544 = arith.constant 128 : i32
      %dma_wait3A_545 = tpu.memref_slice %arg10[%dma_wait3A_543, %dma_wait3A_544] : memref<16x2048xf32, #tpu.memory_space<vmem>> -> memref<16x128xf32, #tpu.memory_space<vmem>>
      %dma_wait3A_546 = arith.constant 0 : i32
      %dma_wait3A_547 = arith.constant 0 : i32
      %dma_wait3A_548 = tpu.memref_slice %arg2[%dma_wait3A_546, %dma_wait3A_547] : memref<16x1000000xf32, #tpu.memory_space<hbm>> -> memref<16x128xf32, #tpu.memory_space<hbm>>
      %dma_wait3A_549 = arith.constant 0 : i32
      %dma_wait3A_550 = arith.constant 128 : i32
      %dma_wait3A_551 = tpu.memref_slice %arg10[%dma_wait3A_549, %dma_wait3A_550] : memref<16x2048xf32, #tpu.memory_space<vmem>> -> memref<16x128xf32, #tpu.memory_space<vmem>>
      %dma_wait3A_552 = arith.constant 0 : i32
      %dma_wait3A_553 = arith.constant 0 : i32
      %dma_wait3A_554 = tpu.memref_slice %arg2[%dma_wait3A_552, %dma_wait3A_553] : memref<16x1000000xf32, #tpu.memory_space<hbm>> -> memref<16x128xf32, #tpu.memory_space<hbm>>
      tpu.wait_dma2 semaphore(%arg17 : memref<!tpu.dma_semaphore, #tpu.memory_space<semaphore_mem>>) src(%dma_wait3A_554 : memref<16x128xf32, #tpu.memory_space<hbm>>) dst(%dma_wait3A_551 : memref<16x128xf32, #tpu.memory_space<vmem>>)
      %dma_wait3A_555 = arith.constant 0 : i32
      %dma_wait3A_556 = arith.constant 256 : i32
      %dma_wait3A_557 = tpu.memref_slice %arg10[%dma_wait3A_555, %dma_wait3A_556] : memref<16x2048xf32, #tpu.memory_space<vmem>> -> memref<16x128xf32, #tpu.memory_space<vmem>>
      %dma_wait3A_558 = arith.constant 0 : i32
      %dma_wait3A_559 = arith.constant 0 : i32
      %dma_wait3A_560 = tpu.memref_slice %arg2[%dma_wait3A_558, %dma_wait3A_559] : memref<16x1000000xf32, #tpu.memory_space<hbm>> -> memref<16x128xf32, #tpu.memory_space<hbm>>
      %dma_wait3A_561 = arith.constant 0 : i32
      %dma_wait3A_562 = arith.constant 256 : i32
      %dma_wait3A_563 = tpu.memref_slice %arg10[%dma_wait3A_561, %dma_wait3A_562] : memref<16x2048xf32, #tpu.memory_space<vmem>> -> memref<16x128xf32, #tpu.memory_space<vmem>>
      %dma_wait3A_564 = arith.constant 0 : i32
      %dma_wait3A_565 = arith.constant 0 : i32
      %dma_wait3A_566 = tpu.memref_slice %arg2[%dma_wait3A_564, %dma_wait3A_565] : memref<16x1000000xf32, #tpu.memory_space<hbm>> -> memref<16x128xf32, #tpu.memory_space<hbm>>
      tpu.wait_dma2 semaphore(%arg17 : memref<!tpu.dma_semaphore, #tpu.memory_space<semaphore_mem>>) src(%dma_wait3A_566 : memref<16x128xf32, #tpu.memory_space<hbm>>) dst(%dma_wait3A_563 : memref<16x128xf32, #tpu.memory_space<vmem>>)
      %dma_wait3A_567 = arith.constant 0 : i32
      %dma_wait3A_568 = arith.constant 384 : i32
      %dma_wait3A_569 = tpu.memref_slice %arg10[%dma_wait3A_567, %dma_wait3A_568] : memref<16x2048xf32, #tpu.memory_space<vmem>> -> memref<16x128xf32, #tpu.memory_space<vmem>>
      %dma_wait3A_570 = arith.constant 0 : i32
      %dma_wait3A_571 = arith.constant 0 : i32
      %dma_wait3A_572 = tpu.memref_slice %arg2[%dma_wait3A_570, %dma_wait3A_571] : memref<16x1000000xf32, #tpu.memory_space<hbm>> -> memref<16x128xf32, #tpu.memory_space<hbm>>
      %dma_wait3A_573 = arith.constant 0 : i32
      %dma_wait3A_574 = arith.constant 384 : i32
      %dma_wait3A_575 = tpu.memref_slice %arg10[%dma_wait3A_573, %dma_wait3A_574] : memref<16x2048xf32, #tpu.memory_space<vmem>> -> memref<16x128xf32, #tpu.memory_space<vmem>>
      %dma_wait3A_576 = arith.constant 0 : i32
      %dma_wait3A_577 = arith.constant 0 : i32
      %dma_wait3A_578 = tpu.memref_slice %arg2[%dma_wait3A_576, %dma_wait3A_577] : memref<16x1000000xf32, #tpu.memory_space<hbm>> -> memref<16x128xf32, #tpu.memory_space<hbm>>
      tpu.wait_dma2 semaphore(%arg17 : memref<!tpu.dma_semaphore, #tpu.memory_space<semaphore_mem>>) src(%dma_wait3A_578 : memref<16x128xf32, #tpu.memory_space<hbm>>) dst(%dma_wait3A_575 : memref<16x128xf32, #tpu.memory_space<vmem>>)
      %dma_wait3A_579 = arith.constant 0 : i32
      %dma_wait3A_580 = arith.constant 512 : i32
      %dma_wait3A_581 = tpu.memref_slice %arg10[%dma_wait3A_579, %dma_wait3A_580] : memref<16x2048xf32, #tpu.memory_space<vmem>> -> memref<16x128xf32, #tpu.memory_space<vmem>>
      %dma_wait3A_582 = arith.constant 0 : i32
      %dma_wait3A_583 = arith.constant 0 : i32
      %dma_wait3A_584 = tpu.memref_slice %arg2[%dma_wait3A_582, %dma_wait3A_583] : memref<16x1000000xf32, #tpu.memory_space<hbm>> -> memref<16x128xf32, #tpu.memory_space<hbm>>
      %dma_wait3A_585 = arith.constant 0 : i32
      %dma_wait3A_586 = arith.constant 512 : i32
      %dma_wait3A_587 = tpu.memref_slice %arg10[%dma_wait3A_585, %dma_wait3A_586] : memref<16x2048xf32, #tpu.memory_space<vmem>> -> memref<16x128xf32, #tpu.memory_space<vmem>>
      %dma_wait3A_588 = arith.constant 0 : i32
      %dma_wait3A_589 = arith.constant 0 : i32
      %dma_wait3A_590 = tpu.memref_slice %arg2[%dma_wait3A_588, %dma_wait3A_589] : memref<16x1000000xf32, #tpu.memory_space<hbm>> -> memref<16x128xf32, #tpu.memory_space<hbm>>
      tpu.wait_dma2 semaphore(%arg17 : memref<!tpu.dma_semaphore, #tpu.memory_space<semaphore_mem>>) src(%dma_wait3A_590 : memref<16x128xf32, #tpu.memory_space<hbm>>) dst(%dma_wait3A_587 : memref<16x128xf32, #tpu.memory_space<vmem>>)
      %dma_wait3A_591 = arith.constant 0 : i32
      %dma_wait3A_592 = arith.constant 640 : i32
      %dma_wait3A_593 = tpu.memref_slice %arg10[%dma_wait3A_591, %dma_wait3A_592] : memref<16x2048xf32, #tpu.memory_space<vmem>> -> memref<16x128xf32, #tpu.memory_space<vmem>>
      %dma_wait3A_594 = arith.constant 0 : i32
      %dma_wait3A_595 = arith.constant 0 : i32
      %dma_wait3A_596 = tpu.memref_slice %arg2[%dma_wait3A_594, %dma_wait3A_595] : memref<16x1000000xf32, #tpu.memory_space<hbm>> -> memref<16x128xf32, #tpu.memory_space<hbm>>
      %dma_wait3A_597 = arith.constant 0 : i32
      %dma_wait3A_598 = arith.constant 640 : i32
      %dma_wait3A_599 = tpu.memref_slice %arg10[%dma_wait3A_597, %dma_wait3A_598] : memref<16x2048xf32, #tpu.memory_space<vmem>> -> memref<16x128xf32, #tpu.memory_space<vmem>>
      %dma_wait3A_600 = arith.constant 0 : i32
      %dma_wait3A_601 = arith.constant 0 : i32
      %dma_wait3A_602 = tpu.memref_slice %arg2[%dma_wait3A_600, %dma_wait3A_601] : memref<16x1000000xf32, #tpu.memory_space<hbm>> -> memref<16x128xf32, #tpu.memory_space<hbm>>
      tpu.wait_dma2 semaphore(%arg17 : memref<!tpu.dma_semaphore, #tpu.memory_space<semaphore_mem>>) src(%dma_wait3A_602 : memref<16x128xf32, #tpu.memory_space<hbm>>) dst(%dma_wait3A_599 : memref<16x128xf32, #tpu.memory_space<vmem>>)
      %dma_wait3A_603 = arith.constant 0 : i32
      %dma_wait3A_604 = arith.constant 768 : i32
      %dma_wait3A_605 = tpu.memref_slice %arg10[%dma_wait3A_603, %dma_wait3A_604] : memref<16x2048xf32, #tpu.memory_space<vmem>> -> memref<16x128xf32, #tpu.memory_space<vmem>>
      %dma_wait3A_606 = arith.constant 0 : i32
      %dma_wait3A_607 = arith.constant 0 : i32
      %dma_wait3A_608 = tpu.memref_slice %arg2[%dma_wait3A_606, %dma_wait3A_607] : memref<16x1000000xf32, #tpu.memory_space<hbm>> -> memref<16x128xf32, #tpu.memory_space<hbm>>
      %dma_wait3A_609 = arith.constant 0 : i32
      %dma_wait3A_610 = arith.constant 768 : i32
      %dma_wait3A_611 = tpu.memref_slice %arg10[%dma_wait3A_609, %dma_wait3A_610] : memref<16x2048xf32, #tpu.memory_space<vmem>> -> memref<16x128xf32, #tpu.memory_space<vmem>>
      %dma_wait3A_612 = arith.constant 0 : i32
      %dma_wait3A_613 = arith.constant 0 : i32
      %dma_wait3A_614 = tpu.memref_slice %arg2[%dma_wait3A_612, %dma_wait3A_613] : memref<16x1000000xf32, #tpu.memory_space<hbm>> -> memref<16x128xf32, #tpu.memory_space<hbm>>
      tpu.wait_dma2 semaphore(%arg17 : memref<!tpu.dma_semaphore, #tpu.memory_space<semaphore_mem>>) src(%dma_wait3A_614 : memref<16x128xf32, #tpu.memory_space<hbm>>) dst(%dma_wait3A_611 : memref<16x128xf32, #tpu.memory_space<vmem>>)
      %dma_wait3A_615 = arith.constant 0 : i32
      %dma_wait3A_616 = arith.constant 896 : i32
      %dma_wait3A_617 = tpu.memref_slice %arg10[%dma_wait3A_615, %dma_wait3A_616] : memref<16x2048xf32, #tpu.memory_space<vmem>> -> memref<16x128xf32, #tpu.memory_space<vmem>>
      %dma_wait3A_618 = arith.constant 0 : i32
      %dma_wait3A_619 = arith.constant 0 : i32
      %dma_wait3A_620 = tpu.memref_slice %arg2[%dma_wait3A_618, %dma_wait3A_619] : memref<16x1000000xf32, #tpu.memory_space<hbm>> -> memref<16x128xf32, #tpu.memory_space<hbm>>
      %dma_wait3A_621 = arith.constant 0 : i32
      %dma_wait3A_622 = arith.constant 896 : i32
      %dma_wait3A_623 = tpu.memref_slice %arg10[%dma_wait3A_621, %dma_wait3A_622] : memref<16x2048xf32, #tpu.memory_space<vmem>> -> memref<16x128xf32, #tpu.memory_space<vmem>>
      %dma_wait3A_624 = arith.constant 0 : i32
      %dma_wait3A_625 = arith.constant 0 : i32
      %dma_wait3A_626 = tpu.memref_slice %arg2[%dma_wait3A_624, %dma_wait3A_625] : memref<16x1000000xf32, #tpu.memory_space<hbm>> -> memref<16x128xf32, #tpu.memory_space<hbm>>
      tpu.wait_dma2 semaphore(%arg17 : memref<!tpu.dma_semaphore, #tpu.memory_space<semaphore_mem>>) src(%dma_wait3A_626 : memref<16x128xf32, #tpu.memory_space<hbm>>) dst(%dma_wait3A_623 : memref<16x128xf32, #tpu.memory_space<vmem>>)
      %dma_wait3A_627 = arith.constant 0 : i32
      %dma_wait3A_628 = arith.constant 1024 : i32
      %dma_wait3A_629 = tpu.memref_slice %arg10[%dma_wait3A_627, %dma_wait3A_628] : memref<16x2048xf32, #tpu.memory_space<vmem>> -> memref<16x128xf32, #tpu.memory_space<vmem>>
      %dma_wait3A_630 = arith.constant 0 : i32
      %dma_wait3A_631 = arith.constant 0 : i32
      %dma_wait3A_632 = tpu.memref_slice %arg2[%dma_wait3A_630, %dma_wait3A_631] : memref<16x1000000xf32, #tpu.memory_space<hbm>> -> memref<16x128xf32, #tpu.memory_space<hbm>>
      %dma_wait3A_633 = arith.constant 0 : i32
      %dma_wait3A_634 = arith.constant 1024 : i32
      %dma_wait3A_635 = tpu.memref_slice %arg10[%dma_wait3A_633, %dma_wait3A_634] : memref<16x2048xf32, #tpu.memory_space<vmem>> -> memref<16x128xf32, #tpu.memory_space<vmem>>
      %dma_wait3A_636 = arith.constant 0 : i32
      %dma_wait3A_637 = arith.constant 0 : i32
      %dma_wait3A_638 = tpu.memref_slice %arg2[%dma_wait3A_636, %dma_wait3A_637] : memref<16x1000000xf32, #tpu.memory_space<hbm>> -> memref<16x128xf32, #tpu.memory_space<hbm>>
      tpu.wait_dma2 semaphore(%arg17 : memref<!tpu.dma_semaphore, #tpu.memory_space<semaphore_mem>>) src(%dma_wait3A_638 : memref<16x128xf32, #tpu.memory_space<hbm>>) dst(%dma_wait3A_635 : memref<16x128xf32, #tpu.memory_space<vmem>>)
      %dma_wait3A_639 = arith.constant 0 : i32
      %dma_wait3A_640 = arith.constant 1152 : i32
      %dma_wait3A_641 = tpu.memref_slice %arg10[%dma_wait3A_639, %dma_wait3A_640] : memref<16x2048xf32, #tpu.memory_space<vmem>> -> memref<16x128xf32, #tpu.memory_space<vmem>>
      %dma_wait3A_642 = arith.constant 0 : i32
      %dma_wait3A_643 = arith.constant 0 : i32
      %dma_wait3A_644 = tpu.memref_slice %arg2[%dma_wait3A_642, %dma_wait3A_643] : memref<16x1000000xf32, #tpu.memory_space<hbm>> -> memref<16x128xf32, #tpu.memory_space<hbm>>
      %dma_wait3A_645 = arith.constant 0 : i32
      %dma_wait3A_646 = arith.constant 1152 : i32
      %dma_wait3A_647 = tpu.memref_slice %arg10[%dma_wait3A_645, %dma_wait3A_646] : memref<16x2048xf32, #tpu.memory_space<vmem>> -> memref<16x128xf32, #tpu.memory_space<vmem>>
      %dma_wait3A_648 = arith.constant 0 : i32
      %dma_wait3A_649 = arith.constant 0 : i32
      %dma_wait3A_650 = tpu.memref_slice %arg2[%dma_wait3A_648, %dma_wait3A_649] : memref<16x1000000xf32, #tpu.memory_space<hbm>> -> memref<16x128xf32, #tpu.memory_space<hbm>>
      tpu.wait_dma2 semaphore(%arg17 : memref<!tpu.dma_semaphore, #tpu.memory_space<semaphore_mem>>) src(%dma_wait3A_650 : memref<16x128xf32, #tpu.memory_space<hbm>>) dst(%dma_wait3A_647 : memref<16x128xf32, #tpu.memory_space<vmem>>)
      %dma_wait3A_651 = arith.constant 0 : i32
      %dma_wait3A_652 = arith.constant 1280 : i32
      %dma_wait3A_653 = tpu.memref_slice %arg10[%dma_wait3A_651, %dma_wait3A_652] : memref<16x2048xf32, #tpu.memory_space<vmem>> -> memref<16x128xf32, #tpu.memory_space<vmem>>
      %dma_wait3A_654 = arith.constant 0 : i32
      %dma_wait3A_655 = arith.constant 0 : i32
      %dma_wait3A_656 = tpu.memref_slice %arg2[%dma_wait3A_654, %dma_wait3A_655] : memref<16x1000000xf32, #tpu.memory_space<hbm>> -> memref<16x128xf32, #tpu.memory_space<hbm>>
      %dma_wait3A_657 = arith.constant 0 : i32
      %dma_wait3A_658 = arith.constant 1280 : i32
      %dma_wait3A_659 = tpu.memref_slice %arg10[%dma_wait3A_657, %dma_wait3A_658] : memref<16x2048xf32, #tpu.memory_space<vmem>> -> memref<16x128xf32, #tpu.memory_space<vmem>>
      %dma_wait3A_660 = arith.constant 0 : i32
      %dma_wait3A_661 = arith.constant 0 : i32
      %dma_wait3A_662 = tpu.memref_slice %arg2[%dma_wait3A_660, %dma_wait3A_661] : memref<16x1000000xf32, #tpu.memory_space<hbm>> -> memref<16x128xf32, #tpu.memory_space<hbm>>
      tpu.wait_dma2 semaphore(%arg17 : memref<!tpu.dma_semaphore, #tpu.memory_space<semaphore_mem>>) src(%dma_wait3A_662 : memref<16x128xf32, #tpu.memory_space<hbm>>) dst(%dma_wait3A_659 : memref<16x128xf32, #tpu.memory_space<vmem>>)
      %dma_wait3A_663 = arith.constant 0 : i32
      %dma_wait3A_664 = arith.constant 1408 : i32
      %dma_wait3A_665 = tpu.memref_slice %arg10[%dma_wait3A_663, %dma_wait3A_664] : memref<16x2048xf32, #tpu.memory_space<vmem>> -> memref<16x128xf32, #tpu.memory_space<vmem>>
      %dma_wait3A_666 = arith.constant 0 : i32
      %dma_wait3A_667 = arith.constant 0 : i32
      %dma_wait3A_668 = tpu.memref_slice %arg2[%dma_wait3A_666, %dma_wait3A_667] : memref<16x1000000xf32, #tpu.memory_space<hbm>> -> memref<16x128xf32, #tpu.memory_space<hbm>>
      %dma_wait3A_669 = arith.constant 0 : i32
      %dma_wait3A_670 = arith.constant 1408 : i32
      %dma_wait3A_671 = tpu.memref_slice %arg10[%dma_wait3A_669, %dma_wait3A_670] : memref<16x2048xf32, #tpu.memory_space<vmem>> -> memref<16x128xf32, #tpu.memory_space<vmem>>
      %dma_wait3A_672 = arith.constant 0 : i32
      %dma_wait3A_673 = arith.constant 0 : i32
      %dma_wait3A_674 = tpu.memref_slice %arg2[%dma_wait3A_672, %dma_wait3A_673] : memref<16x1000000xf32, #tpu.memory_space<hbm>> -> memref<16x128xf32, #tpu.memory_space<hbm>>
      tpu.wait_dma2 semaphore(%arg17 : memref<!tpu.dma_semaphore, #tpu.memory_space<semaphore_mem>>) src(%dma_wait3A_674 : memref<16x128xf32, #tpu.memory_space<hbm>>) dst(%dma_wait3A_671 : memref<16x128xf32, #tpu.memory_space<vmem>>)
      %dma_wait3A_675 = arith.constant 0 : i32
      %dma_wait3A_676 = arith.constant 1536 : i32
      %dma_wait3A_677 = tpu.memref_slice %arg10[%dma_wait3A_675, %dma_wait3A_676] : memref<16x2048xf32, #tpu.memory_space<vmem>> -> memref<16x128xf32, #tpu.memory_space<vmem>>
      %dma_wait3A_678 = arith.constant 0 : i32
      %dma_wait3A_679 = arith.constant 0 : i32
      %dma_wait3A_680 = tpu.memref_slice %arg2[%dma_wait3A_678, %dma_wait3A_679] : memref<16x1000000xf32, #tpu.memory_space<hbm>> -> memref<16x128xf32, #tpu.memory_space<hbm>>
      %dma_wait3A_681 = arith.constant 0 : i32
      %dma_wait3A_682 = arith.constant 1536 : i32
      %dma_wait3A_683 = tpu.memref_slice %arg10[%dma_wait3A_681, %dma_wait3A_682] : memref<16x2048xf32, #tpu.memory_space<vmem>> -> memref<16x128xf32, #tpu.memory_space<vmem>>
      %dma_wait3A_684 = arith.constant 0 : i32
      %dma_wait3A_685 = arith.constant 0 : i32
      %dma_wait3A_686 = tpu.memref_slice %arg2[%dma_wait3A_684, %dma_wait3A_685] : memref<16x1000000xf32, #tpu.memory_space<hbm>> -> memref<16x128xf32, #tpu.memory_space<hbm>>
      tpu.wait_dma2 semaphore(%arg17 : memref<!tpu.dma_semaphore, #tpu.memory_space<semaphore_mem>>) src(%dma_wait3A_686 : memref<16x128xf32, #tpu.memory_space<hbm>>) dst(%dma_wait3A_683 : memref<16x128xf32, #tpu.memory_space<vmem>>)
      %dma_wait3A_687 = arith.constant 0 : i32
      %dma_wait3A_688 = arith.constant 1664 : i32
      %dma_wait3A_689 = tpu.memref_slice %arg10[%dma_wait3A_687, %dma_wait3A_688] : memref<16x2048xf32, #tpu.memory_space<vmem>> -> memref<16x128xf32, #tpu.memory_space<vmem>>
      %dma_wait3A_690 = arith.constant 0 : i32
      %dma_wait3A_691 = arith.constant 0 : i32
      %dma_wait3A_692 = tpu.memref_slice %arg2[%dma_wait3A_690, %dma_wait3A_691] : memref<16x1000000xf32, #tpu.memory_space<hbm>> -> memref<16x128xf32, #tpu.memory_space<hbm>>
      %dma_wait3A_693 = arith.constant 0 : i32
      %dma_wait3A_694 = arith.constant 1664 : i32
      %dma_wait3A_695 = tpu.memref_slice %arg10[%dma_wait3A_693, %dma_wait3A_694] : memref<16x2048xf32, #tpu.memory_space<vmem>> -> memref<16x128xf32, #tpu.memory_space<vmem>>
      %dma_wait3A_696 = arith.constant 0 : i32
      %dma_wait3A_697 = arith.constant 0 : i32
      %dma_wait3A_698 = tpu.memref_slice %arg2[%dma_wait3A_696, %dma_wait3A_697] : memref<16x1000000xf32, #tpu.memory_space<hbm>> -> memref<16x128xf32, #tpu.memory_space<hbm>>
      tpu.wait_dma2 semaphore(%arg17 : memref<!tpu.dma_semaphore, #tpu.memory_space<semaphore_mem>>) src(%dma_wait3A_698 : memref<16x128xf32, #tpu.memory_space<hbm>>) dst(%dma_wait3A_695 : memref<16x128xf32, #tpu.memory_space<vmem>>)
      %dma_wait3A_699 = arith.constant 0 : i32
      %dma_wait3A_700 = arith.constant 1792 : i32
      %dma_wait3A_701 = tpu.memref_slice %arg10[%dma_wait3A_699, %dma_wait3A_700] : memref<16x2048xf32, #tpu.memory_space<vmem>> -> memref<16x128xf32, #tpu.memory_space<vmem>>
      %dma_wait3A_702 = arith.constant 0 : i32
      %dma_wait3A_703 = arith.constant 0 : i32
      %dma_wait3A_704 = tpu.memref_slice %arg2[%dma_wait3A_702, %dma_wait3A_703] : memref<16x1000000xf32, #tpu.memory_space<hbm>> -> memref<16x128xf32, #tpu.memory_space<hbm>>
      %dma_wait3A_705 = arith.constant 0 : i32
      %dma_wait3A_706 = arith.constant 1792 : i32
      %dma_wait3A_707 = tpu.memref_slice %arg10[%dma_wait3A_705, %dma_wait3A_706] : memref<16x2048xf32, #tpu.memory_space<vmem>> -> memref<16x128xf32, #tpu.memory_space<vmem>>
      %dma_wait3A_708 = arith.constant 0 : i32
      %dma_wait3A_709 = arith.constant 0 : i32
      %dma_wait3A_710 = tpu.memref_slice %arg2[%dma_wait3A_708, %dma_wait3A_709] : memref<16x1000000xf32, #tpu.memory_space<hbm>> -> memref<16x128xf32, #tpu.memory_space<hbm>>
      tpu.wait_dma2 semaphore(%arg17 : memref<!tpu.dma_semaphore, #tpu.memory_space<semaphore_mem>>) src(%dma_wait3A_710 : memref<16x128xf32, #tpu.memory_space<hbm>>) dst(%dma_wait3A_707 : memref<16x128xf32, #tpu.memory_space<vmem>>)
      %dma_wait3A_711 = arith.constant 0 : i32
      %dma_wait3A_712 = arith.constant 1920 : i32
      %dma_wait3A_713 = tpu.memref_slice %arg10[%dma_wait3A_711, %dma_wait3A_712] : memref<16x2048xf32, #tpu.memory_space<vmem>> -> memref<16x128xf32, #tpu.memory_space<vmem>>
      %dma_wait3A_714 = arith.constant 0 : i32
      %dma_wait3A_715 = arith.constant 0 : i32
      %dma_wait3A_716 = tpu.memref_slice %arg2[%dma_wait3A_714, %dma_wait3A_715] : memref<16x1000000xf32, #tpu.memory_space<hbm>> -> memref<16x128xf32, #tpu.memory_space<hbm>>
      %dma_wait3A_717 = arith.constant 0 : i32
      %dma_wait3A_718 = arith.constant 1920 : i32
      %dma_wait3A_719 = tpu.memref_slice %arg10[%dma_wait3A_717, %dma_wait3A_718] : memref<16x2048xf32, #tpu.memory_space<vmem>> -> memref<16x128xf32, #tpu.memory_space<vmem>>
      %dma_wait3A_720 = arith.constant 0 : i32
      %dma_wait3A_721 = arith.constant 0 : i32
      %dma_wait3A_722 = tpu.memref_slice %arg2[%dma_wait3A_720, %dma_wait3A_721] : memref<16x1000000xf32, #tpu.memory_space<hbm>> -> memref<16x128xf32, #tpu.memory_space<hbm>>
      tpu.wait_dma2 semaphore(%arg17 : memref<!tpu.dma_semaphore, #tpu.memory_space<semaphore_mem>>) src(%dma_wait3A_722 : memref<16x128xf32, #tpu.memory_space<hbm>>) dst(%dma_wait3A_719 : memref<16x128xf32, #tpu.memory_space<vmem>>)
      %mul3A_723 = arith.constant 16 : i32
      %mul3A_724 = arith.muli %mul3A_271, %mul3A_723 : i32
      %get3A_725 = arith.index_cast %mul3A_724 : i32 to index
      %get3A_726 = tpu.vector_load %arg8[%get3A_725] {strides = array<i32>} : memref<512xi32, #tpu.memory_space<vmem>>, vector<16xi32>,
      %get3A_727 = arith.index_cast %mul3A_724 : i32 to index
      %get3A_728 = tpu.vector_load %arg9[%get3A_727] {strides = array<i32>} : memref<512xi32, #tpu.memory_space<vmem>>, vector<16xi32>,
      %mul3A_729 = arith.constant 128 : i32
      %mul3A_730 = vector.broadcast %mul3A_729 : i32 to vector<16xi32>
      %mul3A_731 = arith.muli %iota3A, %mul3A_730 : vector<16xi32>
      %and3A = arith.constant 127 : i32
      %and3A_732 = vector.broadcast %and3A : i32 to vector<16xi32>
      %and3A_733 = arith.andi %get3A_726, %and3A_732 : vector<16xi32>
      %add3A_734 = arith.addi %mul3A_731, %and3A_733 : vector<16xi32>
      %and3A_735 = arith.constant 7 : i32
      %and3A_736 = vector.broadcast %and3A_735 : i32 to vector<16xi32>
      %and3A_737 = arith.andi %get3A_728, %and3A_736 : vector<16xi32>
      %mul3A_738 = arith.constant 16 : i32
      %mul3A_739 = vector.broadcast %mul3A_738 : i32 to vector<16xi32>
      %mul3A_740 = arith.muli %and3A_737, %mul3A_739 : vector<16xi32>
      %and3A_741 = arith.constant 127 : i32
      %and3A_742 = vector.broadcast %and3A_741 : i32 to vector<16xi32>
      %and3A_743 = arith.andi %get3A_728, %and3A_742 : vector<16xi32>
      %gather3A = tpu.vector_load_idx %arg14[%iota3A, %and3A_743] : memref<16x128xf32, #tpu.memory_space<vmem>>[vector<16xi32>, vector<16xi32>], vector<16xf32>,
      %broadcast_in_dim3A = arith.constant 0 : i32
      %broadcast_in_dim3A_744 = vector.broadcast %broadcast_in_dim3A : i32 to vector<16xi32>
      %gather3A_745 = tpu.vector_load_idx %arg10[%broadcast_in_dim3A_744, %add3A_734] : memref<16x2048xf32, #tpu.memory_space<vmem>>[vector<16xi32>, vector<16xi32>], vector<16xf32>,
      %add3A_746 = arith.constant 0 : i32
      %add3A_747 = vector.broadcast %add3A_746 : i32 to vector<16xi32>
      %add3A_748 = arith.addi %mul3A_740, %add3A_747 : vector<16xi32>
      %gather3A_749 = tpu.vector_load_idx %arg12[%iota3A, %add3A_748] : memref<16x128xf32, #tpu.memory_space<vmem>>[vector<16xi32>, vector<16xi32>], vector<16xf32>,
      %sub3A = arith.subf %gather3A_745, %gather3A : vector<16xf32>
      %mul3A_750 = arith.mulf %gather3A_749, %sub3A : vector<16xf32>
      %mul3A_751 = arith.constant 1.702000e+00 : f32
      %mul3A_752 = vector.broadcast %mul3A_751 : f32 to vector<16xf32>
      %mul3A_753 = arith.mulf %mul3A_752, %mul3A_750 : vector<16xf32>
      %neg3A = arith.constant 0.000000e+00 : f32
      %neg3A_754 = vector.broadcast %neg3A : f32 to vector<16xf32>
      %neg3A_755 = arith.subf %neg3A_754, %mul3A_753 : vector<16xf32>
      %exp3A = math.exp %neg3A_755 : vector<16xf32>
      %add3A_756 = arith.constant 1.000000e+00 : f32
      %add3A_757 = vector.broadcast %add3A_756 : f32 to vector<16xf32>
      %add3A_758 = arith.addf %add3A_757, %exp3A : vector<16xf32>
      %div3A = arith.constant 1.000000e+00 : f32
      %div3A_759 = vector.broadcast %div3A : f32 to vector<16xf32>
      %div3A_760 = arith.divf %div3A_759, %add3A_758 : vector<16xf32>
      %swap3A = arith.constant 0 : i32
      %swap3A_761 = arith.index_cast %swap3A : i32 to index
      %swap3A_762 = arith.index_cast %mul3A_724 : i32 to index
      %swap3A_763 = tpu.vector_load %arg16[%swap3A_761, %swap3A_762] {strides = array<i32>} : memref<16x512xf32, #tpu.memory_space<vmem>>, vector<16xf32>,
      tpu.vector_store %arg16[%swap3A_761, %swap3A_762], %div3A_760 {strides = array<i32>} : memref<16x512xf32, #tpu.memory_space<vmem>>, vector<16xf32>,
      %broadcast_in_dim3A_764 = arith.constant 1 : i32
      %broadcast_in_dim3A_765 = vector.broadcast %broadcast_in_dim3A_764 : i32 to vector<16xi32>
      %gather3A_766 = tpu.vector_load_idx %arg10[%broadcast_in_dim3A_765, %add3A_734] : memref<16x2048xf32, #tpu.memory_space<vmem>>[vector<16xi32>, vector<16xi32>], vector<16xf32>,
      %add3A_767 = arith.constant 1 : i32
      %add3A_768 = vector.broadcast %add3A_767 : i32 to vector<16xi32>
      %add3A_769 = arith.addi %mul3A_740, %add3A_768 : vector<16xi32>
      %gather3A_770 = tpu.vector_load_idx %arg12[%iota3A, %add3A_769] : memref<16x128xf32, #tpu.memory_space<vmem>>[vector<16xi32>, vector<16xi32>], vector<16xf32>,
      %sub3A_771 = arith.subf %gather3A_766, %gather3A : vector<16xf32>
      %mul3A_772 = arith.mulf %gather3A_770, %sub3A_771 : vector<16xf32>
      %mul3A_773 = arith.constant 1.702000e+00 : f32
      %mul3A_774 = vector.broadcast %mul3A_773 : f32 to vector<16xf32>
      %mul3A_775 = arith.mulf %mul3A_774, %mul3A_772 : vector<16xf32>
      %neg3A_776 = arith.constant 0.000000e+00 : f32
      %neg3A_777 = vector.broadcast %neg3A_776 : f32 to vector<16xf32>
      %neg3A_778 = arith.subf %neg3A_777, %mul3A_775 : vector<16xf32>
      %exp3A_779 = math.exp %neg3A_778 : vector<16xf32>
      %add3A_780 = arith.constant 1.000000e+00 : f32
      %add3A_781 = vector.broadcast %add3A_780 : f32 to vector<16xf32>
      %add3A_782 = arith.addf %add3A_781, %exp3A_779 : vector<16xf32>
      %div3A_783 = arith.constant 1.000000e+00 : f32
      %div3A_784 = vector.broadcast %div3A_783 : f32 to vector<16xf32>
      %div3A_785 = arith.divf %div3A_784, %add3A_782 : vector<16xf32>
      %swap3A_786 = arith.constant 1 : i32
      %swap3A_787 = arith.index_cast %swap3A_786 : i32 to index
      %swap3A_788 = arith.index_cast %mul3A_724 : i32 to index
      %swap3A_789 = tpu.vector_load %arg16[%swap3A_787, %swap3A_788] {strides = array<i32>} : memref<16x512xf32, #tpu.memory_space<vmem>>, vector<16xf32>,
      tpu.vector_store %arg16[%swap3A_787, %swap3A_788], %div3A_785 {strides = array<i32>} : memref<16x512xf32, #tpu.memory_space<vmem>>, vector<16xf32>,
      %broadcast_in_dim3A_790 = arith.constant 2 : i32
      %broadcast_in_dim3A_791 = vector.broadcast %broadcast_in_dim3A_790 : i32 to vector<16xi32>
      %gather3A_792 = tpu.vector_load_idx %arg10[%broadcast_in_dim3A_791, %add3A_734] : memref<16x2048xf32, #tpu.memory_space<vmem>>[vector<16xi32>, vector<16xi32>], vector<16xf32>,
      %add3A_793 = arith.constant 2 : i32
      %add3A_794 = vector.broadcast %add3A_793 : i32 to vector<16xi32>
      %add3A_795 = arith.addi %mul3A_740, %add3A_794 : vector<16xi32>
      %gather3A_796 = tpu.vector_load_idx %arg12[%iota3A, %add3A_795] : memref<16x128xf32, #tpu.memory_space<vmem>>[vector<16xi32>, vector<16xi32>], vector<16xf32>,
      %sub3A_797 = arith.subf %gather3A_792, %gather3A : vector<16xf32>
      %mul3A_798 = arith.mulf %gather3A_796, %sub3A_797 : vector<16xf32>
      %mul3A_799 = arith.constant 1.702000e+00 : f32
      %mul3A_800 = vector.broadcast %mul3A_799 : f32 to vector<16xf32>
      %mul3A_801 = arith.mulf %mul3A_800, %mul3A_798 : vector<16xf32>
      %neg3A_802 = arith.constant 0.000000e+00 : f32
      %neg3A_803 = vector.broadcast %neg3A_802 : f32 to vector<16xf32>
      %neg3A_804 = arith.subf %neg3A_803, %mul3A_801 : vector<16xf32>
      %exp3A_805 = math.exp %neg3A_804 : vector<16xf32>
      %add3A_806 = arith.constant 1.000000e+00 : f32
      %add3A_807 = vector.broadcast %add3A_806 : f32 to vector<16xf32>
      %add3A_808 = arith.addf %add3A_807, %exp3A_805 : vector<16xf32>
      %div3A_809 = arith.constant 1.000000e+00 : f32
      %div3A_810 = vector.broadcast %div3A_809 : f32 to vector<16xf32>
      %div3A_811 = arith.divf %div3A_810, %add3A_808 : vector<16xf32>
      %swap3A_812 = arith.constant 2 : i32
      %swap3A_813 = arith.index_cast %swap3A_812 : i32 to index
      %swap3A_814 = arith.index_cast %mul3A_724 : i32 to index
      %swap3A_815 = tpu.vector_load %arg16[%swap3A_813, %swap3A_814] {strides = array<i32>} : memref<16x512xf32, #tpu.memory_space<vmem>>, vector<16xf32>,
      tpu.vector_store %arg16[%swap3A_813, %swap3A_814], %div3A_811 {strides = array<i32>} : memref<16x512xf32, #tpu.memory_space<vmem>>, vector<16xf32>,
      %broadcast_in_dim3A_816 = arith.constant 3 : i32
      %broadcast_in_dim3A_817 = vector.broadcast %broadcast_in_dim3A_816 : i32 to vector<16xi32>
      %gather3A_818 = tpu.vector_load_idx %arg10[%broadcast_in_dim3A_817, %add3A_734] : memref<16x2048xf32, #tpu.memory_space<vmem>>[vector<16xi32>, vector<16xi32>], vector<16xf32>,
      %add3A_819 = arith.constant 3 : i32
      %add3A_820 = vector.broadcast %add3A_819 : i32 to vector<16xi32>
      %add3A_821 = arith.addi %mul3A_740, %add3A_820 : vector<16xi32>
      %gather3A_822 = tpu.vector_load_idx %arg12[%iota3A, %add3A_821] : memref<16x128xf32, #tpu.memory_space<vmem>>[vector<16xi32>, vector<16xi32>], vector<16xf32>,
      %sub3A_823 = arith.subf %gather3A_818, %gather3A : vector<16xf32>
      %mul3A_824 = arith.mulf %gather3A_822, %sub3A_823 : vector<16xf32>
      %mul3A_825 = arith.constant 1.702000e+00 : f32
      %mul3A_826 = vector.broadcast %mul3A_825 : f32 to vector<16xf32>
      %mul3A_827 = arith.mulf %mul3A_826, %mul3A_824 : vector<16xf32>
      %neg3A_828 = arith.constant 0.000000e+00 : f32
      %neg3A_829 = vector.broadcast %neg3A_828 : f32 to vector<16xf32>
      %neg3A_830 = arith.subf %neg3A_829, %mul3A_827 : vector<16xf32>
      %exp3A_831 = math.exp %neg3A_830 : vector<16xf32>
      %add3A_832 = arith.constant 1.000000e+00 : f32
      %add3A_833 = vector.broadcast %add3A_832 : f32 to vector<16xf32>
      %add3A_834 = arith.addf %add3A_833, %exp3A_831 : vector<16xf32>
      %div3A_835 = arith.constant 1.000000e+00 : f32
      %div3A_836 = vector.broadcast %div3A_835 : f32 to vector<16xf32>
      %div3A_837 = arith.divf %div3A_836, %add3A_834 : vector<16xf32>
      %swap3A_838 = arith.constant 3 : i32
      %swap3A_839 = arith.index_cast %swap3A_838 : i32 to index
      %swap3A_840 = arith.index_cast %mul3A_724 : i32 to index
      %swap3A_841 = tpu.vector_load %arg16[%swap3A_839, %swap3A_840] {strides = array<i32>} : memref<16x512xf32, #tpu.memory_space<vmem>>, vector<16xf32>,
      tpu.vector_store %arg16[%swap3A_839, %swap3A_840], %div3A_837 {strides = array<i32>} : memref<16x512xf32, #tpu.memory_space<vmem>>, vector<16xf32>,
      %broadcast_in_dim3A_842 = arith.constant 4 : i32
      %broadcast_in_dim3A_843 = vector.broadcast %broadcast_in_dim3A_842 : i32 to vector<16xi32>
      %gather3A_844 = tpu.vector_load_idx %arg10[%broadcast_in_dim3A_843, %add3A_734] : memref<16x2048xf32, #tpu.memory_space<vmem>>[vector<16xi32>, vector<16xi32>], vector<16xf32>,
      %add3A_845 = arith.constant 4 : i32
      %add3A_846 = vector.broadcast %add3A_845 : i32 to vector<16xi32>
      %add3A_847 = arith.addi %mul3A_740, %add3A_846 : vector<16xi32>
      %gather3A_848 = tpu.vector_load_idx %arg12[%iota3A, %add3A_847] : memref<16x128xf32, #tpu.memory_space<vmem>>[vector<16xi32>, vector<16xi32>], vector<16xf32>,
      %sub3A_849 = arith.subf %gather3A_844, %gather3A : vector<16xf32>
      %mul3A_850 = arith.mulf %gather3A_848, %sub3A_849 : vector<16xf32>
      %mul3A_851 = arith.constant 1.702000e+00 : f32
      %mul3A_852 = vector.broadcast %mul3A_851 : f32 to vector<16xf32>
      %mul3A_853 = arith.mulf %mul3A_852, %mul3A_850 : vector<16xf32>
      %neg3A_854 = arith.constant 0.000000e+00 : f32
      %neg3A_855 = vector.broadcast %neg3A_854 : f32 to vector<16xf32>
      %neg3A_856 = arith.subf %neg3A_855, %mul3A_853 : vector<16xf32>
      %exp3A_857 = math.exp %neg3A_856 : vector<16xf32>
      %add3A_858 = arith.constant 1.000000e+00 : f32
      %add3A_859 = vector.broadcast %add3A_858 : f32 to vector<16xf32>
      %add3A_860 = arith.addf %add3A_859, %exp3A_857 : vector<16xf32>
      %div3A_861 = arith.constant 1.000000e+00 : f32
      %div3A_862 = vector.broadcast %div3A_861 : f32 to vector<16xf32>
      %div3A_863 = arith.divf %div3A_862, %add3A_860 : vector<16xf32>
      %swap3A_864 = arith.constant 4 : i32
      %swap3A_865 = arith.index_cast %swap3A_864 : i32 to index
      %swap3A_866 = arith.index_cast %mul3A_724 : i32 to index
      %swap3A_867 = tpu.vector_load %arg16[%swap3A_865, %swap3A_866] {strides = array<i32>} : memref<16x512xf32, #tpu.memory_space<vmem>>, vector<16xf32>,
      tpu.vector_store %arg16[%swap3A_865, %swap3A_866], %div3A_863 {strides = array<i32>} : memref<16x512xf32, #tpu.memory_space<vmem>>, vector<16xf32>,
      %broadcast_in_dim3A_868 = arith.constant 5 : i32
      %broadcast_in_dim3A_869 = vector.broadcast %broadcast_in_dim3A_868 : i32 to vector<16xi32>
      %gather3A_870 = tpu.vector_load_idx %arg10[%broadcast_in_dim3A_869, %add3A_734] : memref<16x2048xf32, #tpu.memory_space<vmem>>[vector<16xi32>, vector<16xi32>], vector<16xf32>,
      %add3A_871 = arith.constant 5 : i32
      %add3A_872 = vector.broadcast %add3A_871 : i32 to vector<16xi32>
      %add3A_873 = arith.addi %mul3A_740, %add3A_872 : vector<16xi32>
      %gather3A_874 = tpu.vector_load_idx %arg12[%iota3A, %add3A_873] : memref<16x128xf32, #tpu.memory_space<vmem>>[vector<16xi32>, vector<16xi32>], vector<16xf32>,
      %sub3A_875 = arith.subf %gather3A_870, %gather3A : vector<16xf32>
      %mul3A_876 = arith.mulf %gather3A_874, %sub3A_875 : vector<16xf32>
      %mul3A_877 = arith.constant 1.702000e+00 : f32
      %mul3A_878 = vector.broadcast %mul3A_877 : f32 to vector<16xf32>
      %mul3A_879 = arith.mulf %mul3A_878, %mul3A_876 : vector<16xf32>
      %neg3A_880 = arith.constant 0.000000e+00 : f32
      %neg3A_881 = vector.broadcast %neg3A_880 : f32 to vector<16xf32>
      %neg3A_882 = arith.subf %neg3A_881, %mul3A_879 : vector<16xf32>
      %exp3A_883 = math.exp %neg3A_882 : vector<16xf32>
      %add3A_884 = arith.constant 1.000000e+00 : f32
      %add3A_885 = vector.broadcast %add3A_884 : f32 to vector<16xf32>
      %add3A_886 = arith.addf %add3A_885, %exp3A_883 : vector<16xf32>
      %div3A_887 = arith.constant 1.000000e+00 : f32
      %div3A_888 = vector.broadcast %div3A_887 : f32 to vector<16xf32>
      %div3A_889 = arith.divf %div3A_888, %add3A_886 : vector<16xf32>
      %swap3A_890 = arith.constant 5 : i32
      %swap3A_891 = arith.index_cast %swap3A_890 : i32 to index
      %swap3A_892 = arith.index_cast %mul3A_724 : i32 to index
      %swap3A_893 = tpu.vector_load %arg16[%swap3A_891, %swap3A_892] {strides = array<i32>} : memref<16x512xf32, #tpu.memory_space<vmem>>, vector<16xf32>,
      tpu.vector_store %arg16[%swap3A_891, %swap3A_892], %div3A_889 {strides = array<i32>} : memref<16x512xf32, #tpu.memory_space<vmem>>, vector<16xf32>,
      %broadcast_in_dim3A_894 = arith.constant 6 : i32
      %broadcast_in_dim3A_895 = vector.broadcast %broadcast_in_dim3A_894 : i32 to vector<16xi32>
      %gather3A_896 = tpu.vector_load_idx %arg10[%broadcast_in_dim3A_895, %add3A_734] : memref<16x2048xf32, #tpu.memory_space<vmem>>[vector<16xi32>, vector<16xi32>], vector<16xf32>,
      %add3A_897 = arith.constant 6 : i32
      %add3A_898 = vector.broadcast %add3A_897 : i32 to vector<16xi32>
      %add3A_899 = arith.addi %mul3A_740, %add3A_898 : vector<16xi32>
      %gather3A_900 = tpu.vector_load_idx %arg12[%iota3A, %add3A_899] : memref<16x128xf32, #tpu.memory_space<vmem>>[vector<16xi32>, vector<16xi32>], vector<16xf32>,
      %sub3A_901 = arith.subf %gather3A_896, %gather3A : vector<16xf32>
      %mul3A_902 = arith.mulf %gather3A_900, %sub3A_901 : vector<16xf32>
      %mul3A_903 = arith.constant 1.702000e+00 : f32
      %mul3A_904 = vector.broadcast %mul3A_903 : f32 to vector<16xf32>
      %mul3A_905 = arith.mulf %mul3A_904, %mul3A_902 : vector<16xf32>
      %neg3A_906 = arith.constant 0.000000e+00 : f32
      %neg3A_907 = vector.broadcast %neg3A_906 : f32 to vector<16xf32>
      %neg3A_908 = arith.subf %neg3A_907, %mul3A_905 : vector<16xf32>
      %exp3A_909 = math.exp %neg3A_908 : vector<16xf32>
      %add3A_910 = arith.constant 1.000000e+00 : f32
      %add3A_911 = vector.broadcast %add3A_910 : f32 to vector<16xf32>
      %add3A_912 = arith.addf %add3A_911, %exp3A_909 : vector<16xf32>
      %div3A_913 = arith.constant 1.000000e+00 : f32
      %div3A_914 = vector.broadcast %div3A_913 : f32 to vector<16xf32>
      %div3A_915 = arith.divf %div3A_914, %add3A_912 : vector<16xf32>
      %swap3A_916 = arith.constant 6 : i32
      %swap3A_917 = arith.index_cast %swap3A_916 : i32 to index
      %swap3A_918 = arith.index_cast %mul3A_724 : i32 to index
      %swap3A_919 = tpu.vector_load %arg16[%swap3A_917, %swap3A_918] {strides = array<i32>} : memref<16x512xf32, #tpu.memory_space<vmem>>, vector<16xf32>,
      tpu.vector_store %arg16[%swap3A_917, %swap3A_918], %div3A_915 {strides = array<i32>} : memref<16x512xf32, #tpu.memory_space<vmem>>, vector<16xf32>,
      %broadcast_in_dim3A_920 = arith.constant 7 : i32
      %broadcast_in_dim3A_921 = vector.broadcast %broadcast_in_dim3A_920 : i32 to vector<16xi32>
      %gather3A_922 = tpu.vector_load_idx %arg10[%broadcast_in_dim3A_921, %add3A_734] : memref<16x2048xf32, #tpu.memory_space<vmem>>[vector<16xi32>, vector<16xi32>], vector<16xf32>,
      %add3A_923 = arith.constant 7 : i32
      %add3A_924 = vector.broadcast %add3A_923 : i32 to vector<16xi32>
      %add3A_925 = arith.addi %mul3A_740, %add3A_924 : vector<16xi32>
      %gather3A_926 = tpu.vector_load_idx %arg12[%iota3A, %add3A_925] : memref<16x128xf32, #tpu.memory_space<vmem>>[vector<16xi32>, vector<16xi32>], vector<16xf32>,
      %sub3A_927 = arith.subf %gather3A_922, %gather3A : vector<16xf32>
      %mul3A_928 = arith.mulf %gather3A_926, %sub3A_927 : vector<16xf32>
      %mul3A_929 = arith.constant 1.702000e+00 : f32
      %mul3A_930 = vector.broadcast %mul3A_929 : f32 to vector<16xf32>
      %mul3A_931 = arith.mulf %mul3A_930, %mul3A_928 : vector<16xf32>
      %neg3A_932 = arith.constant 0.000000e+00 : f32
      %neg3A_933 = vector.broadcast %neg3A_932 : f32 to vector<16xf32>
      %neg3A_934 = arith.subf %neg3A_933, %mul3A_931 : vector<16xf32>
      %exp3A_935 = math.exp %neg3A_934 : vector<16xf32>
      %add3A_936 = arith.constant 1.000000e+00 : f32
      %add3A_937 = vector.broadcast %add3A_936 : f32 to vector<16xf32>
      %add3A_938 = arith.addf %add3A_937, %exp3A_935 : vector<16xf32>
      %div3A_939 = arith.constant 1.000000e+00 : f32
      %div3A_940 = vector.broadcast %div3A_939 : f32 to vector<16xf32>
      %div3A_941 = arith.divf %div3A_940, %add3A_938 : vector<16xf32>
      %swap3A_942 = arith.constant 7 : i32
      %swap3A_943 = arith.index_cast %swap3A_942 : i32 to index
      %swap3A_944 = arith.index_cast %mul3A_724 : i32 to index
      %swap3A_945 = tpu.vector_load %arg16[%swap3A_943, %swap3A_944] {strides = array<i32>} : memref<16x512xf32, #tpu.memory_space<vmem>>, vector<16xf32>,
      tpu.vector_store %arg16[%swap3A_943, %swap3A_944], %div3A_941 {strides = array<i32>} : memref<16x512xf32, #tpu.memory_space<vmem>>, vector<16xf32>,
      %broadcast_in_dim3A_946 = arith.constant 8 : i32
      %broadcast_in_dim3A_947 = vector.broadcast %broadcast_in_dim3A_946 : i32 to vector<16xi32>
      %gather3A_948 = tpu.vector_load_idx %arg10[%broadcast_in_dim3A_947, %add3A_734] : memref<16x2048xf32, #tpu.memory_space<vmem>>[vector<16xi32>, vector<16xi32>], vector<16xf32>,
      %add3A_949 = arith.constant 8 : i32
      %add3A_950 = vector.broadcast %add3A_949 : i32 to vector<16xi32>
      %add3A_951 = arith.addi %mul3A_740, %add3A_950 : vector<16xi32>
      %gather3A_952 = tpu.vector_load_idx %arg12[%iota3A, %add3A_951] : memref<16x128xf32, #tpu.memory_space<vmem>>[vector<16xi32>, vector<16xi32>], vector<16xf32>,
      %sub3A_953 = arith.subf %gather3A_948, %gather3A : vector<16xf32>
      %mul3A_954 = arith.mulf %gather3A_952, %sub3A_953 : vector<16xf32>
      %mul3A_955 = arith.constant 1.702000e+00 : f32
      %mul3A_956 = vector.broadcast %mul3A_955 : f32 to vector<16xf32>
      %mul3A_957 = arith.mulf %mul3A_956, %mul3A_954 : vector<16xf32>
      %neg3A_958 = arith.constant 0.000000e+00 : f32
      %neg3A_959 = vector.broadcast %neg3A_958 : f32 to vector<16xf32>
      %neg3A_960 = arith.subf %neg3A_959, %mul3A_957 : vector<16xf32>
      %exp3A_961 = math.exp %neg3A_960 : vector<16xf32>
      %add3A_962 = arith.constant 1.000000e+00 : f32
      %add3A_963 = vector.broadcast %add3A_962 : f32 to vector<16xf32>
      %add3A_964 = arith.addf %add3A_963, %exp3A_961 : vector<16xf32>
      %div3A_965 = arith.constant 1.000000e+00 : f32
      %div3A_966 = vector.broadcast %div3A_965 : f32 to vector<16xf32>
      %div3A_967 = arith.divf %div3A_966, %add3A_964 : vector<16xf32>
      %swap3A_968 = arith.constant 8 : i32
      %swap3A_969 = arith.index_cast %swap3A_968 : i32 to index
      %swap3A_970 = arith.index_cast %mul3A_724 : i32 to index
      %swap3A_971 = tpu.vector_load %arg16[%swap3A_969, %swap3A_970] {strides = array<i32>} : memref<16x512xf32, #tpu.memory_space<vmem>>, vector<16xf32>,
      tpu.vector_store %arg16[%swap3A_969, %swap3A_970], %div3A_967 {strides = array<i32>} : memref<16x512xf32, #tpu.memory_space<vmem>>, vector<16xf32>,
      %broadcast_in_dim3A_972 = arith.constant 9 : i32
      %broadcast_in_dim3A_973 = vector.broadcast %broadcast_in_dim3A_972 : i32 to vector<16xi32>
      %gather3A_974 = tpu.vector_load_idx %arg10[%broadcast_in_dim3A_973, %add3A_734] : memref<16x2048xf32, #tpu.memory_space<vmem>>[vector<16xi32>, vector<16xi32>], vector<16xf32>,
      %add3A_975 = arith.constant 9 : i32
      %add3A_976 = vector.broadcast %add3A_975 : i32 to vector<16xi32>
      %add3A_977 = arith.addi %mul3A_740, %add3A_976 : vector<16xi32>
      %gather3A_978 = tpu.vector_load_idx %arg12[%iota3A, %add3A_977] : memref<16x128xf32, #tpu.memory_space<vmem>>[vector<16xi32>, vector<16xi32>], vector<16xf32>,
      %sub3A_979 = arith.subf %gather3A_974, %gather3A : vector<16xf32>
      %mul3A_980 = arith.mulf %gather3A_978, %sub3A_979 : vector<16xf32>
      %mul3A_981 = arith.constant 1.702000e+00 : f32
      %mul3A_982 = vector.broadcast %mul3A_981 : f32 to vector<16xf32>
      %mul3A_983 = arith.mulf %mul3A_982, %mul3A_980 : vector<16xf32>
      %neg3A_984 = arith.constant 0.000000e+00 : f32
      %neg3A_985 = vector.broadcast %neg3A_984 : f32 to vector<16xf32>
      %neg3A_986 = arith.subf %neg3A_985, %mul3A_983 : vector<16xf32>
      %exp3A_987 = math.exp %neg3A_986 : vector<16xf32>
      %add3A_988 = arith.constant 1.000000e+00 : f32
      %add3A_989 = vector.broadcast %add3A_988 : f32 to vector<16xf32>
      %add3A_990 = arith.addf %add3A_989, %exp3A_987 : vector<16xf32>
      %div3A_991 = arith.constant 1.000000e+00 : f32
      %div3A_992 = vector.broadcast %div3A_991 : f32 to vector<16xf32>
      %div3A_993 = arith.divf %div3A_992, %add3A_990 : vector<16xf32>
      %swap3A_994 = arith.constant 9 : i32
      %swap3A_995 = arith.index_cast %swap3A_994 : i32 to index
      %swap3A_996 = arith.index_cast %mul3A_724 : i32 to index
      %swap3A_997 = tpu.vector_load %arg16[%swap3A_995, %swap3A_996] {strides = array<i32>} : memref<16x512xf32, #tpu.memory_space<vmem>>, vector<16xf32>,
      tpu.vector_store %arg16[%swap3A_995, %swap3A_996], %div3A_993 {strides = array<i32>} : memref<16x512xf32, #tpu.memory_space<vmem>>, vector<16xf32>,
      %broadcast_in_dim3A_998 = arith.constant 10 : i32
      %broadcast_in_dim3A_999 = vector.broadcast %broadcast_in_dim3A_998 : i32 to vector<16xi32>
      %gather3A_1000 = tpu.vector_load_idx %arg10[%broadcast_in_dim3A_999, %add3A_734] : memref<16x2048xf32, #tpu.memory_space<vmem>>[vector<16xi32>, vector<16xi32>], vector<16xf32>,
      %add3A_1001 = arith.constant 10 : i32
      %add3A_1002 = vector.broadcast %add3A_1001 : i32 to vector<16xi32>
      %add3A_1003 = arith.addi %mul3A_740, %add3A_1002 : vector<16xi32>
      %gather3A_1004 = tpu.vector_load_idx %arg12[%iota3A, %add3A_1003] : memref<16x128xf32, #tpu.memory_space<vmem>>[vector<16xi32>, vector<16xi32>], vector<16xf32>,
      %sub3A_1005 = arith.subf %gather3A_1000, %gather3A : vector<16xf32>
      %mul3A_1006 = arith.mulf %gather3A_1004, %sub3A_1005 : vector<16xf32>
      %mul3A_1007 = arith.constant 1.702000e+00 : f32
      %mul3A_1008 = vector.broadcast %mul3A_1007 : f32 to vector<16xf32>
      %mul3A_1009 = arith.mulf %mul3A_1008, %mul3A_1006 : vector<16xf32>
      %neg3A_1010 = arith.constant 0.000000e+00 : f32
      %neg3A_1011 = vector.broadcast %neg3A_1010 : f32 to vector<16xf32>
      %neg3A_1012 = arith.subf %neg3A_1011, %mul3A_1009 : vector<16xf32>
      %exp3A_1013 = math.exp %neg3A_1012 : vector<16xf32>
      %add3A_1014 = arith.constant 1.000000e+00 : f32
      %add3A_1015 = vector.broadcast %add3A_1014 : f32 to vector<16xf32>
      %add3A_1016 = arith.addf %add3A_1015, %exp3A_1013 : vector<16xf32>
      %div3A_1017 = arith.constant 1.000000e+00 : f32
      %div3A_1018 = vector.broadcast %div3A_1017 : f32 to vector<16xf32>
      %div3A_1019 = arith.divf %div3A_1018, %add3A_1016 : vector<16xf32>
      %swap3A_1020 = arith.constant 10 : i32
      %swap3A_1021 = arith.index_cast %swap3A_1020 : i32 to index
      %swap3A_1022 = arith.index_cast %mul3A_724 : i32 to index
      %swap3A_1023 = tpu.vector_load %arg16[%swap3A_1021, %swap3A_1022] {strides = array<i32>} : memref<16x512xf32, #tpu.memory_space<vmem>>, vector<16xf32>,
      tpu.vector_store %arg16[%swap3A_1021, %swap3A_1022], %div3A_1019 {strides = array<i32>} : memref<16x512xf32, #tpu.memory_space<vmem>>, vector<16xf32>,
      %broadcast_in_dim3A_1024 = arith.constant 11 : i32
      %broadcast_in_dim3A_1025 = vector.broadcast %broadcast_in_dim3A_1024 : i32 to vector<16xi32>
      %gather3A_1026 = tpu.vector_load_idx %arg10[%broadcast_in_dim3A_1025, %add3A_734] : memref<16x2048xf32, #tpu.memory_space<vmem>>[vector<16xi32>, vector<16xi32>], vector<16xf32>,
      %add3A_1027 = arith.constant 11 : i32
      %add3A_1028 = vector.broadcast %add3A_1027 : i32 to vector<16xi32>
      %add3A_1029 = arith.addi %mul3A_740, %add3A_1028 : vector<16xi32>
      %gather3A_1030 = tpu.vector_load_idx %arg12[%iota3A, %add3A_1029] : memref<16x128xf32, #tpu.memory_space<vmem>>[vector<16xi32>, vector<16xi32>], vector<16xf32>,
      %sub3A_1031 = arith.subf %gather3A_1026, %gather3A : vector<16xf32>
      %mul3A_1032 = arith.mulf %gather3A_1030, %sub3A_1031 : vector<16xf32>
      %mul3A_1033 = arith.constant 1.702000e+00 : f32
      %mul3A_1034 = vector.broadcast %mul3A_1033 : f32 to vector<16xf32>
      %mul3A_1035 = arith.mulf %mul3A_1034, %mul3A_1032 : vector<16xf32>
      %neg3A_1036 = arith.constant 0.000000e+00 : f32
      %neg3A_1037 = vector.broadcast %neg3A_1036 : f32 to vector<16xf32>
      %neg3A_1038 = arith.subf %neg3A_1037, %mul3A_1035 : vector<16xf32>
      %exp3A_1039 = math.exp %neg3A_1038 : vector<16xf32>
      %add3A_1040 = arith.constant 1.000000e+00 : f32
      %add3A_1041 = vector.broadcast %add3A_1040 : f32 to vector<16xf32>
      %add3A_1042 = arith.addf %add3A_1041, %exp3A_1039 : vector<16xf32>
      %div3A_1043 = arith.constant 1.000000e+00 : f32
      %div3A_1044 = vector.broadcast %div3A_1043 : f32 to vector<16xf32>
      %div3A_1045 = arith.divf %div3A_1044, %add3A_1042 : vector<16xf32>
      %swap3A_1046 = arith.constant 11 : i32
      %swap3A_1047 = arith.index_cast %swap3A_1046 : i32 to index
      %swap3A_1048 = arith.index_cast %mul3A_724 : i32 to index
      %swap3A_1049 = tpu.vector_load %arg16[%swap3A_1047, %swap3A_1048] {strides = array<i32>} : memref<16x512xf32, #tpu.memory_space<vmem>>, vector<16xf32>,
      tpu.vector_store %arg16[%swap3A_1047, %swap3A_1048], %div3A_1045 {strides = array<i32>} : memref<16x512xf32, #tpu.memory_space<vmem>>, vector<16xf32>,
      %broadcast_in_dim3A_1050 = arith.constant 12 : i32
      %broadcast_in_dim3A_1051 = vector.broadcast %broadcast_in_dim3A_1050 : i32 to vector<16xi32>
      %gather3A_1052 = tpu.vector_load_idx %arg10[%broadcast_in_dim3A_1051, %add3A_734] : memref<16x2048xf32, #tpu.memory_space<vmem>>[vector<16xi32>, vector<16xi32>], vector<16xf32>,
      %add3A_1053 = arith.constant 12 : i32
      %add3A_1054 = vector.broadcast %add3A_1053 : i32 to vector<16xi32>
      %add3A_1055 = arith.addi %mul3A_740, %add3A_1054 : vector<16xi32>
      %gather3A_1056 = tpu.vector_load_idx %arg12[%iota3A, %add3A_1055] : memref<16x128xf32, #tpu.memory_space<vmem>>[vector<16xi32>, vector<16xi32>], vector<16xf32>,
      %sub3A_1057 = arith.subf %gather3A_1052, %gather3A : vector<16xf32>
      %mul3A_1058 = arith.mulf %gather3A_1056, %sub3A_1057 : vector<16xf32>
      %mul3A_1059 = arith.constant 1.702000e+00 : f32
      %mul3A_1060 = vector.broadcast %mul3A_1059 : f32 to vector<16xf32>
      %mul3A_1061 = arith.mulf %mul3A_1060, %mul3A_1058 : vector<16xf32>
      %neg3A_1062 = arith.constant 0.000000e+00 : f32
      %neg3A_1063 = vector.broadcast %neg3A_1062 : f32 to vector<16xf32>
      %neg3A_1064 = arith.subf %neg3A_1063, %mul3A_1061 : vector<16xf32>
      %exp3A_1065 = math.exp %neg3A_1064 : vector<16xf32>
      %add3A_1066 = arith.constant 1.000000e+00 : f32
      %add3A_1067 = vector.broadcast %add3A_1066 : f32 to vector<16xf32>
      %add3A_1068 = arith.addf %add3A_1067, %exp3A_1065 : vector<16xf32>
      %div3A_1069 = arith.constant 1.000000e+00 : f32
      %div3A_1070 = vector.broadcast %div3A_1069 : f32 to vector<16xf32>
      %div3A_1071 = arith.divf %div3A_1070, %add3A_1068 : vector<16xf32>
      %swap3A_1072 = arith.constant 12 : i32
      %swap3A_1073 = arith.index_cast %swap3A_1072 : i32 to index
      %swap3A_1074 = arith.index_cast %mul3A_724 : i32 to index
      %swap3A_1075 = tpu.vector_load %arg16[%swap3A_1073, %swap3A_1074] {strides = array<i32>} : memref<16x512xf32, #tpu.memory_space<vmem>>, vector<16xf32>,
      tpu.vector_store %arg16[%swap3A_1073, %swap3A_1074], %div3A_1071 {strides = array<i32>} : memref<16x512xf32, #tpu.memory_space<vmem>>, vector<16xf32>,
      %broadcast_in_dim3A_1076 = arith.constant 13 : i32
      %broadcast_in_dim3A_1077 = vector.broadcast %broadcast_in_dim3A_1076 : i32 to vector<16xi32>
      %gather3A_1078 = tpu.vector_load_idx %arg10[%broadcast_in_dim3A_1077, %add3A_734] : memref<16x2048xf32, #tpu.memory_space<vmem>>[vector<16xi32>, vector<16xi32>], vector<16xf32>,
      %add3A_1079 = arith.constant 13 : i32
      %add3A_1080 = vector.broadcast %add3A_1079 : i32 to vector<16xi32>
      %add3A_1081 = arith.addi %mul3A_740, %add3A_1080 : vector<16xi32>
      %gather3A_1082 = tpu.vector_load_idx %arg12[%iota3A, %add3A_1081] : memref<16x128xf32, #tpu.memory_space<vmem>>[vector<16xi32>, vector<16xi32>], vector<16xf32>,
      %sub3A_1083 = arith.subf %gather3A_1078, %gather3A : vector<16xf32>
      %mul3A_1084 = arith.mulf %gather3A_1082, %sub3A_1083 : vector<16xf32>
      %mul3A_1085 = arith.constant 1.702000e+00 : f32
      %mul3A_1086 = vector.broadcast %mul3A_1085 : f32 to vector<16xf32>
      %mul3A_1087 = arith.mulf %mul3A_1086, %mul3A_1084 : vector<16xf32>
      %neg3A_1088 = arith.constant 0.000000e+00 : f32
      %neg3A_1089 = vector.broadcast %neg3A_1088 : f32 to vector<16xf32>
      %neg3A_1090 = arith.subf %neg3A_1089, %mul3A_1087 : vector<16xf32>
      %exp3A_1091 = math.exp %neg3A_1090 : vector<16xf32>
      %add3A_1092 = arith.constant 1.000000e+00 : f32
      %add3A_1093 = vector.broadcast %add3A_1092 : f32 to vector<16xf32>
      %add3A_1094 = arith.addf %add3A_1093, %exp3A_1091 : vector<16xf32>
      %div3A_1095 = arith.constant 1.000000e+00 : f32
      %div3A_1096 = vector.broadcast %div3A_1095 : f32 to vector<16xf32>
      %div3A_1097 = arith.divf %div3A_1096, %add3A_1094 : vector<16xf32>
      %swap3A_1098 = arith.constant 13 : i32
      %swap3A_1099 = arith.index_cast %swap3A_1098 : i32 to index
      %swap3A_1100 = arith.index_cast %mul3A_724 : i32 to index
      %swap3A_1101 = tpu.vector_load %arg16[%swap3A_1099, %swap3A_1100] {strides = array<i32>} : memref<16x512xf32, #tpu.memory_space<vmem>>, vector<16xf32>,
      tpu.vector_store %arg16[%swap3A_1099, %swap3A_1100], %div3A_1097 {strides = array<i32>} : memref<16x512xf32, #tpu.memory_space<vmem>>, vector<16xf32>,
      %broadcast_in_dim3A_1102 = arith.constant 14 : i32
      %broadcast_in_dim3A_1103 = vector.broadcast %broadcast_in_dim3A_1102 : i32 to vector<16xi32>
      %gather3A_1104 = tpu.vector_load_idx %arg10[%broadcast_in_dim3A_1103, %add3A_734] : memref<16x2048xf32, #tpu.memory_space<vmem>>[vector<16xi32>, vector<16xi32>], vector<16xf32>,
      %add3A_1105 = arith.constant 14 : i32
      %add3A_1106 = vector.broadcast %add3A_1105 : i32 to vector<16xi32>
      %add3A_1107 = arith.addi %mul3A_740, %add3A_1106 : vector<16xi32>
      %gather3A_1108 = tpu.vector_load_idx %arg12[%iota3A, %add3A_1107] : memref<16x128xf32, #tpu.memory_space<vmem>>[vector<16xi32>, vector<16xi32>], vector<16xf32>,
      %sub3A_1109 = arith.subf %gather3A_1104, %gather3A : vector<16xf32>
      %mul3A_1110 = arith.mulf %gather3A_1108, %sub3A_1109 : vector<16xf32>
      %mul3A_1111 = arith.constant 1.702000e+00 : f32
      %mul3A_1112 = vector.broadcast %mul3A_1111 : f32 to vector<16xf32>
      %mul3A_1113 = arith.mulf %mul3A_1112, %mul3A_1110 : vector<16xf32>
      %neg3A_1114 = arith.constant 0.000000e+00 : f32
      %neg3A_1115 = vector.broadcast %neg3A_1114 : f32 to vector<16xf32>
      %neg3A_1116 = arith.subf %neg3A_1115, %mul3A_1113 : vector<16xf32>
      %exp3A_1117 = math.exp %neg3A_1116 : vector<16xf32>
      %add3A_1118 = arith.constant 1.000000e+00 : f32
      %add3A_1119 = vector.broadcast %add3A_1118 : f32 to vector<16xf32>
      %add3A_1120 = arith.addf %add3A_1119, %exp3A_1117 : vector<16xf32>
      %div3A_1121 = arith.constant 1.000000e+00 : f32
      %div3A_1122 = vector.broadcast %div3A_1121 : f32 to vector<16xf32>
      %div3A_1123 = arith.divf %div3A_1122, %add3A_1120 : vector<16xf32>
      %swap3A_1124 = arith.constant 14 : i32
      %swap3A_1125 = arith.index_cast %swap3A_1124 : i32 to index
      %swap3A_1126 = arith.index_cast %mul3A_724 : i32 to index
      %swap3A_1127 = tpu.vector_load %arg16[%swap3A_1125, %swap3A_1126] {strides = array<i32>} : memref<16x512xf32, #tpu.memory_space<vmem>>, vector<16xf32>,
      tpu.vector_store %arg16[%swap3A_1125, %swap3A_1126], %div3A_1123 {strides = array<i32>} : memref<16x512xf32, #tpu.memory_space<vmem>>, vector<16xf32>,
      %broadcast_in_dim3A_1128 = arith.constant 15 : i32
      %broadcast_in_dim3A_1129 = vector.broadcast %broadcast_in_dim3A_1128 : i32 to vector<16xi32>
      %gather3A_1130 = tpu.vector_load_idx %arg10[%broadcast_in_dim3A_1129, %add3A_734] : memref<16x2048xf32, #tpu.memory_space<vmem>>[vector<16xi32>, vector<16xi32>], vector<16xf32>,
      %add3A_1131 = arith.constant 15 : i32
      %add3A_1132 = vector.broadcast %add3A_1131 : i32 to vector<16xi32>
      %add3A_1133 = arith.addi %mul3A_740, %add3A_1132 : vector<16xi32>
      %gather3A_1134 = tpu.vector_load_idx %arg12[%iota3A, %add3A_1133] : memref<16x128xf32, #tpu.memory_space<vmem>>[vector<16xi32>, vector<16xi32>], vector<16xf32>,
      %sub3A_1135 = arith.subf %gather3A_1130, %gather3A : vector<16xf32>
      %mul3A_1136 = arith.mulf %gather3A_1134, %sub3A_1135 : vector<16xf32>
      %mul3A_1137 = arith.constant 1.702000e+00 : f32
      %mul3A_1138 = vector.broadcast %mul3A_1137 : f32 to vector<16xf32>
      %mul3A_1139 = arith.mulf %mul3A_1138, %mul3A_1136 : vector<16xf32>
      %neg3A_1140 = arith.constant 0.000000e+00 : f32
      %neg3A_1141 = vector.broadcast %neg3A_1140 : f32 to vector<16xf32>
      %neg3A_1142 = arith.subf %neg3A_1141, %mul3A_1139 : vector<16xf32>
      %exp3A_1143 = math.exp %neg3A_1142 : vector<16xf32>
      %add3A_1144 = arith.constant 1.000000e+00 : f32
      %add3A_1145 = vector.broadcast %add3A_1144 : f32 to vector<16xf32>
      %add3A_1146 = arith.addf %add3A_1145, %exp3A_1143 : vector<16xf32>
      %div3A_1147 = arith.constant 1.000000e+00 : f32
      %div3A_1148 = vector.broadcast %div3A_1147 : f32 to vector<16xf32>
      %div3A_1149 = arith.divf %div3A_1148, %add3A_1146 : vector<16xf32>
      %swap3A_1150 = arith.constant 15 : i32
      %swap3A_1151 = arith.index_cast %swap3A_1150 : i32 to index
      %swap3A_1152 = arith.index_cast %mul3A_724 : i32 to index
      %swap3A_1153 = tpu.vector_load %arg16[%swap3A_1151, %swap3A_1152] {strides = array<i32>} : memref<16x512xf32, #tpu.memory_space<vmem>>, vector<16xf32>,
      tpu.vector_store %arg16[%swap3A_1151, %swap3A_1152], %div3A_1149 {strides = array<i32>} : memref<16x512xf32, #tpu.memory_space<vmem>>, vector<16xf32>,
      %add3A_1154 = arith.constant 2 : i32
      %add3A_1155 = arith.addi %mul3A_271, %add3A_1154 : i32
      %lt3A = arith.constant 32 : i32
      %lt3A_1156 = arith.cmpi slt, %add3A_1155, %lt3A : i32
      %convert_element_type3A = arith.extui %lt3A_1156 : i1 to i32
      %cond3A = arith.constant 0 : i32
      %cond3A_1157 = arith.cmpi ne, %convert_element_type3A, %cond3A : i32
      scf.if %cond3A_1157 {
        %add3A_1803 = arith.constant 2 : i32
        %add3A_1804 = arith.addi %mul3A_271, %add3A_1803 : i32
        %mul3A_1805 = arith.constant 16 : i32
        %mul3A_1806 = arith.muli %add3A_1804, %mul3A_1805 : i32
        %get3A_1807 = arith.index_cast %mul3A_1806 : i32 to index
        %get3A_1808 = tpu.vector_load %arg9[%get3A_1807] {strides = array<i32>} : memref<512xi32, #tpu.memory_space<vmem>>, vector<16xi32>,
        %shift_right_arithmetic3A_1809 = arith.constant 3 : i32
        %shift_right_arithmetic3A_1810 = vector.broadcast %shift_right_arithmetic3A_1809 : i32 to vector<16xi32>
        %shift_right_arithmetic3A_1811 = arith.shrsi %get3A_1808, %shift_right_arithmetic3A_1810 : vector<16xi32>
        %dma_start3A_1812 = arith.constant 0 : i32
        %dma_start3A_1813 = arith.constant 0 : i32
        %dma_start3A_1814 = tpu.memref_slice %arg3[%dma_start3A_1812, %dma_start3A_1813] : memref<12500x128xf32, #tpu.memory_space<hbm>> -> memref<12500x128xf32, #tpu.memory_space<hbm>>
        tpu.enqueue_indirect_dma source(%dma_start3A_1814 : memref<12500x128xf32, #tpu.memory_space<hbm>>) target(%arg12 : memref<16x128xf32, #tpu.memory_space<vmem>>) offsets(%shift_right_arithmetic3A_1811 : vector<16xi32>) semaphore(%arg17 : memref<!tpu.dma_semaphore, #tpu.memory_space<semaphore_mem>>)
        %shift_right_arithmetic3A_1815 = arith.constant 7 : i32
        %shift_right_arithmetic3A_1816 = vector.broadcast %shift_right_arithmetic3A_1815 : i32 to vector<16xi32>
        %shift_right_arithmetic3A_1817 = arith.shrsi %get3A_1808, %shift_right_arithmetic3A_1816 : vector<16xi32>
        %dma_start3A_1818 = arith.constant 0 : i32
        %dma_start3A_1819 = arith.constant 0 : i32
        %dma_start3A_1820 = tpu.memref_slice %arg4[%dma_start3A_1818, %dma_start3A_1819] : memref<782x128xf32, #tpu.memory_space<hbm>> -> memref<782x128xf32, #tpu.memory_space<hbm>>
        tpu.enqueue_indirect_dma source(%dma_start3A_1820 : memref<782x128xf32, #tpu.memory_space<hbm>>) target(%arg14 : memref<16x128xf32, #tpu.memory_space<vmem>>) offsets(%shift_right_arithmetic3A_1817 : vector<16xi32>) semaphore(%arg17 : memref<!tpu.dma_semaphore, #tpu.memory_space<semaphore_mem>>)
        %get3A_1821 = arith.index_cast %mul3A_1806 : i32 to index
        %get3A_1822 = tpu.vector_load %arg8[%get3A_1821] {strides = array<i32>} : memref<512xi32, #tpu.memory_space<vmem>>, vector<16xi32>,
        %shift_right_arithmetic3A_1823 = arith.constant 7 : i32
        %shift_right_arithmetic3A_1824 = vector.broadcast %shift_right_arithmetic3A_1823 : i32 to vector<16xi32>
        %shift_right_arithmetic3A_1825 = arith.shrsi %get3A_1822, %shift_right_arithmetic3A_1824 : vector<16xi32>
        %slice3A_1826 = vector.extract_strided_slice %shift_right_arithmetic3A_1825 {offsets = [0], sizes = [1], strides = [1]} : vector<16xi32> to vector<1xi32>
        %squeeze3A_1827 = vector.extract %slice3A_1826[0] : i32 from vector<1xi32>
        %mul3A_1828 = arith.constant 128 : i32
        %mul3A_1829 = arith.muli %squeeze3A_1827, %mul3A_1828 : i32
        %dma_start3A_1830 = arith.constant 0 : i32
        %dma_start3A_1831 = arith.constant 0 : i32
        %dma_start3A_1832 = tpu.memref_slice %arg10[%dma_start3A_1830, %dma_start3A_1831] : memref<16x2048xf32, #tpu.memory_space<vmem>> -> memref<16x128xf32, #tpu.memory_space<vmem>>
        %dma_start3A_1833 = arith.constant 0 : i32
        %dma_start3A_1834 = tpu.memref_slice %arg2[%dma_start3A_1833, %mul3A_1829] : memref<16x1000000xf32, #tpu.memory_space<hbm>> -> memref<16x128xf32, #tpu.memory_space<hbm>>
        %dma_start3A_1835 = arith.constant 0 : i32
        %dma_start3A_1836 = arith.constant 0 : i32
        %dma_start3A_1837 = tpu.memref_slice %arg10[%dma_start3A_1835, %dma_start3A_1836] : memref<16x2048xf32, #tpu.memory_space<vmem>> -> memref<16x128xf32, #tpu.memory_space<vmem>>
        %dma_start3A_1838 = arith.constant 0 : i32
        %dma_start3A_1839 = tpu.memref_slice %arg2[%dma_start3A_1838, %mul3A_1829] : memref<16x1000000xf32, #tpu.memory_space<hbm>> -> memref<16x128xf32, #tpu.memory_space<hbm>>
        tpu.enqueue_dma source(%dma_start3A_1839 : memref<16x128xf32, #tpu.memory_space<hbm>>) target(%dma_start3A_1837 : memref<16x128xf32, #tpu.memory_space<vmem>>) target_semaphore(%arg17 : memref<!tpu.dma_semaphore, #tpu.memory_space<semaphore_mem>>)
        %slice3A_1840 = vector.extract_strided_slice %shift_right_arithmetic3A_1825 {offsets = [1], sizes = [1], strides = [1]} : vector<16xi32> to vector<1xi32>
        %squeeze3A_1841 = vector.extract %slice3A_1840[0] : i32 from vector<1xi32>
        %mul3A_1842 = arith.constant 128 : i32
        %mul3A_1843 = arith.muli %squeeze3A_1841, %mul3A_1842 : i32
        %dma_start3A_1844 = arith.constant 0 : i32
        %dma_start3A_1845 = arith.constant 128 : i32
        %dma_start3A_1846 = tpu.memref_slice %arg10[%dma_start3A_1844, %dma_start3A_1845] : memref<16x2048xf32, #tpu.memory_space<vmem>> -> memref<16x128xf32, #tpu.memory_space<vmem>>
        %dma_start3A_1847 = arith.constant 0 : i32
        %dma_start3A_1848 = tpu.memref_slice %arg2[%dma_start3A_1847, %mul3A_1843] : memref<16x1000000xf32, #tpu.memory_space<hbm>> -> memref<16x128xf32, #tpu.memory_space<hbm>>
        %dma_start3A_1849 = arith.constant 0 : i32
        %dma_start3A_1850 = arith.constant 128 : i32
        %dma_start3A_1851 = tpu.memref_slice %arg10[%dma_start3A_1849, %dma_start3A_1850] : memref<16x2048xf32, #tpu.memory_space<vmem>> -> memref<16x128xf32, #tpu.memory_space<vmem>>
        %dma_start3A_1852 = arith.constant 0 : i32
        %dma_start3A_1853 = tpu.memref_slice %arg2[%dma_start3A_1852, %mul3A_1843] : memref<16x1000000xf32, #tpu.memory_space<hbm>> -> memref<16x128xf32, #tpu.memory_space<hbm>>
        tpu.enqueue_dma source(%dma_start3A_1853 : memref<16x128xf32, #tpu.memory_space<hbm>>) target(%dma_start3A_1851 : memref<16x128xf32, #tpu.memory_space<vmem>>) target_semaphore(%arg17 : memref<!tpu.dma_semaphore, #tpu.memory_space<semaphore_mem>>)
        %slice3A_1854 = vector.extract_strided_slice %shift_right_arithmetic3A_1825 {offsets = [2], sizes = [1], strides = [1]} : vector<16xi32> to vector<1xi32>
        %squeeze3A_1855 = vector.extract %slice3A_1854[0] : i32 from vector<1xi32>
        %mul3A_1856 = arith.constant 128 : i32
        %mul3A_1857 = arith.muli %squeeze3A_1855, %mul3A_1856 : i32
        %dma_start3A_1858 = arith.constant 0 : i32
        %dma_start3A_1859 = arith.constant 256 : i32
        %dma_start3A_1860 = tpu.memref_slice %arg10[%dma_start3A_1858, %dma_start3A_1859] : memref<16x2048xf32, #tpu.memory_space<vmem>> -> memref<16x128xf32, #tpu.memory_space<vmem>>
        %dma_start3A_1861 = arith.constant 0 : i32
        %dma_start3A_1862 = tpu.memref_slice %arg2[%dma_start3A_1861, %mul3A_1857] : memref<16x1000000xf32, #tpu.memory_space<hbm>> -> memref<16x128xf32, #tpu.memory_space<hbm>>
        %dma_start3A_1863 = arith.constant 0 : i32
        %dma_start3A_1864 = arith.constant 256 : i32
        %dma_start3A_1865 = tpu.memref_slice %arg10[%dma_start3A_1863, %dma_start3A_1864] : memref<16x2048xf32, #tpu.memory_space<vmem>> -> memref<16x128xf32, #tpu.memory_space<vmem>>
        %dma_start3A_1866 = arith.constant 0 : i32
        %dma_start3A_1867 = tpu.memref_slice %arg2[%dma_start3A_1866, %mul3A_1857] : memref<16x1000000xf32, #tpu.memory_space<hbm>> -> memref<16x128xf32, #tpu.memory_space<hbm>>
        tpu.enqueue_dma source(%dma_start3A_1867 : memref<16x128xf32, #tpu.memory_space<hbm>>) target(%dma_start3A_1865 : memref<16x128xf32, #tpu.memory_space<vmem>>) target_semaphore(%arg17 : memref<!tpu.dma_semaphore, #tpu.memory_space<semaphore_mem>>)
        %slice3A_1868 = vector.extract_strided_slice %shift_right_arithmetic3A_1825 {offsets = [3], sizes = [1], strides = [1]} : vector<16xi32> to vector<1xi32>
        %squeeze3A_1869 = vector.extract %slice3A_1868[0] : i32 from vector<1xi32>
        %mul3A_1870 = arith.constant 128 : i32
        %mul3A_1871 = arith.muli %squeeze3A_1869, %mul3A_1870 : i32
        %dma_start3A_1872 = arith.constant 0 : i32
        %dma_start3A_1873 = arith.constant 384 : i32
        %dma_start3A_1874 = tpu.memref_slice %arg10[%dma_start3A_1872, %dma_start3A_1873] : memref<16x2048xf32, #tpu.memory_space<vmem>> -> memref<16x128xf32, #tpu.memory_space<vmem>>
        %dma_start3A_1875 = arith.constant 0 : i32
        %dma_start3A_1876 = tpu.memref_slice %arg2[%dma_start3A_1875, %mul3A_1871] : memref<16x1000000xf32, #tpu.memory_space<hbm>> -> memref<16x128xf32, #tpu.memory_space<hbm>>
        %dma_start3A_1877 = arith.constant 0 : i32
        %dma_start3A_1878 = arith.constant 384 : i32
        %dma_start3A_1879 = tpu.memref_slice %arg10[%dma_start3A_1877, %dma_start3A_1878] : memref<16x2048xf32, #tpu.memory_space<vmem>> -> memref<16x128xf32, #tpu.memory_space<vmem>>
        %dma_start3A_1880 = arith.constant 0 : i32
        %dma_start3A_1881 = tpu.memref_slice %arg2[%dma_start3A_1880, %mul3A_1871] : memref<16x1000000xf32, #tpu.memory_space<hbm>> -> memref<16x128xf32, #tpu.memory_space<hbm>>
        tpu.enqueue_dma source(%dma_start3A_1881 : memref<16x128xf32, #tpu.memory_space<hbm>>) target(%dma_start3A_1879 : memref<16x128xf32, #tpu.memory_space<vmem>>) target_semaphore(%arg17 : memref<!tpu.dma_semaphore, #tpu.memory_space<semaphore_mem>>)
        %slice3A_1882 = vector.extract_strided_slice %shift_right_arithmetic3A_1825 {offsets = [4], sizes = [1], strides = [1]} : vector<16xi32> to vector<1xi32>
        %squeeze3A_1883 = vector.extract %slice3A_1882[0] : i32 from vector<1xi32>
        %mul3A_1884 = arith.constant 128 : i32
        %mul3A_1885 = arith.muli %squeeze3A_1883, %mul3A_1884 : i32
        %dma_start3A_1886 = arith.constant 0 : i32
        %dma_start3A_1887 = arith.constant 512 : i32
        %dma_start3A_1888 = tpu.memref_slice %arg10[%dma_start3A_1886, %dma_start3A_1887] : memref<16x2048xf32, #tpu.memory_space<vmem>> -> memref<16x128xf32, #tpu.memory_space<vmem>>
        %dma_start3A_1889 = arith.constant 0 : i32
        %dma_start3A_1890 = tpu.memref_slice %arg2[%dma_start3A_1889, %mul3A_1885] : memref<16x1000000xf32, #tpu.memory_space<hbm>> -> memref<16x128xf32, #tpu.memory_space<hbm>>
        %dma_start3A_1891 = arith.constant 0 : i32
        %dma_start3A_1892 = arith.constant 512 : i32
        %dma_start3A_1893 = tpu.memref_slice %arg10[%dma_start3A_1891, %dma_start3A_1892] : memref<16x2048xf32, #tpu.memory_space<vmem>> -> memref<16x128xf32, #tpu.memory_space<vmem>>
        %dma_start3A_1894 = arith.constant 0 : i32
        %dma_start3A_1895 = tpu.memref_slice %arg2[%dma_start3A_1894, %mul3A_1885] : memref<16x1000000xf32, #tpu.memory_space<hbm>> -> memref<16x128xf32, #tpu.memory_space<hbm>>
        tpu.enqueue_dma source(%dma_start3A_1895 : memref<16x128xf32, #tpu.memory_space<hbm>>) target(%dma_start3A_1893 : memref<16x128xf32, #tpu.memory_space<vmem>>) target_semaphore(%arg17 : memref<!tpu.dma_semaphore, #tpu.memory_space<semaphore_mem>>)
        %slice3A_1896 = vector.extract_strided_slice %shift_right_arithmetic3A_1825 {offsets = [5], sizes = [1], strides = [1]} : vector<16xi32> to vector<1xi32>
        %squeeze3A_1897 = vector.extract %slice3A_1896[0] : i32 from vector<1xi32>
        %mul3A_1898 = arith.constant 128 : i32
        %mul3A_1899 = arith.muli %squeeze3A_1897, %mul3A_1898 : i32
        %dma_start3A_1900 = arith.constant 0 : i32
        %dma_start3A_1901 = arith.constant 640 : i32
        %dma_start3A_1902 = tpu.memref_slice %arg10[%dma_start3A_1900, %dma_start3A_1901] : memref<16x2048xf32, #tpu.memory_space<vmem>> -> memref<16x128xf32, #tpu.memory_space<vmem>>
        %dma_start3A_1903 = arith.constant 0 : i32
        %dma_start3A_1904 = tpu.memref_slice %arg2[%dma_start3A_1903, %mul3A_1899] : memref<16x1000000xf32, #tpu.memory_space<hbm>> -> memref<16x128xf32, #tpu.memory_space<hbm>>
        %dma_start3A_1905 = arith.constant 0 : i32
        %dma_start3A_1906 = arith.constant 640 : i32
        %dma_start3A_1907 = tpu.memref_slice %arg10[%dma_start3A_1905, %dma_start3A_1906] : memref<16x2048xf32, #tpu.memory_space<vmem>> -> memref<16x128xf32, #tpu.memory_space<vmem>>
        %dma_start3A_1908 = arith.constant 0 : i32
        %dma_start3A_1909 = tpu.memref_slice %arg2[%dma_start3A_1908, %mul3A_1899] : memref<16x1000000xf32, #tpu.memory_space<hbm>> -> memref<16x128xf32, #tpu.memory_space<hbm>>
        tpu.enqueue_dma source(%dma_start3A_1909 : memref<16x128xf32, #tpu.memory_space<hbm>>) target(%dma_start3A_1907 : memref<16x128xf32, #tpu.memory_space<vmem>>) target_semaphore(%arg17 : memref<!tpu.dma_semaphore, #tpu.memory_space<semaphore_mem>>)
        %slice3A_1910 = vector.extract_strided_slice %shift_right_arithmetic3A_1825 {offsets = [6], sizes = [1], strides = [1]} : vector<16xi32> to vector<1xi32>
        %squeeze3A_1911 = vector.extract %slice3A_1910[0] : i32 from vector<1xi32>
        %mul3A_1912 = arith.constant 128 : i32
        %mul3A_1913 = arith.muli %squeeze3A_1911, %mul3A_1912 : i32
        %dma_start3A_1914 = arith.constant 0 : i32
        %dma_start3A_1915 = arith.constant 768 : i32
        %dma_start3A_1916 = tpu.memref_slice %arg10[%dma_start3A_1914, %dma_start3A_1915] : memref<16x2048xf32, #tpu.memory_space<vmem>> -> memref<16x128xf32, #tpu.memory_space<vmem>>
        %dma_start3A_1917 = arith.constant 0 : i32
        %dma_start3A_1918 = tpu.memref_slice %arg2[%dma_start3A_1917, %mul3A_1913] : memref<16x1000000xf32, #tpu.memory_space<hbm>> -> memref<16x128xf32, #tpu.memory_space<hbm>>
        %dma_start3A_1919 = arith.constant 0 : i32
        %dma_start3A_1920 = arith.constant 768 : i32
        %dma_start3A_1921 = tpu.memref_slice %arg10[%dma_start3A_1919, %dma_start3A_1920] : memref<16x2048xf32, #tpu.memory_space<vmem>> -> memref<16x128xf32, #tpu.memory_space<vmem>>
        %dma_start3A_1922 = arith.constant 0 : i32
        %dma_start3A_1923 = tpu.memref_slice %arg2[%dma_start3A_1922, %mul3A_1913] : memref<16x1000000xf32, #tpu.memory_space<hbm>> -> memref<16x128xf32, #tpu.memory_space<hbm>>
        tpu.enqueue_dma source(%dma_start3A_1923 : memref<16x128xf32, #tpu.memory_space<hbm>>) target(%dma_start3A_1921 : memref<16x128xf32, #tpu.memory_space<vmem>>) target_semaphore(%arg17 : memref<!tpu.dma_semaphore, #tpu.memory_space<semaphore_mem>>)
        %slice3A_1924 = vector.extract_strided_slice %shift_right_arithmetic3A_1825 {offsets = [7], sizes = [1], strides = [1]} : vector<16xi32> to vector<1xi32>
        %squeeze3A_1925 = vector.extract %slice3A_1924[0] : i32 from vector<1xi32>
        %mul3A_1926 = arith.constant 128 : i32
        %mul3A_1927 = arith.muli %squeeze3A_1925, %mul3A_1926 : i32
        %dma_start3A_1928 = arith.constant 0 : i32
        %dma_start3A_1929 = arith.constant 896 : i32
        %dma_start3A_1930 = tpu.memref_slice %arg10[%dma_start3A_1928, %dma_start3A_1929] : memref<16x2048xf32, #tpu.memory_space<vmem>> -> memref<16x128xf32, #tpu.memory_space<vmem>>
        %dma_start3A_1931 = arith.constant 0 : i32
        %dma_start3A_1932 = tpu.memref_slice %arg2[%dma_start3A_1931, %mul3A_1927] : memref<16x1000000xf32, #tpu.memory_space<hbm>> -> memref<16x128xf32, #tpu.memory_space<hbm>>
        %dma_start3A_1933 = arith.constant 0 : i32
        %dma_start3A_1934 = arith.constant 896 : i32
        %dma_start3A_1935 = tpu.memref_slice %arg10[%dma_start3A_1933, %dma_start3A_1934] : memref<16x2048xf32, #tpu.memory_space<vmem>> -> memref<16x128xf32, #tpu.memory_space<vmem>>
        %dma_start3A_1936 = arith.constant 0 : i32
        %dma_start3A_1937 = tpu.memref_slice %arg2[%dma_start3A_1936, %mul3A_1927] : memref<16x1000000xf32, #tpu.memory_space<hbm>> -> memref<16x128xf32, #tpu.memory_space<hbm>>
        tpu.enqueue_dma source(%dma_start3A_1937 : memref<16x128xf32, #tpu.memory_space<hbm>>) target(%dma_start3A_1935 : memref<16x128xf32, #tpu.memory_space<vmem>>) target_semaphore(%arg17 : memref<!tpu.dma_semaphore, #tpu.memory_space<semaphore_mem>>)
        %slice3A_1938 = vector.extract_strided_slice %shift_right_arithmetic3A_1825 {offsets = [8], sizes = [1], strides = [1]} : vector<16xi32> to vector<1xi32>
        %squeeze3A_1939 = vector.extract %slice3A_1938[0] : i32 from vector<1xi32>
        %mul3A_1940 = arith.constant 128 : i32
        %mul3A_1941 = arith.muli %squeeze3A_1939, %mul3A_1940 : i32
        %dma_start3A_1942 = arith.constant 0 : i32
        %dma_start3A_1943 = arith.constant 1024 : i32
        %dma_start3A_1944 = tpu.memref_slice %arg10[%dma_start3A_1942, %dma_start3A_1943] : memref<16x2048xf32, #tpu.memory_space<vmem>> -> memref<16x128xf32, #tpu.memory_space<vmem>>
        %dma_start3A_1945 = arith.constant 0 : i32
        %dma_start3A_1946 = tpu.memref_slice %arg2[%dma_start3A_1945, %mul3A_1941] : memref<16x1000000xf32, #tpu.memory_space<hbm>> -> memref<16x128xf32, #tpu.memory_space<hbm>>
        %dma_start3A_1947 = arith.constant 0 : i32
        %dma_start3A_1948 = arith.constant 1024 : i32
        %dma_start3A_1949 = tpu.memref_slice %arg10[%dma_start3A_1947, %dma_start3A_1948] : memref<16x2048xf32, #tpu.memory_space<vmem>> -> memref<16x128xf32, #tpu.memory_space<vmem>>
        %dma_start3A_1950 = arith.constant 0 : i32
        %dma_start3A_1951 = tpu.memref_slice %arg2[%dma_start3A_1950, %mul3A_1941] : memref<16x1000000xf32, #tpu.memory_space<hbm>> -> memref<16x128xf32, #tpu.memory_space<hbm>>
        tpu.enqueue_dma source(%dma_start3A_1951 : memref<16x128xf32, #tpu.memory_space<hbm>>) target(%dma_start3A_1949 : memref<16x128xf32, #tpu.memory_space<vmem>>) target_semaphore(%arg17 : memref<!tpu.dma_semaphore, #tpu.memory_space<semaphore_mem>>)
        %slice3A_1952 = vector.extract_strided_slice %shift_right_arithmetic3A_1825 {offsets = [9], sizes = [1], strides = [1]} : vector<16xi32> to vector<1xi32>
        %squeeze3A_1953 = vector.extract %slice3A_1952[0] : i32 from vector<1xi32>
        %mul3A_1954 = arith.constant 128 : i32
        %mul3A_1955 = arith.muli %squeeze3A_1953, %mul3A_1954 : i32
        %dma_start3A_1956 = arith.constant 0 : i32
        %dma_start3A_1957 = arith.constant 1152 : i32
        %dma_start3A_1958 = tpu.memref_slice %arg10[%dma_start3A_1956, %dma_start3A_1957] : memref<16x2048xf32, #tpu.memory_space<vmem>> -> memref<16x128xf32, #tpu.memory_space<vmem>>
        %dma_start3A_1959 = arith.constant 0 : i32
        %dma_start3A_1960 = tpu.memref_slice %arg2[%dma_start3A_1959, %mul3A_1955] : memref<16x1000000xf32, #tpu.memory_space<hbm>> -> memref<16x128xf32, #tpu.memory_space<hbm>>
        %dma_start3A_1961 = arith.constant 0 : i32
        %dma_start3A_1962 = arith.constant 1152 : i32
        %dma_start3A_1963 = tpu.memref_slice %arg10[%dma_start3A_1961, %dma_start3A_1962] : memref<16x2048xf32, #tpu.memory_space<vmem>> -> memref<16x128xf32, #tpu.memory_space<vmem>>
        %dma_start3A_1964 = arith.constant 0 : i32
        %dma_start3A_1965 = tpu.memref_slice %arg2[%dma_start3A_1964, %mul3A_1955] : memref<16x1000000xf32, #tpu.memory_space<hbm>> -> memref<16x128xf32, #tpu.memory_space<hbm>>
        tpu.enqueue_dma source(%dma_start3A_1965 : memref<16x128xf32, #tpu.memory_space<hbm>>) target(%dma_start3A_1963 : memref<16x128xf32, #tpu.memory_space<vmem>>) target_semaphore(%arg17 : memref<!tpu.dma_semaphore, #tpu.memory_space<semaphore_mem>>)
        %slice3A_1966 = vector.extract_strided_slice %shift_right_arithmetic3A_1825 {offsets = [10], sizes = [1], strides = [1]} : vector<16xi32> to vector<1xi32>
        %squeeze3A_1967 = vector.extract %slice3A_1966[0] : i32 from vector<1xi32>
        %mul3A_1968 = arith.constant 128 : i32
        %mul3A_1969 = arith.muli %squeeze3A_1967, %mul3A_1968 : i32
        %dma_start3A_1970 = arith.constant 0 : i32
        %dma_start3A_1971 = arith.constant 1280 : i32
        %dma_start3A_1972 = tpu.memref_slice %arg10[%dma_start3A_1970, %dma_start3A_1971] : memref<16x2048xf32, #tpu.memory_space<vmem>> -> memref<16x128xf32, #tpu.memory_space<vmem>>
        %dma_start3A_1973 = arith.constant 0 : i32
        %dma_start3A_1974 = tpu.memref_slice %arg2[%dma_start3A_1973, %mul3A_1969] : memref<16x1000000xf32, #tpu.memory_space<hbm>> -> memref<16x128xf32, #tpu.memory_space<hbm>>
        %dma_start3A_1975 = arith.constant 0 : i32
        %dma_start3A_1976 = arith.constant 1280 : i32
        %dma_start3A_1977 = tpu.memref_slice %arg10[%dma_start3A_1975, %dma_start3A_1976] : memref<16x2048xf32, #tpu.memory_space<vmem>> -> memref<16x128xf32, #tpu.memory_space<vmem>>
        %dma_start3A_1978 = arith.constant 0 : i32
        %dma_start3A_1979 = tpu.memref_slice %arg2[%dma_start3A_1978, %mul3A_1969] : memref<16x1000000xf32, #tpu.memory_space<hbm>> -> memref<16x128xf32, #tpu.memory_space<hbm>>
        tpu.enqueue_dma source(%dma_start3A_1979 : memref<16x128xf32, #tpu.memory_space<hbm>>) target(%dma_start3A_1977 : memref<16x128xf32, #tpu.memory_space<vmem>>) target_semaphore(%arg17 : memref<!tpu.dma_semaphore, #tpu.memory_space<semaphore_mem>>)
        %slice3A_1980 = vector.extract_strided_slice %shift_right_arithmetic3A_1825 {offsets = [11], sizes = [1], strides = [1]} : vector<16xi32> to vector<1xi32>
        %squeeze3A_1981 = vector.extract %slice3A_1980[0] : i32 from vector<1xi32>
        %mul3A_1982 = arith.constant 128 : i32
        %mul3A_1983 = arith.muli %squeeze3A_1981, %mul3A_1982 : i32
        %dma_start3A_1984 = arith.constant 0 : i32
        %dma_start3A_1985 = arith.constant 1408 : i32
        %dma_start3A_1986 = tpu.memref_slice %arg10[%dma_start3A_1984, %dma_start3A_1985] : memref<16x2048xf32, #tpu.memory_space<vmem>> -> memref<16x128xf32, #tpu.memory_space<vmem>>
        %dma_start3A_1987 = arith.constant 0 : i32
        %dma_start3A_1988 = tpu.memref_slice %arg2[%dma_start3A_1987, %mul3A_1983] : memref<16x1000000xf32, #tpu.memory_space<hbm>> -> memref<16x128xf32, #tpu.memory_space<hbm>>
        %dma_start3A_1989 = arith.constant 0 : i32
        %dma_start3A_1990 = arith.constant 1408 : i32
        %dma_start3A_1991 = tpu.memref_slice %arg10[%dma_start3A_1989, %dma_start3A_1990] : memref<16x2048xf32, #tpu.memory_space<vmem>> -> memref<16x128xf32, #tpu.memory_space<vmem>>
        %dma_start3A_1992 = arith.constant 0 : i32
        %dma_start3A_1993 = tpu.memref_slice %arg2[%dma_start3A_1992, %mul3A_1983] : memref<16x1000000xf32, #tpu.memory_space<hbm>> -> memref<16x128xf32, #tpu.memory_space<hbm>>
        tpu.enqueue_dma source(%dma_start3A_1993 : memref<16x128xf32, #tpu.memory_space<hbm>>) target(%dma_start3A_1991 : memref<16x128xf32, #tpu.memory_space<vmem>>) target_semaphore(%arg17 : memref<!tpu.dma_semaphore, #tpu.memory_space<semaphore_mem>>)
        %slice3A_1994 = vector.extract_strided_slice %shift_right_arithmetic3A_1825 {offsets = [12], sizes = [1], strides = [1]} : vector<16xi32> to vector<1xi32>
        %squeeze3A_1995 = vector.extract %slice3A_1994[0] : i32 from vector<1xi32>
        %mul3A_1996 = arith.constant 128 : i32
        %mul3A_1997 = arith.muli %squeeze3A_1995, %mul3A_1996 : i32
        %dma_start3A_1998 = arith.constant 0 : i32
        %dma_start3A_1999 = arith.constant 1536 : i32
        %dma_start3A_2000 = tpu.memref_slice %arg10[%dma_start3A_1998, %dma_start3A_1999] : memref<16x2048xf32, #tpu.memory_space<vmem>> -> memref<16x128xf32, #tpu.memory_space<vmem>>
        %dma_start3A_2001 = arith.constant 0 : i32
        %dma_start3A_2002 = tpu.memref_slice %arg2[%dma_start3A_2001, %mul3A_1997] : memref<16x1000000xf32, #tpu.memory_space<hbm>> -> memref<16x128xf32, #tpu.memory_space<hbm>>
        %dma_start3A_2003 = arith.constant 0 : i32
        %dma_start3A_2004 = arith.constant 1536 : i32
        %dma_start3A_2005 = tpu.memref_slice %arg10[%dma_start3A_2003, %dma_start3A_2004] : memref<16x2048xf32, #tpu.memory_space<vmem>> -> memref<16x128xf32, #tpu.memory_space<vmem>>
        %dma_start3A_2006 = arith.constant 0 : i32
        %dma_start3A_2007 = tpu.memref_slice %arg2[%dma_start3A_2006, %mul3A_1997] : memref<16x1000000xf32, #tpu.memory_space<hbm>> -> memref<16x128xf32, #tpu.memory_space<hbm>>
        tpu.enqueue_dma source(%dma_start3A_2007 : memref<16x128xf32, #tpu.memory_space<hbm>>) target(%dma_start3A_2005 : memref<16x128xf32, #tpu.memory_space<vmem>>) target_semaphore(%arg17 : memref<!tpu.dma_semaphore, #tpu.memory_space<semaphore_mem>>)
        %slice3A_2008 = vector.extract_strided_slice %shift_right_arithmetic3A_1825 {offsets = [13], sizes = [1], strides = [1]} : vector<16xi32> to vector<1xi32>
        %squeeze3A_2009 = vector.extract %slice3A_2008[0] : i32 from vector<1xi32>
        %mul3A_2010 = arith.constant 128 : i32
        %mul3A_2011 = arith.muli %squeeze3A_2009, %mul3A_2010 : i32
        %dma_start3A_2012 = arith.constant 0 : i32
        %dma_start3A_2013 = arith.constant 1664 : i32
        %dma_start3A_2014 = tpu.memref_slice %arg10[%dma_start3A_2012, %dma_start3A_2013] : memref<16x2048xf32, #tpu.memory_space<vmem>> -> memref<16x128xf32, #tpu.memory_space<vmem>>
        %dma_start3A_2015 = arith.constant 0 : i32
        %dma_start3A_2016 = tpu.memref_slice %arg2[%dma_start3A_2015, %mul3A_2011] : memref<16x1000000xf32, #tpu.memory_space<hbm>> -> memref<16x128xf32, #tpu.memory_space<hbm>>
        %dma_start3A_2017 = arith.constant 0 : i32
        %dma_start3A_2018 = arith.constant 1664 : i32
        %dma_start3A_2019 = tpu.memref_slice %arg10[%dma_start3A_2017, %dma_start3A_2018] : memref<16x2048xf32, #tpu.memory_space<vmem>> -> memref<16x128xf32, #tpu.memory_space<vmem>>
        %dma_start3A_2020 = arith.constant 0 : i32
        %dma_start3A_2021 = tpu.memref_slice %arg2[%dma_start3A_2020, %mul3A_2011] : memref<16x1000000xf32, #tpu.memory_space<hbm>> -> memref<16x128xf32, #tpu.memory_space<hbm>>
        tpu.enqueue_dma source(%dma_start3A_2021 : memref<16x128xf32, #tpu.memory_space<hbm>>) target(%dma_start3A_2019 : memref<16x128xf32, #tpu.memory_space<vmem>>) target_semaphore(%arg17 : memref<!tpu.dma_semaphore, #tpu.memory_space<semaphore_mem>>)
        %slice3A_2022 = vector.extract_strided_slice %shift_right_arithmetic3A_1825 {offsets = [14], sizes = [1], strides = [1]} : vector<16xi32> to vector<1xi32>
        %squeeze3A_2023 = vector.extract %slice3A_2022[0] : i32 from vector<1xi32>
        %mul3A_2024 = arith.constant 128 : i32
        %mul3A_2025 = arith.muli %squeeze3A_2023, %mul3A_2024 : i32
        %dma_start3A_2026 = arith.constant 0 : i32
        %dma_start3A_2027 = arith.constant 1792 : i32
        %dma_start3A_2028 = tpu.memref_slice %arg10[%dma_start3A_2026, %dma_start3A_2027] : memref<16x2048xf32, #tpu.memory_space<vmem>> -> memref<16x128xf32, #tpu.memory_space<vmem>>
        %dma_start3A_2029 = arith.constant 0 : i32
        %dma_start3A_2030 = tpu.memref_slice %arg2[%dma_start3A_2029, %mul3A_2025] : memref<16x1000000xf32, #tpu.memory_space<hbm>> -> memref<16x128xf32, #tpu.memory_space<hbm>>
        %dma_start3A_2031 = arith.constant 0 : i32
        %dma_start3A_2032 = arith.constant 1792 : i32
        %dma_start3A_2033 = tpu.memref_slice %arg10[%dma_start3A_2031, %dma_start3A_2032] : memref<16x2048xf32, #tpu.memory_space<vmem>> -> memref<16x128xf32, #tpu.memory_space<vmem>>
        %dma_start3A_2034 = arith.constant 0 : i32
        %dma_start3A_2035 = tpu.memref_slice %arg2[%dma_start3A_2034, %mul3A_2025] : memref<16x1000000xf32, #tpu.memory_space<hbm>> -> memref<16x128xf32, #tpu.memory_space<hbm>>
        tpu.enqueue_dma source(%dma_start3A_2035 : memref<16x128xf32, #tpu.memory_space<hbm>>) target(%dma_start3A_2033 : memref<16x128xf32, #tpu.memory_space<vmem>>) target_semaphore(%arg17 : memref<!tpu.dma_semaphore, #tpu.memory_space<semaphore_mem>>)
        %slice3A_2036 = vector.extract_strided_slice %shift_right_arithmetic3A_1825 {offsets = [15], sizes = [1], strides = [1]} : vector<16xi32> to vector<1xi32>
        %squeeze3A_2037 = vector.extract %slice3A_2036[0] : i32 from vector<1xi32>
        %mul3A_2038 = arith.constant 128 : i32
        %mul3A_2039 = arith.muli %squeeze3A_2037, %mul3A_2038 : i32
        %dma_start3A_2040 = arith.constant 0 : i32
        %dma_start3A_2041 = arith.constant 1920 : i32
        %dma_start3A_2042 = tpu.memref_slice %arg10[%dma_start3A_2040, %dma_start3A_2041] : memref<16x2048xf32, #tpu.memory_space<vmem>> -> memref<16x128xf32, #tpu.memory_space<vmem>>
        %dma_start3A_2043 = arith.constant 0 : i32
        %dma_start3A_2044 = tpu.memref_slice %arg2[%dma_start3A_2043, %mul3A_2039] : memref<16x1000000xf32, #tpu.memory_space<hbm>> -> memref<16x128xf32, #tpu.memory_space<hbm>>
        %dma_start3A_2045 = arith.constant 0 : i32
        %dma_start3A_2046 = arith.constant 1920 : i32
        %dma_start3A_2047 = tpu.memref_slice %arg10[%dma_start3A_2045, %dma_start3A_2046] : memref<16x2048xf32, #tpu.memory_space<vmem>> -> memref<16x128xf32, #tpu.memory_space<vmem>>
        %dma_start3A_2048 = arith.constant 0 : i32
        %dma_start3A_2049 = tpu.memref_slice %arg2[%dma_start3A_2048, %mul3A_2039] : memref<16x1000000xf32, #tpu.memory_space<hbm>> -> memref<16x128xf32, #tpu.memory_space<hbm>>
        tpu.enqueue_dma source(%dma_start3A_2049 : memref<16x128xf32, #tpu.memory_space<hbm>>) target(%dma_start3A_2047 : memref<16x128xf32, #tpu.memory_space<vmem>>) target_semaphore(%arg17 : memref<!tpu.dma_semaphore, #tpu.memory_space<semaphore_mem>>)
      } else {
      }
      %dma_wait3A_1158 = arith.constant 0 : i32
      %dma_wait3A_1159 = arith.constant 0 : i32
      %dma_wait3A_1160 = tpu.memref_slice %arg3[%dma_wait3A_1158, %dma_wait3A_1159] : memref<12500x128xf32, #tpu.memory_space<hbm>> -> memref<16x128xf32, #tpu.memory_space<hbm>>
      %dma_wait3A_1161 = arith.constant 0 : i32
      %dma_wait3A_1162 = arith.constant 0 : i32
      %dma_wait3A_1163 = tpu.memref_slice %arg3[%dma_wait3A_1161, %dma_wait3A_1162] : memref<12500x128xf32, #tpu.memory_space<hbm>> -> memref<16x128xf32, #tpu.memory_space<hbm>>
      tpu.wait_dma2 semaphore(%arg18 : memref<!tpu.dma_semaphore, #tpu.memory_space<semaphore_mem>>) src(%dma_wait3A_1163 : memref<16x128xf32, #tpu.memory_space<hbm>>) dst(%arg13 : memref<16x128xf32, #tpu.memory_space<vmem>>)
      %dma_wait3A_1164 = arith.constant 0 : i32
      %dma_wait3A_1165 = arith.constant 0 : i32
      %dma_wait3A_1166 = tpu.memref_slice %arg4[%dma_wait3A_1164, %dma_wait3A_1165] : memref<782x128xf32, #tpu.memory_space<hbm>> -> memref<16x128xf32, #tpu.memory_space<hbm>>
      %dma_wait3A_1167 = arith.constant 0 : i32
      %dma_wait3A_1168 = arith.constant 0 : i32
      %dma_wait3A_1169 = tpu.memref_slice %arg4[%dma_wait3A_1167, %dma_wait3A_1168] : memref<782x128xf32, #tpu.memory_space<hbm>> -> memref<16x128xf32, #tpu.memory_space<hbm>>
      tpu.wait_dma2 semaphore(%arg18 : memref<!tpu.dma_semaphore, #tpu.memory_space<semaphore_mem>>) src(%dma_wait3A_1169 : memref<16x128xf32, #tpu.memory_space<hbm>>) dst(%arg15 : memref<16x128xf32, #tpu.memory_space<vmem>>)
      %dma_wait3A_1170 = arith.constant 0 : i32
      %dma_wait3A_1171 = arith.constant 0 : i32
      %dma_wait3A_1172 = tpu.memref_slice %arg11[%dma_wait3A_1170, %dma_wait3A_1171] : memref<16x2048xf32, #tpu.memory_space<vmem>> -> memref<16x128xf32, #tpu.memory_space<vmem>>
      %dma_wait3A_1173 = arith.constant 0 : i32
      %dma_wait3A_1174 = arith.constant 0 : i32
      %dma_wait3A_1175 = tpu.memref_slice %arg2[%dma_wait3A_1173, %dma_wait3A_1174] : memref<16x1000000xf32, #tpu.memory_space<hbm>> -> memref<16x128xf32, #tpu.memory_space<hbm>>
      %dma_wait3A_1176 = arith.constant 0 : i32
      %dma_wait3A_1177 = arith.constant 0 : i32
      %dma_wait3A_1178 = tpu.memref_slice %arg11[%dma_wait3A_1176, %dma_wait3A_1177] : memref<16x2048xf32, #tpu.memory_space<vmem>> -> memref<16x128xf32, #tpu.memory_space<vmem>>
      %dma_wait3A_1179 = arith.constant 0 : i32
      %dma_wait3A_1180 = arith.constant 0 : i32
      %dma_wait3A_1181 = tpu.memref_slice %arg2[%dma_wait3A_1179, %dma_wait3A_1180] : memref<16x1000000xf32, #tpu.memory_space<hbm>> -> memref<16x128xf32, #tpu.memory_space<hbm>>
      tpu.wait_dma2 semaphore(%arg18 : memref<!tpu.dma_semaphore, #tpu.memory_space<semaphore_mem>>) src(%dma_wait3A_1181 : memref<16x128xf32, #tpu.memory_space<hbm>>) dst(%dma_wait3A_1178 : memref<16x128xf32, #tpu.memory_space<vmem>>)
      %dma_wait3A_1182 = arith.constant 0 : i32
      %dma_wait3A_1183 = arith.constant 128 : i32
      %dma_wait3A_1184 = tpu.memref_slice %arg11[%dma_wait3A_1182, %dma_wait3A_1183] : memref<16x2048xf32, #tpu.memory_space<vmem>> -> memref<16x128xf32, #tpu.memory_space<vmem>>
      %dma_wait3A_1185 = arith.constant 0 : i32
      %dma_wait3A_1186 = arith.constant 0 : i32
      %dma_wait3A_1187 = tpu.memref_slice %arg2[%dma_wait3A_1185, %dma_wait3A_1186] : memref<16x1000000xf32, #tpu.memory_space<hbm>> -> memref<16x128xf32, #tpu.memory_space<hbm>>
      %dma_wait3A_1188 = arith.constant 0 : i32
      %dma_wait3A_1189 = arith.constant 128 : i32
      %dma_wait3A_1190 = tpu.memref_slice %arg11[%dma_wait3A_1188, %dma_wait3A_1189] : memref<16x2048xf32, #tpu.memory_space<vmem>> -> memref<16x128xf32, #tpu.memory_space<vmem>>
      %dma_wait3A_1191 = arith.constant 0 : i32
      %dma_wait3A_1192 = arith.constant 0 : i32
      %dma_wait3A_1193 = tpu.memref_slice %arg2[%dma_wait3A_1191, %dma_wait3A_1192] : memref<16x1000000xf32, #tpu.memory_space<hbm>> -> memref<16x128xf32, #tpu.memory_space<hbm>>
      tpu.wait_dma2 semaphore(%arg18 : memref<!tpu.dma_semaphore, #tpu.memory_space<semaphore_mem>>) src(%dma_wait3A_1193 : memref<16x128xf32, #tpu.memory_space<hbm>>) dst(%dma_wait3A_1190 : memref<16x128xf32, #tpu.memory_space<vmem>>)
      %dma_wait3A_1194 = arith.constant 0 : i32
      %dma_wait3A_1195 = arith.constant 256 : i32
      %dma_wait3A_1196 = tpu.memref_slice %arg11[%dma_wait3A_1194, %dma_wait3A_1195] : memref<16x2048xf32, #tpu.memory_space<vmem>> -> memref<16x128xf32, #tpu.memory_space<vmem>>
      %dma_wait3A_1197 = arith.constant 0 : i32
      %dma_wait3A_1198 = arith.constant 0 : i32
      %dma_wait3A_1199 = tpu.memref_slice %arg2[%dma_wait3A_1197, %dma_wait3A_1198] : memref<16x1000000xf32, #tpu.memory_space<hbm>> -> memref<16x128xf32, #tpu.memory_space<hbm>>
      %dma_wait3A_1200 = arith.constant 0 : i32
      %dma_wait3A_1201 = arith.constant 256 : i32
      %dma_wait3A_1202 = tpu.memref_slice %arg11[%dma_wait3A_1200, %dma_wait3A_1201] : memref<16x2048xf32, #tpu.memory_space<vmem>> -> memref<16x128xf32, #tpu.memory_space<vmem>>
      %dma_wait3A_1203 = arith.constant 0 : i32
      %dma_wait3A_1204 = arith.constant 0 : i32
      %dma_wait3A_1205 = tpu.memref_slice %arg2[%dma_wait3A_1203, %dma_wait3A_1204] : memref<16x1000000xf32, #tpu.memory_space<hbm>> -> memref<16x128xf32, #tpu.memory_space<hbm>>
      tpu.wait_dma2 semaphore(%arg18 : memref<!tpu.dma_semaphore, #tpu.memory_space<semaphore_mem>>) src(%dma_wait3A_1205 : memref<16x128xf32, #tpu.memory_space<hbm>>) dst(%dma_wait3A_1202 : memref<16x128xf32, #tpu.memory_space<vmem>>)
      %dma_wait3A_1206 = arith.constant 0 : i32
      %dma_wait3A_1207 = arith.constant 384 : i32
      %dma_wait3A_1208 = tpu.memref_slice %arg11[%dma_wait3A_1206, %dma_wait3A_1207] : memref<16x2048xf32, #tpu.memory_space<vmem>> -> memref<16x128xf32, #tpu.memory_space<vmem>>
      %dma_wait3A_1209 = arith.constant 0 : i32
      %dma_wait3A_1210 = arith.constant 0 : i32
      %dma_wait3A_1211 = tpu.memref_slice %arg2[%dma_wait3A_1209, %dma_wait3A_1210] : memref<16x1000000xf32, #tpu.memory_space<hbm>> -> memref<16x128xf32, #tpu.memory_space<hbm>>
      %dma_wait3A_1212 = arith.constant 0 : i32
      %dma_wait3A_1213 = arith.constant 384 : i32
      %dma_wait3A_1214 = tpu.memref_slice %arg11[%dma_wait3A_1212, %dma_wait3A_1213] : memref<16x2048xf32, #tpu.memory_space<vmem>> -> memref<16x128xf32, #tpu.memory_space<vmem>>
      %dma_wait3A_1215 = arith.constant 0 : i32
      %dma_wait3A_1216 = arith.constant 0 : i32
      %dma_wait3A_1217 = tpu.memref_slice %arg2[%dma_wait3A_1215, %dma_wait3A_1216] : memref<16x1000000xf32, #tpu.memory_space<hbm>> -> memref<16x128xf32, #tpu.memory_space<hbm>>
      tpu.wait_dma2 semaphore(%arg18 : memref<!tpu.dma_semaphore, #tpu.memory_space<semaphore_mem>>) src(%dma_wait3A_1217 : memref<16x128xf32, #tpu.memory_space<hbm>>) dst(%dma_wait3A_1214 : memref<16x128xf32, #tpu.memory_space<vmem>>)
      %dma_wait3A_1218 = arith.constant 0 : i32
      %dma_wait3A_1219 = arith.constant 512 : i32
      %dma_wait3A_1220 = tpu.memref_slice %arg11[%dma_wait3A_1218, %dma_wait3A_1219] : memref<16x2048xf32, #tpu.memory_space<vmem>> -> memref<16x128xf32, #tpu.memory_space<vmem>>
      %dma_wait3A_1221 = arith.constant 0 : i32
      %dma_wait3A_1222 = arith.constant 0 : i32
      %dma_wait3A_1223 = tpu.memref_slice %arg2[%dma_wait3A_1221, %dma_wait3A_1222] : memref<16x1000000xf32, #tpu.memory_space<hbm>> -> memref<16x128xf32, #tpu.memory_space<hbm>>
      %dma_wait3A_1224 = arith.constant 0 : i32
      %dma_wait3A_1225 = arith.constant 512 : i32
      %dma_wait3A_1226 = tpu.memref_slice %arg11[%dma_wait3A_1224, %dma_wait3A_1225] : memref<16x2048xf32, #tpu.memory_space<vmem>> -> memref<16x128xf32, #tpu.memory_space<vmem>>
      %dma_wait3A_1227 = arith.constant 0 : i32
      %dma_wait3A_1228 = arith.constant 0 : i32
      %dma_wait3A_1229 = tpu.memref_slice %arg2[%dma_wait3A_1227, %dma_wait3A_1228] : memref<16x1000000xf32, #tpu.memory_space<hbm>> -> memref<16x128xf32, #tpu.memory_space<hbm>>
      tpu.wait_dma2 semaphore(%arg18 : memref<!tpu.dma_semaphore, #tpu.memory_space<semaphore_mem>>) src(%dma_wait3A_1229 : memref<16x128xf32, #tpu.memory_space<hbm>>) dst(%dma_wait3A_1226 : memref<16x128xf32, #tpu.memory_space<vmem>>)
      %dma_wait3A_1230 = arith.constant 0 : i32
      %dma_wait3A_1231 = arith.constant 640 : i32
      %dma_wait3A_1232 = tpu.memref_slice %arg11[%dma_wait3A_1230, %dma_wait3A_1231] : memref<16x2048xf32, #tpu.memory_space<vmem>> -> memref<16x128xf32, #tpu.memory_space<vmem>>
      %dma_wait3A_1233 = arith.constant 0 : i32
      %dma_wait3A_1234 = arith.constant 0 : i32
      %dma_wait3A_1235 = tpu.memref_slice %arg2[%dma_wait3A_1233, %dma_wait3A_1234] : memref<16x1000000xf32, #tpu.memory_space<hbm>> -> memref<16x128xf32, #tpu.memory_space<hbm>>
      %dma_wait3A_1236 = arith.constant 0 : i32
      %dma_wait3A_1237 = arith.constant 640 : i32
      %dma_wait3A_1238 = tpu.memref_slice %arg11[%dma_wait3A_1236, %dma_wait3A_1237] : memref<16x2048xf32, #tpu.memory_space<vmem>> -> memref<16x128xf32, #tpu.memory_space<vmem>>
      %dma_wait3A_1239 = arith.constant 0 : i32
      %dma_wait3A_1240 = arith.constant 0 : i32
      %dma_wait3A_1241 = tpu.memref_slice %arg2[%dma_wait3A_1239, %dma_wait3A_1240] : memref<16x1000000xf32, #tpu.memory_space<hbm>> -> memref<16x128xf32, #tpu.memory_space<hbm>>
      tpu.wait_dma2 semaphore(%arg18 : memref<!tpu.dma_semaphore, #tpu.memory_space<semaphore_mem>>) src(%dma_wait3A_1241 : memref<16x128xf32, #tpu.memory_space<hbm>>) dst(%dma_wait3A_1238 : memref<16x128xf32, #tpu.memory_space<vmem>>)
      %dma_wait3A_1242 = arith.constant 0 : i32
      %dma_wait3A_1243 = arith.constant 768 : i32
      %dma_wait3A_1244 = tpu.memref_slice %arg11[%dma_wait3A_1242, %dma_wait3A_1243] : memref<16x2048xf32, #tpu.memory_space<vmem>> -> memref<16x128xf32, #tpu.memory_space<vmem>>
      %dma_wait3A_1245 = arith.constant 0 : i32
      %dma_wait3A_1246 = arith.constant 0 : i32
      %dma_wait3A_1247 = tpu.memref_slice %arg2[%dma_wait3A_1245, %dma_wait3A_1246] : memref<16x1000000xf32, #tpu.memory_space<hbm>> -> memref<16x128xf32, #tpu.memory_space<hbm>>
      %dma_wait3A_1248 = arith.constant 0 : i32
      %dma_wait3A_1249 = arith.constant 768 : i32
      %dma_wait3A_1250 = tpu.memref_slice %arg11[%dma_wait3A_1248, %dma_wait3A_1249] : memref<16x2048xf32, #tpu.memory_space<vmem>> -> memref<16x128xf32, #tpu.memory_space<vmem>>
      %dma_wait3A_1251 = arith.constant 0 : i32
      %dma_wait3A_1252 = arith.constant 0 : i32
      %dma_wait3A_1253 = tpu.memref_slice %arg2[%dma_wait3A_1251, %dma_wait3A_1252] : memref<16x1000000xf32, #tpu.memory_space<hbm>> -> memref<16x128xf32, #tpu.memory_space<hbm>>
      tpu.wait_dma2 semaphore(%arg18 : memref<!tpu.dma_semaphore, #tpu.memory_space<semaphore_mem>>) src(%dma_wait3A_1253 : memref<16x128xf32, #tpu.memory_space<hbm>>) dst(%dma_wait3A_1250 : memref<16x128xf32, #tpu.memory_space<vmem>>)
      %dma_wait3A_1254 = arith.constant 0 : i32
      %dma_wait3A_1255 = arith.constant 896 : i32
      %dma_wait3A_1256 = tpu.memref_slice %arg11[%dma_wait3A_1254, %dma_wait3A_1255] : memref<16x2048xf32, #tpu.memory_space<vmem>> -> memref<16x128xf32, #tpu.memory_space<vmem>>
      %dma_wait3A_1257 = arith.constant 0 : i32
      %dma_wait3A_1258 = arith.constant 0 : i32
      %dma_wait3A_1259 = tpu.memref_slice %arg2[%dma_wait3A_1257, %dma_wait3A_1258] : memref<16x1000000xf32, #tpu.memory_space<hbm>> -> memref<16x128xf32, #tpu.memory_space<hbm>>
      %dma_wait3A_1260 = arith.constant 0 : i32
      %dma_wait3A_1261 = arith.constant 896 : i32
      %dma_wait3A_1262 = tpu.memref_slice %arg11[%dma_wait3A_1260, %dma_wait3A_1261] : memref<16x2048xf32, #tpu.memory_space<vmem>> -> memref<16x128xf32, #tpu.memory_space<vmem>>
      %dma_wait3A_1263 = arith.constant 0 : i32
      %dma_wait3A_1264 = arith.constant 0 : i32
      %dma_wait3A_1265 = tpu.memref_slice %arg2[%dma_wait3A_1263, %dma_wait3A_1264] : memref<16x1000000xf32, #tpu.memory_space<hbm>> -> memref<16x128xf32, #tpu.memory_space<hbm>>
      tpu.wait_dma2 semaphore(%arg18 : memref<!tpu.dma_semaphore, #tpu.memory_space<semaphore_mem>>) src(%dma_wait3A_1265 : memref<16x128xf32, #tpu.memory_space<hbm>>) dst(%dma_wait3A_1262 : memref<16x128xf32, #tpu.memory_space<vmem>>)
      %dma_wait3A_1266 = arith.constant 0 : i32
      %dma_wait3A_1267 = arith.constant 1024 : i32
      %dma_wait3A_1268 = tpu.memref_slice %arg11[%dma_wait3A_1266, %dma_wait3A_1267] : memref<16x2048xf32, #tpu.memory_space<vmem>> -> memref<16x128xf32, #tpu.memory_space<vmem>>
      %dma_wait3A_1269 = arith.constant 0 : i32
      %dma_wait3A_1270 = arith.constant 0 : i32
      %dma_wait3A_1271 = tpu.memref_slice %arg2[%dma_wait3A_1269, %dma_wait3A_1270] : memref<16x1000000xf32, #tpu.memory_space<hbm>> -> memref<16x128xf32, #tpu.memory_space<hbm>>
      %dma_wait3A_1272 = arith.constant 0 : i32
      %dma_wait3A_1273 = arith.constant 1024 : i32
      %dma_wait3A_1274 = tpu.memref_slice %arg11[%dma_wait3A_1272, %dma_wait3A_1273] : memref<16x2048xf32, #tpu.memory_space<vmem>> -> memref<16x128xf32, #tpu.memory_space<vmem>>
      %dma_wait3A_1275 = arith.constant 0 : i32
      %dma_wait3A_1276 = arith.constant 0 : i32
      %dma_wait3A_1277 = tpu.memref_slice %arg2[%dma_wait3A_1275, %dma_wait3A_1276] : memref<16x1000000xf32, #tpu.memory_space<hbm>> -> memref<16x128xf32, #tpu.memory_space<hbm>>
      tpu.wait_dma2 semaphore(%arg18 : memref<!tpu.dma_semaphore, #tpu.memory_space<semaphore_mem>>) src(%dma_wait3A_1277 : memref<16x128xf32, #tpu.memory_space<hbm>>) dst(%dma_wait3A_1274 : memref<16x128xf32, #tpu.memory_space<vmem>>)
      %dma_wait3A_1278 = arith.constant 0 : i32
      %dma_wait3A_1279 = arith.constant 1152 : i32
      %dma_wait3A_1280 = tpu.memref_slice %arg11[%dma_wait3A_1278, %dma_wait3A_1279] : memref<16x2048xf32, #tpu.memory_space<vmem>> -> memref<16x128xf32, #tpu.memory_space<vmem>>
      %dma_wait3A_1281 = arith.constant 0 : i32
      %dma_wait3A_1282 = arith.constant 0 : i32
      %dma_wait3A_1283 = tpu.memref_slice %arg2[%dma_wait3A_1281, %dma_wait3A_1282] : memref<16x1000000xf32, #tpu.memory_space<hbm>> -> memref<16x128xf32, #tpu.memory_space<hbm>>
      %dma_wait3A_1284 = arith.constant 0 : i32
      %dma_wait3A_1285 = arith.constant 1152 : i32
      %dma_wait3A_1286 = tpu.memref_slice %arg11[%dma_wait3A_1284, %dma_wait3A_1285] : memref<16x2048xf32, #tpu.memory_space<vmem>> -> memref<16x128xf32, #tpu.memory_space<vmem>>
      %dma_wait3A_1287 = arith.constant 0 : i32
      %dma_wait3A_1288 = arith.constant 0 : i32
      %dma_wait3A_1289 = tpu.memref_slice %arg2[%dma_wait3A_1287, %dma_wait3A_1288] : memref<16x1000000xf32, #tpu.memory_space<hbm>> -> memref<16x128xf32, #tpu.memory_space<hbm>>
      tpu.wait_dma2 semaphore(%arg18 : memref<!tpu.dma_semaphore, #tpu.memory_space<semaphore_mem>>) src(%dma_wait3A_1289 : memref<16x128xf32, #tpu.memory_space<hbm>>) dst(%dma_wait3A_1286 : memref<16x128xf32, #tpu.memory_space<vmem>>)
      %dma_wait3A_1290 = arith.constant 0 : i32
      %dma_wait3A_1291 = arith.constant 1280 : i32
      %dma_wait3A_1292 = tpu.memref_slice %arg11[%dma_wait3A_1290, %dma_wait3A_1291] : memref<16x2048xf32, #tpu.memory_space<vmem>> -> memref<16x128xf32, #tpu.memory_space<vmem>>
      %dma_wait3A_1293 = arith.constant 0 : i32
      %dma_wait3A_1294 = arith.constant 0 : i32
      %dma_wait3A_1295 = tpu.memref_slice %arg2[%dma_wait3A_1293, %dma_wait3A_1294] : memref<16x1000000xf32, #tpu.memory_space<hbm>> -> memref<16x128xf32, #tpu.memory_space<hbm>>
      %dma_wait3A_1296 = arith.constant 0 : i32
      %dma_wait3A_1297 = arith.constant 1280 : i32
      %dma_wait3A_1298 = tpu.memref_slice %arg11[%dma_wait3A_1296, %dma_wait3A_1297] : memref<16x2048xf32, #tpu.memory_space<vmem>> -> memref<16x128xf32, #tpu.memory_space<vmem>>
      %dma_wait3A_1299 = arith.constant 0 : i32
      %dma_wait3A_1300 = arith.constant 0 : i32
      %dma_wait3A_1301 = tpu.memref_slice %arg2[%dma_wait3A_1299, %dma_wait3A_1300] : memref<16x1000000xf32, #tpu.memory_space<hbm>> -> memref<16x128xf32, #tpu.memory_space<hbm>>
      tpu.wait_dma2 semaphore(%arg18 : memref<!tpu.dma_semaphore, #tpu.memory_space<semaphore_mem>>) src(%dma_wait3A_1301 : memref<16x128xf32, #tpu.memory_space<hbm>>) dst(%dma_wait3A_1298 : memref<16x128xf32, #tpu.memory_space<vmem>>)
      %dma_wait3A_1302 = arith.constant 0 : i32
      %dma_wait3A_1303 = arith.constant 1408 : i32
      %dma_wait3A_1304 = tpu.memref_slice %arg11[%dma_wait3A_1302, %dma_wait3A_1303] : memref<16x2048xf32, #tpu.memory_space<vmem>> -> memref<16x128xf32, #tpu.memory_space<vmem>>
      %dma_wait3A_1305 = arith.constant 0 : i32
      %dma_wait3A_1306 = arith.constant 0 : i32
      %dma_wait3A_1307 = tpu.memref_slice %arg2[%dma_wait3A_1305, %dma_wait3A_1306] : memref<16x1000000xf32, #tpu.memory_space<hbm>> -> memref<16x128xf32, #tpu.memory_space<hbm>>
      %dma_wait3A_1308 = arith.constant 0 : i32
      %dma_wait3A_1309 = arith.constant 1408 : i32
      %dma_wait3A_1310 = tpu.memref_slice %arg11[%dma_wait3A_1308, %dma_wait3A_1309] : memref<16x2048xf32, #tpu.memory_space<vmem>> -> memref<16x128xf32, #tpu.memory_space<vmem>>
      %dma_wait3A_1311 = arith.constant 0 : i32
      %dma_wait3A_1312 = arith.constant 0 : i32
      %dma_wait3A_1313 = tpu.memref_slice %arg2[%dma_wait3A_1311, %dma_wait3A_1312] : memref<16x1000000xf32, #tpu.memory_space<hbm>> -> memref<16x128xf32, #tpu.memory_space<hbm>>
      tpu.wait_dma2 semaphore(%arg18 : memref<!tpu.dma_semaphore, #tpu.memory_space<semaphore_mem>>) src(%dma_wait3A_1313 : memref<16x128xf32, #tpu.memory_space<hbm>>) dst(%dma_wait3A_1310 : memref<16x128xf32, #tpu.memory_space<vmem>>)
      %dma_wait3A_1314 = arith.constant 0 : i32
      %dma_wait3A_1315 = arith.constant 1536 : i32
      %dma_wait3A_1316 = tpu.memref_slice %arg11[%dma_wait3A_1314, %dma_wait3A_1315] : memref<16x2048xf32, #tpu.memory_space<vmem>> -> memref<16x128xf32, #tpu.memory_space<vmem>>
      %dma_wait3A_1317 = arith.constant 0 : i32
      %dma_wait3A_1318 = arith.constant 0 : i32
      %dma_wait3A_1319 = tpu.memref_slice %arg2[%dma_wait3A_1317, %dma_wait3A_1318] : memref<16x1000000xf32, #tpu.memory_space<hbm>> -> memref<16x128xf32, #tpu.memory_space<hbm>>
      %dma_wait3A_1320 = arith.constant 0 : i32
      %dma_wait3A_1321 = arith.constant 1536 : i32
      %dma_wait3A_1322 = tpu.memref_slice %arg11[%dma_wait3A_1320, %dma_wait3A_1321] : memref<16x2048xf32, #tpu.memory_space<vmem>> -> memref<16x128xf32, #tpu.memory_space<vmem>>
      %dma_wait3A_1323 = arith.constant 0 : i32
      %dma_wait3A_1324 = arith.constant 0 : i32
      %dma_wait3A_1325 = tpu.memref_slice %arg2[%dma_wait3A_1323, %dma_wait3A_1324] : memref<16x1000000xf32, #tpu.memory_space<hbm>> -> memref<16x128xf32, #tpu.memory_space<hbm>>
      tpu.wait_dma2 semaphore(%arg18 : memref<!tpu.dma_semaphore, #tpu.memory_space<semaphore_mem>>) src(%dma_wait3A_1325 : memref<16x128xf32, #tpu.memory_space<hbm>>) dst(%dma_wait3A_1322 : memref<16x128xf32, #tpu.memory_space<vmem>>)
      %dma_wait3A_1326 = arith.constant 0 : i32
      %dma_wait3A_1327 = arith.constant 1664 : i32
      %dma_wait3A_1328 = tpu.memref_slice %arg11[%dma_wait3A_1326, %dma_wait3A_1327] : memref<16x2048xf32, #tpu.memory_space<vmem>> -> memref<16x128xf32, #tpu.memory_space<vmem>>
      %dma_wait3A_1329 = arith.constant 0 : i32
      %dma_wait3A_1330 = arith.constant 0 : i32
      %dma_wait3A_1331 = tpu.memref_slice %arg2[%dma_wait3A_1329, %dma_wait3A_1330] : memref<16x1000000xf32, #tpu.memory_space<hbm>> -> memref<16x128xf32, #tpu.memory_space<hbm>>
      %dma_wait3A_1332 = arith.constant 0 : i32
      %dma_wait3A_1333 = arith.constant 1664 : i32
      %dma_wait3A_1334 = tpu.memref_slice %arg11[%dma_wait3A_1332, %dma_wait3A_1333] : memref<16x2048xf32, #tpu.memory_space<vmem>> -> memref<16x128xf32, #tpu.memory_space<vmem>>
      %dma_wait3A_1335 = arith.constant 0 : i32
      %dma_wait3A_1336 = arith.constant 0 : i32
      %dma_wait3A_1337 = tpu.memref_slice %arg2[%dma_wait3A_1335, %dma_wait3A_1336] : memref<16x1000000xf32, #tpu.memory_space<hbm>> -> memref<16x128xf32, #tpu.memory_space<hbm>>
      tpu.wait_dma2 semaphore(%arg18 : memref<!tpu.dma_semaphore, #tpu.memory_space<semaphore_mem>>) src(%dma_wait3A_1337 : memref<16x128xf32, #tpu.memory_space<hbm>>) dst(%dma_wait3A_1334 : memref<16x128xf32, #tpu.memory_space<vmem>>)
      %dma_wait3A_1338 = arith.constant 0 : i32
      %dma_wait3A_1339 = arith.constant 1792 : i32
      %dma_wait3A_1340 = tpu.memref_slice %arg11[%dma_wait3A_1338, %dma_wait3A_1339] : memref<16x2048xf32, #tpu.memory_space<vmem>> -> memref<16x128xf32, #tpu.memory_space<vmem>>
      %dma_wait3A_1341 = arith.constant 0 : i32
      %dma_wait3A_1342 = arith.constant 0 : i32
      %dma_wait3A_1343 = tpu.memref_slice %arg2[%dma_wait3A_1341, %dma_wait3A_1342] : memref<16x1000000xf32, #tpu.memory_space<hbm>> -> memref<16x128xf32, #tpu.memory_space<hbm>>
      %dma_wait3A_1344 = arith.constant 0 : i32
      %dma_wait3A_1345 = arith.constant 1792 : i32
      %dma_wait3A_1346 = tpu.memref_slice %arg11[%dma_wait3A_1344, %dma_wait3A_1345] : memref<16x2048xf32, #tpu.memory_space<vmem>> -> memref<16x128xf32, #tpu.memory_space<vmem>>
      %dma_wait3A_1347 = arith.constant 0 : i32
      %dma_wait3A_1348 = arith.constant 0 : i32
      %dma_wait3A_1349 = tpu.memref_slice %arg2[%dma_wait3A_1347, %dma_wait3A_1348] : memref<16x1000000xf32, #tpu.memory_space<hbm>> -> memref<16x128xf32, #tpu.memory_space<hbm>>
      tpu.wait_dma2 semaphore(%arg18 : memref<!tpu.dma_semaphore, #tpu.memory_space<semaphore_mem>>) src(%dma_wait3A_1349 : memref<16x128xf32, #tpu.memory_space<hbm>>) dst(%dma_wait3A_1346 : memref<16x128xf32, #tpu.memory_space<vmem>>)
      %dma_wait3A_1350 = arith.constant 0 : i32
      %dma_wait3A_1351 = arith.constant 1920 : i32
      %dma_wait3A_1352 = tpu.memref_slice %arg11[%dma_wait3A_1350, %dma_wait3A_1351] : memref<16x2048xf32, #tpu.memory_space<vmem>> -> memref<16x128xf32, #tpu.memory_space<vmem>>
      %dma_wait3A_1353 = arith.constant 0 : i32
      %dma_wait3A_1354 = arith.constant 0 : i32
      %dma_wait3A_1355 = tpu.memref_slice %arg2[%dma_wait3A_1353, %dma_wait3A_1354] : memref<16x1000000xf32, #tpu.memory_space<hbm>> -> memref<16x128xf32, #tpu.memory_space<hbm>>
      %dma_wait3A_1356 = arith.constant 0 : i32
      %dma_wait3A_1357 = arith.constant 1920 : i32
      %dma_wait3A_1358 = tpu.memref_slice %arg11[%dma_wait3A_1356, %dma_wait3A_1357] : memref<16x2048xf32, #tpu.memory_space<vmem>> -> memref<16x128xf32, #tpu.memory_space<vmem>>
      %dma_wait3A_1359 = arith.constant 0 : i32
      %dma_wait3A_1360 = arith.constant 0 : i32
      %dma_wait3A_1361 = tpu.memref_slice %arg2[%dma_wait3A_1359, %dma_wait3A_1360] : memref<16x1000000xf32, #tpu.memory_space<hbm>> -> memref<16x128xf32, #tpu.memory_space<hbm>>
      tpu.wait_dma2 semaphore(%arg18 : memref<!tpu.dma_semaphore, #tpu.memory_space<semaphore_mem>>) src(%dma_wait3A_1361 : memref<16x128xf32, #tpu.memory_space<hbm>>) dst(%dma_wait3A_1358 : memref<16x128xf32, #tpu.memory_space<vmem>>)
      %add3A_1362 = arith.constant 1 : i32
      %add3A_1363 = arith.addi %mul3A_271, %add3A_1362 : i32
      %mul3A_1364 = arith.constant 16 : i32
      %mul3A_1365 = arith.muli %add3A_1363, %mul3A_1364 : i32
      %get3A_1366 = arith.index_cast %mul3A_1365 : i32 to index
      %get3A_1367 = tpu.vector_load %arg8[%get3A_1366] {strides = array<i32>} : memref<512xi32, #tpu.memory_space<vmem>>, vector<16xi32>,
      %get3A_1368 = arith.index_cast %mul3A_1365 : i32 to index
      %get3A_1369 = tpu.vector_load %arg9[%get3A_1368] {strides = array<i32>} : memref<512xi32, #tpu.memory_space<vmem>>, vector<16xi32>,
      %mul3A_1370 = arith.constant 128 : i32
      %mul3A_1371 = vector.broadcast %mul3A_1370 : i32 to vector<16xi32>
      %mul3A_1372 = arith.muli %iota3A, %mul3A_1371 : vector<16xi32>
      %and3A_1373 = arith.constant 127 : i32
      %and3A_1374 = vector.broadcast %and3A_1373 : i32 to vector<16xi32>
      %and3A_1375 = arith.andi %get3A_1367, %and3A_1374 : vector<16xi32>
      %add3A_1376 = arith.addi %mul3A_1372, %and3A_1375 : vector<16xi32>
      %and3A_1377 = arith.constant 7 : i32
      %and3A_1378 = vector.broadcast %and3A_1377 : i32 to vector<16xi32>
      %and3A_1379 = arith.andi %get3A_1369, %and3A_1378 : vector<16xi32>
      %mul3A_1380 = arith.constant 16 : i32
      %mul3A_1381 = vector.broadcast %mul3A_1380 : i32 to vector<16xi32>
      %mul3A_1382 = arith.muli %and3A_1379, %mul3A_1381 : vector<16xi32>
      %and3A_1383 = arith.constant 127 : i32
      %and3A_1384 = vector.broadcast %and3A_1383 : i32 to vector<16xi32>
      %and3A_1385 = arith.andi %get3A_1369, %and3A_1384 : vector<16xi32>
      %gather3A_1386 = tpu.vector_load_idx %arg15[%iota3A, %and3A_1385] : memref<16x128xf32, #tpu.memory_space<vmem>>[vector<16xi32>, vector<16xi32>], vector<16xf32>,
      %broadcast_in_dim3A_1387 = arith.constant 0 : i32
      %broadcast_in_dim3A_1388 = vector.broadcast %broadcast_in_dim3A_1387 : i32 to vector<16xi32>
      %gather3A_1389 = tpu.vector_load_idx %arg11[%broadcast_in_dim3A_1388, %add3A_1376] : memref<16x2048xf32, #tpu.memory_space<vmem>>[vector<16xi32>, vector<16xi32>], vector<16xf32>,
      %add3A_1390 = arith.constant 0 : i32
      %add3A_1391 = vector.broadcast %add3A_1390 : i32 to vector<16xi32>
      %add3A_1392 = arith.addi %mul3A_1382, %add3A_1391 : vector<16xi32>
      %gather3A_1393 = tpu.vector_load_idx %arg13[%iota3A, %add3A_1392] : memref<16x128xf32, #tpu.memory_space<vmem>>[vector<16xi32>, vector<16xi32>], vector<16xf32>,
      %sub3A_1394 = arith.subf %gather3A_1389, %gather3A_1386 : vector<16xf32>
      %mul3A_1395 = arith.mulf %gather3A_1393, %sub3A_1394 : vector<16xf32>
      %mul3A_1396 = arith.constant 1.702000e+00 : f32
      %mul3A_1397 = vector.broadcast %mul3A_1396 : f32 to vector<16xf32>
      %mul3A_1398 = arith.mulf %mul3A_1397, %mul3A_1395 : vector<16xf32>
      %neg3A_1399 = arith.constant 0.000000e+00 : f32
      %neg3A_1400 = vector.broadcast %neg3A_1399 : f32 to vector<16xf32>
      %neg3A_1401 = arith.subf %neg3A_1400, %mul3A_1398 : vector<16xf32>
      %exp3A_1402 = math.exp %neg3A_1401 : vector<16xf32>
      %add3A_1403 = arith.constant 1.000000e+00 : f32
      %add3A_1404 = vector.broadcast %add3A_1403 : f32 to vector<16xf32>
      %add3A_1405 = arith.addf %add3A_1404, %exp3A_1402 : vector<16xf32>
      %div3A_1406 = arith.constant 1.000000e+00 : f32
      %div3A_1407 = vector.broadcast %div3A_1406 : f32 to vector<16xf32>
      %div3A_1408 = arith.divf %div3A_1407, %add3A_1405 : vector<16xf32>
      %swap3A_1409 = arith.constant 0 : i32
      %swap3A_1410 = arith.index_cast %swap3A_1409 : i32 to index
      %swap3A_1411 = arith.index_cast %mul3A_1365 : i32 to index
      %swap3A_1412 = tpu.vector_load %arg16[%swap3A_1410, %swap3A_1411] {strides = array<i32>} : memref<16x512xf32, #tpu.memory_space<vmem>>, vector<16xf32>,
      tpu.vector_store %arg16[%swap3A_1410, %swap3A_1411], %div3A_1408 {strides = array<i32>} : memref<16x512xf32, #tpu.memory_space<vmem>>, vector<16xf32>,
      %broadcast_in_dim3A_1413 = arith.constant 1 : i32
      %broadcast_in_dim3A_1414 = vector.broadcast %broadcast_in_dim3A_1413 : i32 to vector<16xi32>
      %gather3A_1415 = tpu.vector_load_idx %arg11[%broadcast_in_dim3A_1414, %add3A_1376] : memref<16x2048xf32, #tpu.memory_space<vmem>>[vector<16xi32>, vector<16xi32>], vector<16xf32>,
      %add3A_1416 = arith.constant 1 : i32
      %add3A_1417 = vector.broadcast %add3A_1416 : i32 to vector<16xi32>
      %add3A_1418 = arith.addi %mul3A_1382, %add3A_1417 : vector<16xi32>
      %gather3A_1419 = tpu.vector_load_idx %arg13[%iota3A, %add3A_1418] : memref<16x128xf32, #tpu.memory_space<vmem>>[vector<16xi32>, vector<16xi32>], vector<16xf32>,
      %sub3A_1420 = arith.subf %gather3A_1415, %gather3A_1386 : vector<16xf32>
      %mul3A_1421 = arith.mulf %gather3A_1419, %sub3A_1420 : vector<16xf32>
      %mul3A_1422 = arith.constant 1.702000e+00 : f32
      %mul3A_1423 = vector.broadcast %mul3A_1422 : f32 to vector<16xf32>
      %mul3A_1424 = arith.mulf %mul3A_1423, %mul3A_1421 : vector<16xf32>
      %neg3A_1425 = arith.constant 0.000000e+00 : f32
      %neg3A_1426 = vector.broadcast %neg3A_1425 : f32 to vector<16xf32>
      %neg3A_1427 = arith.subf %neg3A_1426, %mul3A_1424 : vector<16xf32>
      %exp3A_1428 = math.exp %neg3A_1427 : vector<16xf32>
      %add3A_1429 = arith.constant 1.000000e+00 : f32
      %add3A_1430 = vector.broadcast %add3A_1429 : f32 to vector<16xf32>
      %add3A_1431 = arith.addf %add3A_1430, %exp3A_1428 : vector<16xf32>
      %div3A_1432 = arith.constant 1.000000e+00 : f32
      %div3A_1433 = vector.broadcast %div3A_1432 : f32 to vector<16xf32>
      %div3A_1434 = arith.divf %div3A_1433, %add3A_1431 : vector<16xf32>
      %swap3A_1435 = arith.constant 1 : i32
      %swap3A_1436 = arith.index_cast %swap3A_1435 : i32 to index
      %swap3A_1437 = arith.index_cast %mul3A_1365 : i32 to index
      %swap3A_1438 = tpu.vector_load %arg16[%swap3A_1436, %swap3A_1437] {strides = array<i32>} : memref<16x512xf32, #tpu.memory_space<vmem>>, vector<16xf32>,
      tpu.vector_store %arg16[%swap3A_1436, %swap3A_1437], %div3A_1434 {strides = array<i32>} : memref<16x512xf32, #tpu.memory_space<vmem>>, vector<16xf32>,
      %broadcast_in_dim3A_1439 = arith.constant 2 : i32
      %broadcast_in_dim3A_1440 = vector.broadcast %broadcast_in_dim3A_1439 : i32 to vector<16xi32>
      %gather3A_1441 = tpu.vector_load_idx %arg11[%broadcast_in_dim3A_1440, %add3A_1376] : memref<16x2048xf32, #tpu.memory_space<vmem>>[vector<16xi32>, vector<16xi32>], vector<16xf32>,
      %add3A_1442 = arith.constant 2 : i32
      %add3A_1443 = vector.broadcast %add3A_1442 : i32 to vector<16xi32>
      %add3A_1444 = arith.addi %mul3A_1382, %add3A_1443 : vector<16xi32>
      %gather3A_1445 = tpu.vector_load_idx %arg13[%iota3A, %add3A_1444] : memref<16x128xf32, #tpu.memory_space<vmem>>[vector<16xi32>, vector<16xi32>], vector<16xf32>,
      %sub3A_1446 = arith.subf %gather3A_1441, %gather3A_1386 : vector<16xf32>
      %mul3A_1447 = arith.mulf %gather3A_1445, %sub3A_1446 : vector<16xf32>
      %mul3A_1448 = arith.constant 1.702000e+00 : f32
      %mul3A_1449 = vector.broadcast %mul3A_1448 : f32 to vector<16xf32>
      %mul3A_1450 = arith.mulf %mul3A_1449, %mul3A_1447 : vector<16xf32>
      %neg3A_1451 = arith.constant 0.000000e+00 : f32
      %neg3A_1452 = vector.broadcast %neg3A_1451 : f32 to vector<16xf32>
      %neg3A_1453 = arith.subf %neg3A_1452, %mul3A_1450 : vector<16xf32>
      %exp3A_1454 = math.exp %neg3A_1453 : vector<16xf32>
      %add3A_1455 = arith.constant 1.000000e+00 : f32
      %add3A_1456 = vector.broadcast %add3A_1455 : f32 to vector<16xf32>
      %add3A_1457 = arith.addf %add3A_1456, %exp3A_1454 : vector<16xf32>
      %div3A_1458 = arith.constant 1.000000e+00 : f32
      %div3A_1459 = vector.broadcast %div3A_1458 : f32 to vector<16xf32>
      %div3A_1460 = arith.divf %div3A_1459, %add3A_1457 : vector<16xf32>
      %swap3A_1461 = arith.constant 2 : i32
      %swap3A_1462 = arith.index_cast %swap3A_1461 : i32 to index
      %swap3A_1463 = arith.index_cast %mul3A_1365 : i32 to index
      %swap3A_1464 = tpu.vector_load %arg16[%swap3A_1462, %swap3A_1463] {strides = array<i32>} : memref<16x512xf32, #tpu.memory_space<vmem>>, vector<16xf32>,
      tpu.vector_store %arg16[%swap3A_1462, %swap3A_1463], %div3A_1460 {strides = array<i32>} : memref<16x512xf32, #tpu.memory_space<vmem>>, vector<16xf32>,
      %broadcast_in_dim3A_1465 = arith.constant 3 : i32
      %broadcast_in_dim3A_1466 = vector.broadcast %broadcast_in_dim3A_1465 : i32 to vector<16xi32>
      %gather3A_1467 = tpu.vector_load_idx %arg11[%broadcast_in_dim3A_1466, %add3A_1376] : memref<16x2048xf32, #tpu.memory_space<vmem>>[vector<16xi32>, vector<16xi32>], vector<16xf32>,
      %add3A_1468 = arith.constant 3 : i32
      %add3A_1469 = vector.broadcast %add3A_1468 : i32 to vector<16xi32>
      %add3A_1470 = arith.addi %mul3A_1382, %add3A_1469 : vector<16xi32>
      %gather3A_1471 = tpu.vector_load_idx %arg13[%iota3A, %add3A_1470] : memref<16x128xf32, #tpu.memory_space<vmem>>[vector<16xi32>, vector<16xi32>], vector<16xf32>,
      %sub3A_1472 = arith.subf %gather3A_1467, %gather3A_1386 : vector<16xf32>
      %mul3A_1473 = arith.mulf %gather3A_1471, %sub3A_1472 : vector<16xf32>
      %mul3A_1474 = arith.constant 1.702000e+00 : f32
      %mul3A_1475 = vector.broadcast %mul3A_1474 : f32 to vector<16xf32>
      %mul3A_1476 = arith.mulf %mul3A_1475, %mul3A_1473 : vector<16xf32>
      %neg3A_1477 = arith.constant 0.000000e+00 : f32
      %neg3A_1478 = vector.broadcast %neg3A_1477 : f32 to vector<16xf32>
      %neg3A_1479 = arith.subf %neg3A_1478, %mul3A_1476 : vector<16xf32>
      %exp3A_1480 = math.exp %neg3A_1479 : vector<16xf32>
      %add3A_1481 = arith.constant 1.000000e+00 : f32
      %add3A_1482 = vector.broadcast %add3A_1481 : f32 to vector<16xf32>
      %add3A_1483 = arith.addf %add3A_1482, %exp3A_1480 : vector<16xf32>
      %div3A_1484 = arith.constant 1.000000e+00 : f32
      %div3A_1485 = vector.broadcast %div3A_1484 : f32 to vector<16xf32>
      %div3A_1486 = arith.divf %div3A_1485, %add3A_1483 : vector<16xf32>
      %swap3A_1487 = arith.constant 3 : i32
      %swap3A_1488 = arith.index_cast %swap3A_1487 : i32 to index
      %swap3A_1489 = arith.index_cast %mul3A_1365 : i32 to index
      %swap3A_1490 = tpu.vector_load %arg16[%swap3A_1488, %swap3A_1489] {strides = array<i32>} : memref<16x512xf32, #tpu.memory_space<vmem>>, vector<16xf32>,
      tpu.vector_store %arg16[%swap3A_1488, %swap3A_1489], %div3A_1486 {strides = array<i32>} : memref<16x512xf32, #tpu.memory_space<vmem>>, vector<16xf32>,
      %broadcast_in_dim3A_1491 = arith.constant 4 : i32
      %broadcast_in_dim3A_1492 = vector.broadcast %broadcast_in_dim3A_1491 : i32 to vector<16xi32>
      %gather3A_1493 = tpu.vector_load_idx %arg11[%broadcast_in_dim3A_1492, %add3A_1376] : memref<16x2048xf32, #tpu.memory_space<vmem>>[vector<16xi32>, vector<16xi32>], vector<16xf32>,
      %add3A_1494 = arith.constant 4 : i32
      %add3A_1495 = vector.broadcast %add3A_1494 : i32 to vector<16xi32>
      %add3A_1496 = arith.addi %mul3A_1382, %add3A_1495 : vector<16xi32>
      %gather3A_1497 = tpu.vector_load_idx %arg13[%iota3A, %add3A_1496] : memref<16x128xf32, #tpu.memory_space<vmem>>[vector<16xi32>, vector<16xi32>], vector<16xf32>,
      %sub3A_1498 = arith.subf %gather3A_1493, %gather3A_1386 : vector<16xf32>
      %mul3A_1499 = arith.mulf %gather3A_1497, %sub3A_1498 : vector<16xf32>
      %mul3A_1500 = arith.constant 1.702000e+00 : f32
      %mul3A_1501 = vector.broadcast %mul3A_1500 : f32 to vector<16xf32>
      %mul3A_1502 = arith.mulf %mul3A_1501, %mul3A_1499 : vector<16xf32>
      %neg3A_1503 = arith.constant 0.000000e+00 : f32
      %neg3A_1504 = vector.broadcast %neg3A_1503 : f32 to vector<16xf32>
      %neg3A_1505 = arith.subf %neg3A_1504, %mul3A_1502 : vector<16xf32>
      %exp3A_1506 = math.exp %neg3A_1505 : vector<16xf32>
      %add3A_1507 = arith.constant 1.000000e+00 : f32
      %add3A_1508 = vector.broadcast %add3A_1507 : f32 to vector<16xf32>
      %add3A_1509 = arith.addf %add3A_1508, %exp3A_1506 : vector<16xf32>
      %div3A_1510 = arith.constant 1.000000e+00 : f32
      %div3A_1511 = vector.broadcast %div3A_1510 : f32 to vector<16xf32>
      %div3A_1512 = arith.divf %div3A_1511, %add3A_1509 : vector<16xf32>
      %swap3A_1513 = arith.constant 4 : i32
      %swap3A_1514 = arith.index_cast %swap3A_1513 : i32 to index
      %swap3A_1515 = arith.index_cast %mul3A_1365 : i32 to index
      %swap3A_1516 = tpu.vector_load %arg16[%swap3A_1514, %swap3A_1515] {strides = array<i32>} : memref<16x512xf32, #tpu.memory_space<vmem>>, vector<16xf32>,
      tpu.vector_store %arg16[%swap3A_1514, %swap3A_1515], %div3A_1512 {strides = array<i32>} : memref<16x512xf32, #tpu.memory_space<vmem>>, vector<16xf32>,
      %broadcast_in_dim3A_1517 = arith.constant 5 : i32
      %broadcast_in_dim3A_1518 = vector.broadcast %broadcast_in_dim3A_1517 : i32 to vector<16xi32>
      %gather3A_1519 = tpu.vector_load_idx %arg11[%broadcast_in_dim3A_1518, %add3A_1376] : memref<16x2048xf32, #tpu.memory_space<vmem>>[vector<16xi32>, vector<16xi32>], vector<16xf32>,
      %add3A_1520 = arith.constant 5 : i32
      %add3A_1521 = vector.broadcast %add3A_1520 : i32 to vector<16xi32>
      %add3A_1522 = arith.addi %mul3A_1382, %add3A_1521 : vector<16xi32>
      %gather3A_1523 = tpu.vector_load_idx %arg13[%iota3A, %add3A_1522] : memref<16x128xf32, #tpu.memory_space<vmem>>[vector<16xi32>, vector<16xi32>], vector<16xf32>,
      %sub3A_1524 = arith.subf %gather3A_1519, %gather3A_1386 : vector<16xf32>
      %mul3A_1525 = arith.mulf %gather3A_1523, %sub3A_1524 : vector<16xf32>
      %mul3A_1526 = arith.constant 1.702000e+00 : f32
      %mul3A_1527 = vector.broadcast %mul3A_1526 : f32 to vector<16xf32>
      %mul3A_1528 = arith.mulf %mul3A_1527, %mul3A_1525 : vector<16xf32>
      %neg3A_1529 = arith.constant 0.000000e+00 : f32
      %neg3A_1530 = vector.broadcast %neg3A_1529 : f32 to vector<16xf32>
      %neg3A_1531 = arith.subf %neg3A_1530, %mul3A_1528 : vector<16xf32>
      %exp3A_1532 = math.exp %neg3A_1531 : vector<16xf32>
      %add3A_1533 = arith.constant 1.000000e+00 : f32
      %add3A_1534 = vector.broadcast %add3A_1533 : f32 to vector<16xf32>
      %add3A_1535 = arith.addf %add3A_1534, %exp3A_1532 : vector<16xf32>
      %div3A_1536 = arith.constant 1.000000e+00 : f32
      %div3A_1537 = vector.broadcast %div3A_1536 : f32 to vector<16xf32>
      %div3A_1538 = arith.divf %div3A_1537, %add3A_1535 : vector<16xf32>
      %swap3A_1539 = arith.constant 5 : i32
      %swap3A_1540 = arith.index_cast %swap3A_1539 : i32 to index
      %swap3A_1541 = arith.index_cast %mul3A_1365 : i32 to index
      %swap3A_1542 = tpu.vector_load %arg16[%swap3A_1540, %swap3A_1541] {strides = array<i32>} : memref<16x512xf32, #tpu.memory_space<vmem>>, vector<16xf32>,
      tpu.vector_store %arg16[%swap3A_1540, %swap3A_1541], %div3A_1538 {strides = array<i32>} : memref<16x512xf32, #tpu.memory_space<vmem>>, vector<16xf32>,
      %broadcast_in_dim3A_1543 = arith.constant 6 : i32
      %broadcast_in_dim3A_1544 = vector.broadcast %broadcast_in_dim3A_1543 : i32 to vector<16xi32>
      %gather3A_1545 = tpu.vector_load_idx %arg11[%broadcast_in_dim3A_1544, %add3A_1376] : memref<16x2048xf32, #tpu.memory_space<vmem>>[vector<16xi32>, vector<16xi32>], vector<16xf32>,
      %add3A_1546 = arith.constant 6 : i32
      %add3A_1547 = vector.broadcast %add3A_1546 : i32 to vector<16xi32>
      %add3A_1548 = arith.addi %mul3A_1382, %add3A_1547 : vector<16xi32>
      %gather3A_1549 = tpu.vector_load_idx %arg13[%iota3A, %add3A_1548] : memref<16x128xf32, #tpu.memory_space<vmem>>[vector<16xi32>, vector<16xi32>], vector<16xf32>,
      %sub3A_1550 = arith.subf %gather3A_1545, %gather3A_1386 : vector<16xf32>
      %mul3A_1551 = arith.mulf %gather3A_1549, %sub3A_1550 : vector<16xf32>
      %mul3A_1552 = arith.constant 1.702000e+00 : f32
      %mul3A_1553 = vector.broadcast %mul3A_1552 : f32 to vector<16xf32>
      %mul3A_1554 = arith.mulf %mul3A_1553, %mul3A_1551 : vector<16xf32>
      %neg3A_1555 = arith.constant 0.000000e+00 : f32
      %neg3A_1556 = vector.broadcast %neg3A_1555 : f32 to vector<16xf32>
      %neg3A_1557 = arith.subf %neg3A_1556, %mul3A_1554 : vector<16xf32>
      %exp3A_1558 = math.exp %neg3A_1557 : vector<16xf32>
      %add3A_1559 = arith.constant 1.000000e+00 : f32
      %add3A_1560 = vector.broadcast %add3A_1559 : f32 to vector<16xf32>
      %add3A_1561 = arith.addf %add3A_1560, %exp3A_1558 : vector<16xf32>
      %div3A_1562 = arith.constant 1.000000e+00 : f32
      %div3A_1563 = vector.broadcast %div3A_1562 : f32 to vector<16xf32>
      %div3A_1564 = arith.divf %div3A_1563, %add3A_1561 : vector<16xf32>
      %swap3A_1565 = arith.constant 6 : i32
      %swap3A_1566 = arith.index_cast %swap3A_1565 : i32 to index
      %swap3A_1567 = arith.index_cast %mul3A_1365 : i32 to index
      %swap3A_1568 = tpu.vector_load %arg16[%swap3A_1566, %swap3A_1567] {strides = array<i32>} : memref<16x512xf32, #tpu.memory_space<vmem>>, vector<16xf32>,
      tpu.vector_store %arg16[%swap3A_1566, %swap3A_1567], %div3A_1564 {strides = array<i32>} : memref<16x512xf32, #tpu.memory_space<vmem>>, vector<16xf32>,
      %broadcast_in_dim3A_1569 = arith.constant 7 : i32
      %broadcast_in_dim3A_1570 = vector.broadcast %broadcast_in_dim3A_1569 : i32 to vector<16xi32>
      %gather3A_1571 = tpu.vector_load_idx %arg11[%broadcast_in_dim3A_1570, %add3A_1376] : memref<16x2048xf32, #tpu.memory_space<vmem>>[vector<16xi32>, vector<16xi32>], vector<16xf32>,
      %add3A_1572 = arith.constant 7 : i32
      %add3A_1573 = vector.broadcast %add3A_1572 : i32 to vector<16xi32>
      %add3A_1574 = arith.addi %mul3A_1382, %add3A_1573 : vector<16xi32>
      %gather3A_1575 = tpu.vector_load_idx %arg13[%iota3A, %add3A_1574] : memref<16x128xf32, #tpu.memory_space<vmem>>[vector<16xi32>, vector<16xi32>], vector<16xf32>,
      %sub3A_1576 = arith.subf %gather3A_1571, %gather3A_1386 : vector<16xf32>
      %mul3A_1577 = arith.mulf %gather3A_1575, %sub3A_1576 : vector<16xf32>
      %mul3A_1578 = arith.constant 1.702000e+00 : f32
      %mul3A_1579 = vector.broadcast %mul3A_1578 : f32 to vector<16xf32>
      %mul3A_1580 = arith.mulf %mul3A_1579, %mul3A_1577 : vector<16xf32>
      %neg3A_1581 = arith.constant 0.000000e+00 : f32
      %neg3A_1582 = vector.broadcast %neg3A_1581 : f32 to vector<16xf32>
      %neg3A_1583 = arith.subf %neg3A_1582, %mul3A_1580 : vector<16xf32>
      %exp3A_1584 = math.exp %neg3A_1583 : vector<16xf32>
      %add3A_1585 = arith.constant 1.000000e+00 : f32
      %add3A_1586 = vector.broadcast %add3A_1585 : f32 to vector<16xf32>
      %add3A_1587 = arith.addf %add3A_1586, %exp3A_1584 : vector<16xf32>
      %div3A_1588 = arith.constant 1.000000e+00 : f32
      %div3A_1589 = vector.broadcast %div3A_1588 : f32 to vector<16xf32>
      %div3A_1590 = arith.divf %div3A_1589, %add3A_1587 : vector<16xf32>
      %swap3A_1591 = arith.constant 7 : i32
      %swap3A_1592 = arith.index_cast %swap3A_1591 : i32 to index
      %swap3A_1593 = arith.index_cast %mul3A_1365 : i32 to index
      %swap3A_1594 = tpu.vector_load %arg16[%swap3A_1592, %swap3A_1593] {strides = array<i32>} : memref<16x512xf32, #tpu.memory_space<vmem>>, vector<16xf32>,
      tpu.vector_store %arg16[%swap3A_1592, %swap3A_1593], %div3A_1590 {strides = array<i32>} : memref<16x512xf32, #tpu.memory_space<vmem>>, vector<16xf32>,
      %broadcast_in_dim3A_1595 = arith.constant 8 : i32
      %broadcast_in_dim3A_1596 = vector.broadcast %broadcast_in_dim3A_1595 : i32 to vector<16xi32>
      %gather3A_1597 = tpu.vector_load_idx %arg11[%broadcast_in_dim3A_1596, %add3A_1376] : memref<16x2048xf32, #tpu.memory_space<vmem>>[vector<16xi32>, vector<16xi32>], vector<16xf32>,
      %add3A_1598 = arith.constant 8 : i32
      %add3A_1599 = vector.broadcast %add3A_1598 : i32 to vector<16xi32>
      %add3A_1600 = arith.addi %mul3A_1382, %add3A_1599 : vector<16xi32>
      %gather3A_1601 = tpu.vector_load_idx %arg13[%iota3A, %add3A_1600] : memref<16x128xf32, #tpu.memory_space<vmem>>[vector<16xi32>, vector<16xi32>], vector<16xf32>,
      %sub3A_1602 = arith.subf %gather3A_1597, %gather3A_1386 : vector<16xf32>
      %mul3A_1603 = arith.mulf %gather3A_1601, %sub3A_1602 : vector<16xf32>
      %mul3A_1604 = arith.constant 1.702000e+00 : f32
      %mul3A_1605 = vector.broadcast %mul3A_1604 : f32 to vector<16xf32>
      %mul3A_1606 = arith.mulf %mul3A_1605, %mul3A_1603 : vector<16xf32>
      %neg3A_1607 = arith.constant 0.000000e+00 : f32
      %neg3A_1608 = vector.broadcast %neg3A_1607 : f32 to vector<16xf32>
      %neg3A_1609 = arith.subf %neg3A_1608, %mul3A_1606 : vector<16xf32>
      %exp3A_1610 = math.exp %neg3A_1609 : vector<16xf32>
      %add3A_1611 = arith.constant 1.000000e+00 : f32
      %add3A_1612 = vector.broadcast %add3A_1611 : f32 to vector<16xf32>
      %add3A_1613 = arith.addf %add3A_1612, %exp3A_1610 : vector<16xf32>
      %div3A_1614 = arith.constant 1.000000e+00 : f32
      %div3A_1615 = vector.broadcast %div3A_1614 : f32 to vector<16xf32>
      %div3A_1616 = arith.divf %div3A_1615, %add3A_1613 : vector<16xf32>
      %swap3A_1617 = arith.constant 8 : i32
      %swap3A_1618 = arith.index_cast %swap3A_1617 : i32 to index
      %swap3A_1619 = arith.index_cast %mul3A_1365 : i32 to index
      %swap3A_1620 = tpu.vector_load %arg16[%swap3A_1618, %swap3A_1619] {strides = array<i32>} : memref<16x512xf32, #tpu.memory_space<vmem>>, vector<16xf32>,
      tpu.vector_store %arg16[%swap3A_1618, %swap3A_1619], %div3A_1616 {strides = array<i32>} : memref<16x512xf32, #tpu.memory_space<vmem>>, vector<16xf32>,
      %broadcast_in_dim3A_1621 = arith.constant 9 : i32
      %broadcast_in_dim3A_1622 = vector.broadcast %broadcast_in_dim3A_1621 : i32 to vector<16xi32>
      %gather3A_1623 = tpu.vector_load_idx %arg11[%broadcast_in_dim3A_1622, %add3A_1376] : memref<16x2048xf32, #tpu.memory_space<vmem>>[vector<16xi32>, vector<16xi32>], vector<16xf32>,
      %add3A_1624 = arith.constant 9 : i32
      %add3A_1625 = vector.broadcast %add3A_1624 : i32 to vector<16xi32>
      %add3A_1626 = arith.addi %mul3A_1382, %add3A_1625 : vector<16xi32>
      %gather3A_1627 = tpu.vector_load_idx %arg13[%iota3A, %add3A_1626] : memref<16x128xf32, #tpu.memory_space<vmem>>[vector<16xi32>, vector<16xi32>], vector<16xf32>,
      %sub3A_1628 = arith.subf %gather3A_1623, %gather3A_1386 : vector<16xf32>
      %mul3A_1629 = arith.mulf %gather3A_1627, %sub3A_1628 : vector<16xf32>
      %mul3A_1630 = arith.constant 1.702000e+00 : f32
      %mul3A_1631 = vector.broadcast %mul3A_1630 : f32 to vector<16xf32>
      %mul3A_1632 = arith.mulf %mul3A_1631, %mul3A_1629 : vector<16xf32>
      %neg3A_1633 = arith.constant 0.000000e+00 : f32
      %neg3A_1634 = vector.broadcast %neg3A_1633 : f32 to vector<16xf32>
      %neg3A_1635 = arith.subf %neg3A_1634, %mul3A_1632 : vector<16xf32>
      %exp3A_1636 = math.exp %neg3A_1635 : vector<16xf32>
      %add3A_1637 = arith.constant 1.000000e+00 : f32
      %add3A_1638 = vector.broadcast %add3A_1637 : f32 to vector<16xf32>
      %add3A_1639 = arith.addf %add3A_1638, %exp3A_1636 : vector<16xf32>
      %div3A_1640 = arith.constant 1.000000e+00 : f32
      %div3A_1641 = vector.broadcast %div3A_1640 : f32 to vector<16xf32>
      %div3A_1642 = arith.divf %div3A_1641, %add3A_1639 : vector<16xf32>
      %swap3A_1643 = arith.constant 9 : i32
      %swap3A_1644 = arith.index_cast %swap3A_1643 : i32 to index
      %swap3A_1645 = arith.index_cast %mul3A_1365 : i32 to index
      %swap3A_1646 = tpu.vector_load %arg16[%swap3A_1644, %swap3A_1645] {strides = array<i32>} : memref<16x512xf32, #tpu.memory_space<vmem>>, vector<16xf32>,
      tpu.vector_store %arg16[%swap3A_1644, %swap3A_1645], %div3A_1642 {strides = array<i32>} : memref<16x512xf32, #tpu.memory_space<vmem>>, vector<16xf32>,
      %broadcast_in_dim3A_1647 = arith.constant 10 : i32
      %broadcast_in_dim3A_1648 = vector.broadcast %broadcast_in_dim3A_1647 : i32 to vector<16xi32>
      %gather3A_1649 = tpu.vector_load_idx %arg11[%broadcast_in_dim3A_1648, %add3A_1376] : memref<16x2048xf32, #tpu.memory_space<vmem>>[vector<16xi32>, vector<16xi32>], vector<16xf32>,
      %add3A_1650 = arith.constant 10 : i32
      %add3A_1651 = vector.broadcast %add3A_1650 : i32 to vector<16xi32>
      %add3A_1652 = arith.addi %mul3A_1382, %add3A_1651 : vector<16xi32>
      %gather3A_1653 = tpu.vector_load_idx %arg13[%iota3A, %add3A_1652] : memref<16x128xf32, #tpu.memory_space<vmem>>[vector<16xi32>, vector<16xi32>], vector<16xf32>,
      %sub3A_1654 = arith.subf %gather3A_1649, %gather3A_1386 : vector<16xf32>
      %mul3A_1655 = arith.mulf %gather3A_1653, %sub3A_1654 : vector<16xf32>
      %mul3A_1656 = arith.constant 1.702000e+00 : f32
      %mul3A_1657 = vector.broadcast %mul3A_1656 : f32 to vector<16xf32>
      %mul3A_1658 = arith.mulf %mul3A_1657, %mul3A_1655 : vector<16xf32>
      %neg3A_1659 = arith.constant 0.000000e+00 : f32
      %neg3A_1660 = vector.broadcast %neg3A_1659 : f32 to vector<16xf32>
      %neg3A_1661 = arith.subf %neg3A_1660, %mul3A_1658 : vector<16xf32>
      %exp3A_1662 = math.exp %neg3A_1661 : vector<16xf32>
      %add3A_1663 = arith.constant 1.000000e+00 : f32
      %add3A_1664 = vector.broadcast %add3A_1663 : f32 to vector<16xf32>
      %add3A_1665 = arith.addf %add3A_1664, %exp3A_1662 : vector<16xf32>
      %div3A_1666 = arith.constant 1.000000e+00 : f32
      %div3A_1667 = vector.broadcast %div3A_1666 : f32 to vector<16xf32>
      %div3A_1668 = arith.divf %div3A_1667, %add3A_1665 : vector<16xf32>
      %swap3A_1669 = arith.constant 10 : i32
      %swap3A_1670 = arith.index_cast %swap3A_1669 : i32 to index
      %swap3A_1671 = arith.index_cast %mul3A_1365 : i32 to index
      %swap3A_1672 = tpu.vector_load %arg16[%swap3A_1670, %swap3A_1671] {strides = array<i32>} : memref<16x512xf32, #tpu.memory_space<vmem>>, vector<16xf32>,
      tpu.vector_store %arg16[%swap3A_1670, %swap3A_1671], %div3A_1668 {strides = array<i32>} : memref<16x512xf32, #tpu.memory_space<vmem>>, vector<16xf32>,
      %broadcast_in_dim3A_1673 = arith.constant 11 : i32
      %broadcast_in_dim3A_1674 = vector.broadcast %broadcast_in_dim3A_1673 : i32 to vector<16xi32>
      %gather3A_1675 = tpu.vector_load_idx %arg11[%broadcast_in_dim3A_1674, %add3A_1376] : memref<16x2048xf32, #tpu.memory_space<vmem>>[vector<16xi32>, vector<16xi32>], vector<16xf32>,
      %add3A_1676 = arith.constant 11 : i32
      %add3A_1677 = vector.broadcast %add3A_1676 : i32 to vector<16xi32>
      %add3A_1678 = arith.addi %mul3A_1382, %add3A_1677 : vector<16xi32>
      %gather3A_1679 = tpu.vector_load_idx %arg13[%iota3A, %add3A_1678] : memref<16x128xf32, #tpu.memory_space<vmem>>[vector<16xi32>, vector<16xi32>], vector<16xf32>,
      %sub3A_1680 = arith.subf %gather3A_1675, %gather3A_1386 : vector<16xf32>
      %mul3A_1681 = arith.mulf %gather3A_1679, %sub3A_1680 : vector<16xf32>
      %mul3A_1682 = arith.constant 1.702000e+00 : f32
      %mul3A_1683 = vector.broadcast %mul3A_1682 : f32 to vector<16xf32>
      %mul3A_1684 = arith.mulf %mul3A_1683, %mul3A_1681 : vector<16xf32>
      %neg3A_1685 = arith.constant 0.000000e+00 : f32
      %neg3A_1686 = vector.broadcast %neg3A_1685 : f32 to vector<16xf32>
      %neg3A_1687 = arith.subf %neg3A_1686, %mul3A_1684 : vector<16xf32>
      %exp3A_1688 = math.exp %neg3A_1687 : vector<16xf32>
      %add3A_1689 = arith.constant 1.000000e+00 : f32
      %add3A_1690 = vector.broadcast %add3A_1689 : f32 to vector<16xf32>
      %add3A_1691 = arith.addf %add3A_1690, %exp3A_1688 : vector<16xf32>
      %div3A_1692 = arith.constant 1.000000e+00 : f32
      %div3A_1693 = vector.broadcast %div3A_1692 : f32 to vector<16xf32>
      %div3A_1694 = arith.divf %div3A_1693, %add3A_1691 : vector<16xf32>
      %swap3A_1695 = arith.constant 11 : i32
      %swap3A_1696 = arith.index_cast %swap3A_1695 : i32 to index
      %swap3A_1697 = arith.index_cast %mul3A_1365 : i32 to index
      %swap3A_1698 = tpu.vector_load %arg16[%swap3A_1696, %swap3A_1697] {strides = array<i32>} : memref<16x512xf32, #tpu.memory_space<vmem>>, vector<16xf32>,
      tpu.vector_store %arg16[%swap3A_1696, %swap3A_1697], %div3A_1694 {strides = array<i32>} : memref<16x512xf32, #tpu.memory_space<vmem>>, vector<16xf32>,
      %broadcast_in_dim3A_1699 = arith.constant 12 : i32
      %broadcast_in_dim3A_1700 = vector.broadcast %broadcast_in_dim3A_1699 : i32 to vector<16xi32>
      %gather3A_1701 = tpu.vector_load_idx %arg11[%broadcast_in_dim3A_1700, %add3A_1376] : memref<16x2048xf32, #tpu.memory_space<vmem>>[vector<16xi32>, vector<16xi32>], vector<16xf32>,
      %add3A_1702 = arith.constant 12 : i32
      %add3A_1703 = vector.broadcast %add3A_1702 : i32 to vector<16xi32>
      %add3A_1704 = arith.addi %mul3A_1382, %add3A_1703 : vector<16xi32>
      %gather3A_1705 = tpu.vector_load_idx %arg13[%iota3A, %add3A_1704] : memref<16x128xf32, #tpu.memory_space<vmem>>[vector<16xi32>, vector<16xi32>], vector<16xf32>,
      %sub3A_1706 = arith.subf %gather3A_1701, %gather3A_1386 : vector<16xf32>
      %mul3A_1707 = arith.mulf %gather3A_1705, %sub3A_1706 : vector<16xf32>
      %mul3A_1708 = arith.constant 1.702000e+00 : f32
      %mul3A_1709 = vector.broadcast %mul3A_1708 : f32 to vector<16xf32>
      %mul3A_1710 = arith.mulf %mul3A_1709, %mul3A_1707 : vector<16xf32>
      %neg3A_1711 = arith.constant 0.000000e+00 : f32
      %neg3A_1712 = vector.broadcast %neg3A_1711 : f32 to vector<16xf32>
      %neg3A_1713 = arith.subf %neg3A_1712, %mul3A_1710 : vector<16xf32>
      %exp3A_1714 = math.exp %neg3A_1713 : vector<16xf32>
      %add3A_1715 = arith.constant 1.000000e+00 : f32
      %add3A_1716 = vector.broadcast %add3A_1715 : f32 to vector<16xf32>
      %add3A_1717 = arith.addf %add3A_1716, %exp3A_1714 : vector<16xf32>
      %div3A_1718 = arith.constant 1.000000e+00 : f32
      %div3A_1719 = vector.broadcast %div3A_1718 : f32 to vector<16xf32>
      %div3A_1720 = arith.divf %div3A_1719, %add3A_1717 : vector<16xf32>
      %swap3A_1721 = arith.constant 12 : i32
      %swap3A_1722 = arith.index_cast %swap3A_1721 : i32 to index
      %swap3A_1723 = arith.index_cast %mul3A_1365 : i32 to index
      %swap3A_1724 = tpu.vector_load %arg16[%swap3A_1722, %swap3A_1723] {strides = array<i32>} : memref<16x512xf32, #tpu.memory_space<vmem>>, vector<16xf32>,
      tpu.vector_store %arg16[%swap3A_1722, %swap3A_1723], %div3A_1720 {strides = array<i32>} : memref<16x512xf32, #tpu.memory_space<vmem>>, vector<16xf32>,
      %broadcast_in_dim3A_1725 = arith.constant 13 : i32
      %broadcast_in_dim3A_1726 = vector.broadcast %broadcast_in_dim3A_1725 : i32 to vector<16xi32>
      %gather3A_1727 = tpu.vector_load_idx %arg11[%broadcast_in_dim3A_1726, %add3A_1376] : memref<16x2048xf32, #tpu.memory_space<vmem>>[vector<16xi32>, vector<16xi32>], vector<16xf32>,
      %add3A_1728 = arith.constant 13 : i32
      %add3A_1729 = vector.broadcast %add3A_1728 : i32 to vector<16xi32>
      %add3A_1730 = arith.addi %mul3A_1382, %add3A_1729 : vector<16xi32>
      %gather3A_1731 = tpu.vector_load_idx %arg13[%iota3A, %add3A_1730] : memref<16x128xf32, #tpu.memory_space<vmem>>[vector<16xi32>, vector<16xi32>], vector<16xf32>,
      %sub3A_1732 = arith.subf %gather3A_1727, %gather3A_1386 : vector<16xf32>
      %mul3A_1733 = arith.mulf %gather3A_1731, %sub3A_1732 : vector<16xf32>
      %mul3A_1734 = arith.constant 1.702000e+00 : f32
      %mul3A_1735 = vector.broadcast %mul3A_1734 : f32 to vector<16xf32>
      %mul3A_1736 = arith.mulf %mul3A_1735, %mul3A_1733 : vector<16xf32>
      %neg3A_1737 = arith.constant 0.000000e+00 : f32
      %neg3A_1738 = vector.broadcast %neg3A_1737 : f32 to vector<16xf32>
      %neg3A_1739 = arith.subf %neg3A_1738, %mul3A_1736 : vector<16xf32>
      %exp3A_1740 = math.exp %neg3A_1739 : vector<16xf32>
      %add3A_1741 = arith.constant 1.000000e+00 : f32
      %add3A_1742 = vector.broadcast %add3A_1741 : f32 to vector<16xf32>
      %add3A_1743 = arith.addf %add3A_1742, %exp3A_1740 : vector<16xf32>
      %div3A_1744 = arith.constant 1.000000e+00 : f32
      %div3A_1745 = vector.broadcast %div3A_1744 : f32 to vector<16xf32>
      %div3A_1746 = arith.divf %div3A_1745, %add3A_1743 : vector<16xf32>
      %swap3A_1747 = arith.constant 13 : i32
      %swap3A_1748 = arith.index_cast %swap3A_1747 : i32 to index
      %swap3A_1749 = arith.index_cast %mul3A_1365 : i32 to index
      %swap3A_1750 = tpu.vector_load %arg16[%swap3A_1748, %swap3A_1749] {strides = array<i32>} : memref<16x512xf32, #tpu.memory_space<vmem>>, vector<16xf32>,
      tpu.vector_store %arg16[%swap3A_1748, %swap3A_1749], %div3A_1746 {strides = array<i32>} : memref<16x512xf32, #tpu.memory_space<vmem>>, vector<16xf32>,
      %broadcast_in_dim3A_1751 = arith.constant 14 : i32
      %broadcast_in_dim3A_1752 = vector.broadcast %broadcast_in_dim3A_1751 : i32 to vector<16xi32>
      %gather3A_1753 = tpu.vector_load_idx %arg11[%broadcast_in_dim3A_1752, %add3A_1376] : memref<16x2048xf32, #tpu.memory_space<vmem>>[vector<16xi32>, vector<16xi32>], vector<16xf32>,
      %add3A_1754 = arith.constant 14 : i32
      %add3A_1755 = vector.broadcast %add3A_1754 : i32 to vector<16xi32>
      %add3A_1756 = arith.addi %mul3A_1382, %add3A_1755 : vector<16xi32>
      %gather3A_1757 = tpu.vector_load_idx %arg13[%iota3A, %add3A_1756] : memref<16x128xf32, #tpu.memory_space<vmem>>[vector<16xi32>, vector<16xi32>], vector<16xf32>,
      %sub3A_1758 = arith.subf %gather3A_1753, %gather3A_1386 : vector<16xf32>
      %mul3A_1759 = arith.mulf %gather3A_1757, %sub3A_1758 : vector<16xf32>
      %mul3A_1760 = arith.constant 1.702000e+00 : f32
      %mul3A_1761 = vector.broadcast %mul3A_1760 : f32 to vector<16xf32>
      %mul3A_1762 = arith.mulf %mul3A_1761, %mul3A_1759 : vector<16xf32>
      %neg3A_1763 = arith.constant 0.000000e+00 : f32
      %neg3A_1764 = vector.broadcast %neg3A_1763 : f32 to vector<16xf32>
      %neg3A_1765 = arith.subf %neg3A_1764, %mul3A_1762 : vector<16xf32>
      %exp3A_1766 = math.exp %neg3A_1765 : vector<16xf32>
      %add3A_1767 = arith.constant 1.000000e+00 : f32
      %add3A_1768 = vector.broadcast %add3A_1767 : f32 to vector<16xf32>
      %add3A_1769 = arith.addf %add3A_1768, %exp3A_1766 : vector<16xf32>
      %div3A_1770 = arith.constant 1.000000e+00 : f32
      %div3A_1771 = vector.broadcast %div3A_1770 : f32 to vector<16xf32>
      %div3A_1772 = arith.divf %div3A_1771, %add3A_1769 : vector<16xf32>
      %swap3A_1773 = arith.constant 14 : i32
      %swap3A_1774 = arith.index_cast %swap3A_1773 : i32 to index
      %swap3A_1775 = arith.index_cast %mul3A_1365 : i32 to index
      %swap3A_1776 = tpu.vector_load %arg16[%swap3A_1774, %swap3A_1775] {strides = array<i32>} : memref<16x512xf32, #tpu.memory_space<vmem>>, vector<16xf32>,
      tpu.vector_store %arg16[%swap3A_1774, %swap3A_1775], %div3A_1772 {strides = array<i32>} : memref<16x512xf32, #tpu.memory_space<vmem>>, vector<16xf32>,
      %broadcast_in_dim3A_1777 = arith.constant 15 : i32
      %broadcast_in_dim3A_1778 = vector.broadcast %broadcast_in_dim3A_1777 : i32 to vector<16xi32>
      %gather3A_1779 = tpu.vector_load_idx %arg11[%broadcast_in_dim3A_1778, %add3A_1376] : memref<16x2048xf32, #tpu.memory_space<vmem>>[vector<16xi32>, vector<16xi32>], vector<16xf32>,
      %add3A_1780 = arith.constant 15 : i32
      %add3A_1781 = vector.broadcast %add3A_1780 : i32 to vector<16xi32>
      %add3A_1782 = arith.addi %mul3A_1382, %add3A_1781 : vector<16xi32>
      %gather3A_1783 = tpu.vector_load_idx %arg13[%iota3A, %add3A_1782] : memref<16x128xf32, #tpu.memory_space<vmem>>[vector<16xi32>, vector<16xi32>], vector<16xf32>,
      %sub3A_1784 = arith.subf %gather3A_1779, %gather3A_1386 : vector<16xf32>
      %mul3A_1785 = arith.mulf %gather3A_1783, %sub3A_1784 : vector<16xf32>
      %mul3A_1786 = arith.constant 1.702000e+00 : f32
      %mul3A_1787 = vector.broadcast %mul3A_1786 : f32 to vector<16xf32>
      %mul3A_1788 = arith.mulf %mul3A_1787, %mul3A_1785 : vector<16xf32>
      %neg3A_1789 = arith.constant 0.000000e+00 : f32
      %neg3A_1790 = vector.broadcast %neg3A_1789 : f32 to vector<16xf32>
      %neg3A_1791 = arith.subf %neg3A_1790, %mul3A_1788 : vector<16xf32>
      %exp3A_1792 = math.exp %neg3A_1791 : vector<16xf32>
      %add3A_1793 = arith.constant 1.000000e+00 : f32
      %add3A_1794 = vector.broadcast %add3A_1793 : f32 to vector<16xf32>
      %add3A_1795 = arith.addf %add3A_1794, %exp3A_1792 : vector<16xf32>
      %div3A_1796 = arith.constant 1.000000e+00 : f32
      %div3A_1797 = vector.broadcast %div3A_1796 : f32 to vector<16xf32>
      %div3A_1798 = arith.divf %div3A_1797, %add3A_1795 : vector<16xf32>
      %swap3A_1799 = arith.constant 15 : i32
      %swap3A_1800 = arith.index_cast %swap3A_1799 : i32 to index
      %swap3A_1801 = arith.index_cast %mul3A_1365 : i32 to index
      %swap3A_1802 = tpu.vector_load %arg16[%swap3A_1800, %swap3A_1801] {strides = array<i32>} : memref<16x512xf32, #tpu.memory_space<vmem>>, vector<16xf32>,
      tpu.vector_store %arg16[%swap3A_1800, %swap3A_1801], %div3A_1798 {strides = array<i32>} : memref<16x512xf32, #tpu.memory_space<vmem>>, vector<16xf32>,
    }
    %scan3A_266 = arith.constant 16 : i32
    %mul3A_267 = arith.constant 512 : i32
    %mul3A_268 = arith.muli %add3A, %mul3A_267 : i32
    "tpu.region"() ({
      %run_scoped3A = tpu.sem_alloc : memref<!tpu.dma_semaphore, #tpu.memory_space<semaphore_mem>>
      %dma_start3A_269 = arith.constant 0 : i32
      %dma_start3A_270 = tpu.memref_slice %arg7[%dma_start3A_269, %mul3A_268] : memref<16x16384xf32, #tpu.memory_space<hbm>> -> memref<16x512xf32, #tpu.memory_space<hbm>>
      %dma_start3A_271 = arith.constant 0 : i32
      %dma_start3A_272 = tpu.memref_slice %arg7[%dma_start3A_271, %mul3A_268] : memref<16x16384xf32, #tpu.memory_space<hbm>> -> memref<16x512xf32, #tpu.memory_space<hbm>>
      tpu.enqueue_dma source(%arg16 : memref<16x512xf32, #tpu.memory_space<vmem>>) target(%dma_start3A_272 : memref<16x512xf32, #tpu.memory_space<hbm>>) target_semaphore(%run_scoped3A : memref<!tpu.dma_semaphore, #tpu.memory_space<semaphore_mem>>)
      %dma_wait3A_273 = arith.constant 0 : i32
      %dma_wait3A_274 = tpu.memref_slice %arg7[%dma_wait3A_273, %mul3A_268] : memref<16x16384xf32, #tpu.memory_space<hbm>> -> memref<16x512xf32, #tpu.memory_space<hbm>>
      %dma_wait3A_275 = arith.constant 0 : i32
      %dma_wait3A_276 = tpu.memref_slice %arg7[%dma_wait3A_275, %mul3A_268] : memref<16x16384xf32, #tpu.memory_space<hbm>> -> memref<16x512xf32, #tpu.memory_space<hbm>>
      tpu.wait_dma2 semaphore(%run_scoped3A : memref<!tpu.dma_semaphore, #tpu.memory_space<semaphore_mem>>) src(%arg16 : memref<16x512xf32, #tpu.memory_space<vmem>>) dst(%dma_wait3A_276 : memref<16x512xf32, #tpu.memory_space<hbm>>)
      tpu.yield
    }) : () -> ()
    return
  }
}

</mosaic_0001>

<sc_bundles>
// kernel: kernel.3.cloned.1.call-start
scs
__scs_entry_jumppad:
0x0: {  	(pc) =	sbr.rel $0x88, $3  }
0x1: {  	(tag) =	ssettag $0x0;
	lr =	simm.s32 $0x1  }
0x2: {  	[smem:$0x3F9C] =	sst lr;
	_ =	strace $0xD0000000  }
0x3: {  	_ = 	snop  }
0x4: {  	_ = 	snop  }
0x5: {  	_ = 	snop  }
0x6: {  	_ = 	snop  }
0x7: {  	_ = 	snop  }
__scs_overlays_trampoline_lowered:
0x8: {  	[smem:$0x3FAB] =	sst s0  }
0x9: {  	[smem:$0x3FAC] =	sst s1  }
0xa: {  	[smem:$0x3FAD] =	sst s2  }
0xb: {  	[smem:$0x3FAE] =	sst s3  }
0xc: {  	[smem:$0x3FAF] =	sst s4  }
0xd: {  	[smem:$0x3FB0] =	sst s5  }
0xe: {  	[smem:$0x3FB1] =	sst s6  }
0xf: {  	[smem:$0x3FB2] =	sst s7  }
0x10: {  	[smem:$0x3FB3] =	sst s8  }
0x11: {  	[smem:$0x3FB4] =	sst s9;
	s0 =	simm.s32 @!p0 $0x0  }
0x12: {  	s1 =	sld [smem:$0x3F9A];
	s0 =	simm.s32 @p0 $0x1  }
0x13: {  	[smem:$0x3FB5] =	sst s0;
	s0 =	simm.s32 @!p1 $0x0  }
0x14: {  	s2 =	sld [smem:$0x3F99];
	s0 =	simm.s32 @p1 $0x1  }
0x15: {  	[smem:$0x3FB6] =	sst s0;
	s0 =	simm.s32 @!p2 $0x0  }
0x16: {  	s3 =	sld [smem:$0x3FDB];
	s0 =	simm.s32 @p2 $0x1  }
0x17: {  	s4 =	simm.s32 $0x1BF5;
	[smem:$0x3FB8] =	sst s0  }
0x18: {  	s0 =	sld [smem:$0x3F9B];
	_ =	swait.ge [sflag:s4], $0x0  }
0x19: {  	s7 =	sld [smem:$0x3F9C]  }
0x1a: {  	s8 =	sadd.s32 $0xFFFFE003, lr  }
0x1b: {  	s9 =	sadd.s32 $0xFFFFFEF7, lr;
	s5 =	simm.s32 $0xFFFFFFFF;
	p2 =	slt.u32 s8, $0xFFFFF086  }
0x1c: {  	p1 =	slt.u32 s9, $0xF7A;
	s5 =	simm.s32 @!p2 $0x0  }
0x1d: {  	s5 =	simm.s32 @p1 $0x1;
	p0 =	seq.s32 s7, s2  }
0x1e: {  	s7 =	smul.u32 @!p0 $0xF7A, s2;
	p2 =	seq.s32 @!p0 s5, $0x0  }
0x1f: {  	s9 =	smul.u32 $0xF7A, s1;
	s8 =	simm.s32 @!p0 $0x1BF5;
	p2 =	por !p2, p0  }
0x20: {  	[sflag:s8] =	ssyncset.s32 @!p0 $0xFFFFF086;
	s6 =	sadd.s32 @!p0 s3, s7;
	s7 =	simm.s32 @!p0 $0x108  }
0x21: {  	s3 =	sadd.s32 s3, s9;
	s6 =	sadd.s32 @!p0 $0x88, s6;
	s7 =	simm.s32 @p2 $0x1082  }
0x22: {  	[simem:s7], [sflag:s8] =	dma.local @!p0 [hbm:s6], $0xF7A  }
0x23: {  	s9 =	sor.u32 $0xD0000000, s2;
	s6 =	simm.s32 $0x108;
	_ =	swait.ge @!p0 [sflag:s8], $0x0  }
0x24: {  	s3 =	sadd.s32 $0x88, s3;
	s6 =	simm.s32 @!p1 $0x1082;
	[sflag:s4] =	ssyncset.s32 $0xFFFFF086  }
0x25: {  	[simem:s6], [sflag:s4] =	dma.local [hbm:s3], $0xF7A  }
0x26: {  	[smem:$0x3F9C] =	sst s1;
	(tag) =	ssettag s2;
	_ =	strace s9  }
0x27: {  	s1 =	sld [smem:$0x3FAC]  }
0x28: {  	s2 =	sld [smem:$0x3FAD]  }
0x29: {  	s4 =	sld [smem:$0x3FAF]  }
0x2a: {  	p0 =	seq.s32 s5, $0x0;
	s5 =	sld [smem:$0x3FB0]  }
0x2b: {  	s6 =	sld [smem:$0x3FB1]  }
0x2c: {  	s7 =	sld [smem:$0x3FB2]  }
0x2d: {  	s3 =	simm.s32 $0x108;
	s8 =	sld [smem:$0x3FB3]  }
0x2e: {  	s3 =	simm.s32 @!p0 $0x1082;
	s9 =	sld [smem:$0x3FB4]  }
0x2f: {  	lr =	sadd.s32 s0, s3;
	s0 =	sld [smem:$0x3FAB]  }
0x30: {  	s3 =	sld [smem:$0x3FAE]  }
0x31: {  	[smem:$0x3FB7] =	sst s10  }
0x32: {  	s10 =	sld [smem:$0x3FB5];
	_ =	sdelay $0x3  }
0x33: {  	p0 =	seq.s32 s10, $0x1;
	s10 =	sld [smem:$0x3FB7];
	_ =	sdelay $0x3  }
0x34: {  	[smem:$0x3FB7] =	sst s10  }
0x35: {  	s10 =	sld [smem:$0x3FB6];
	_ =	sdelay $0x3  }
0x36: {  	p1 =	seq.s32 s10, $0x1;
	s10 =	sld [smem:$0x3FB7];
	_ =	sdelay $0x3  }
0x37: {  	[smem:$0x3FB7] =	sst s10  }
0x38: {  	s10 =	sld [smem:$0x3FB8]  }
0x39: {  	_ = 	snop;
	(pc) =	sbr.ind lr, $3  }
0x3a: {  	_ = 	snop  }
0x3b: {  	_ = 	snop  }
0x3c: {  	p2 =	seq.s32 s10, $0x1;
	s10 =	sld [smem:$0x3FB7]  }
0x3d: {  	_ =	shalt  }
0x3e: {  	_ =	shalt  }
0x3f: {  	_ =	shalt  }
0x40: {  	_ =	shalt  }
0x41: {  	_ =	shalt  }
0x42: {  	_ =	shalt  }
0x43: {  	_ =	shalt  }
0x44: {  	_ =	shalt  }
0x45: {  	_ =	shalt  }
0x46: {  	_ =	shalt  }
0x47: {  	_ =	shalt  }
0x48: {  	_ =	shalt  }
0x49: {  	_ =	shalt  }
0x4a: {  	_ =	shalt  }
0x4b: {  	_ =	shalt  }
0x4c: {  	_ =	shalt  }
0x4d: {  	_ =	shalt  }
0x4e: {  	_ =	shalt  }
0x4f: {  	_ =	shalt  }
0x50: {  	_ =	shalt  }
0x51: {  	_ =	shalt  }
0x52: {  	_ =	shalt  }
0x53: {  	_ =	shalt  }
0x54: {  	_ =	shalt  }
0x55: {  	_ =	shalt  }
0x56: {  	_ =	shalt  }
0x57: {  	_ =	shalt  }
0x58: {  	_ =	shalt  }
0x59: {  	_ =	shalt  }
0x5a: {  	_ =	shalt  }
0x5b: {  	_ =	shalt  }
0x5c: {  	_ =	shalt  }
0x5d: {  	_ =	shalt  }
0x5e: {  	_ =	shalt  }
0x5f: {  	_ =	shalt  }
0x60: {  	_ =	shalt  }
0x61: {  	_ =	shalt  }
0x62: {  	_ =	shalt  }
0x63: {  	_ =	shalt  }
0x64: {  	_ =	shalt  }
0x65: {  	_ =	shalt  }
0x66: {  	_ =	shalt  }
0x67: {  	_ =	shalt  }
0x68: {  	_ =	shalt  }
0x69: {  	_ =	shalt  }
0x6a: {  	_ =	shalt  }
0x6b: {  	_ =	shalt  }
0x6c: {  	_ =	shalt  }
0x6d: {  	_ =	shalt  }
0x6e: {  	_ =	shalt  }
0x6f: {  	_ =	shalt  }
0x70: {  	_ =	shalt  }
0x71: {  	_ =	shalt  }
0x72: {  	_ =	shalt  }
0x73: {  	_ =	shalt  }
0x74: {  	_ =	shalt  }
0x75: {  	_ =	shalt  }
0x76: {  	_ =	shalt  }
0x77: {  	_ =	shalt  }
0x78: {  	_ =	shalt  }
0x79: {  	_ =	shalt  }
0x7a: {  	_ =	shalt  }
0x7b: {  	_ =	shalt  }
0x7c: {  	_ =	shalt  }
0x7d: {  	_ =	shalt  }
0x7e: {  	_ =	shalt  }
0x7f: {  	_ =	shalt  }
0x80: {  	_ =	shalt  }
0x81: {  	_ =	shalt  }
0x82: {  	_ =	shalt  }
0x83: {  	_ =	shalt  }
0x84: {  	_ =	shalt  }
0x85: {  	_ =	shalt  }
0x86: {  	_ =	shalt  }
0x87: {  	_ =	shalt  }
.Lfunc_end0:
.L_simem_size_0:
called_computation_lowered:
.L_overlay_start_0:
0x88: {  	s2 =	sld [smem:$0x3FD9]  }
0x89: {  	s3 =	sld [smem:$0x3FFE];
	_ =	sdelay $0x1  }
0x8a: {  	s1 =	srdreg.scid  }
0x8b: {  	s0 =	sand.u32 $0x1, s1  }
0x8c: {  	s17 =	sshll.u32 s0, $0xA;
	s2 =	sadd.s32 s3, s2  }
0x8d: {  	s2 =	sadd.s32 s2, s17  }
0x8e: {  	[smem:$0x3FC3] =	sst s2  }
0x8f: {  	_ = 	snop  }
0x90: {  	s2 =	sld [smem:$0x3FC9]  }
0x91: {  	s18 =	sld [smem:$0x3FD0];
	(tm) =	ssettm $0x1  }
0x92: {  	s4 =	sld [smem:$0x3FFB];
	_ =	sdelay $0x3  }
0x93: {  	_ =	strace s4  }
0x94: {  	s4 =	sld [smem:$0x3FFC];
	_ =	sdelay $0x3  }
0x95: {  	_ =	strace s4  }
0x96: {  	s4 =	sld [smem:$0x3FFD];
	_ =	sdelay $0x3  }
0x97: {  	_ =	strace s4  }
0x98: {  	_ =	strace $0x8FFFFFFF  }
0x99: {  	s19 =	sld [smem:$0x3FDB];
	_ =	sdelay $0x1  }
0x9a: {  	s5 =	simm.s32 $_scs_section_size  }
0x9b: {  	s6 =	simm.s32 $_size__tile_overlayer_lowered;
	s7 =	simm.s32 $_tile_overlayer_lowered  }
0x9c: {  	s22 =	simm.s32 $0x1BFF;
	s21 =	sshll.u32 s7, $0x1;
	s4 =	sadd.s32 s5, s19  }
0x9d: {  	s8 =	simm.s32 $0x0;
	s20 =	sshll.u32 s6, $0x1;
	s6 =	sadd.s32 s21, s4  }
0x9e: {  	[timem:s8], [sflag:s22] =	dma.local [hbm:s6], s20  }
0x9f: {  	_ =	swait.ge [sflag:s22], s20  }
0xa0: {  	s5 =	ssub.s32 $0x0, s20;
	[sflag:s22] =	ssyncset.done $0x0  }
0xa1: {  	[sflag:s22] =	ssyncadd.s32 s5;
	_ =	sdelay $0x1  }
0xa2: {  	s23 =	simm.s32 $0x1B8B  }
0xa3: {  	_ =	swait.ge [sflag:s23], $0x1  }
0xa4: {  	[sflag:s23] =	ssyncset.done $0x0  }
0xa5: {  	s25 =	simm.s32 $0x1B8E;
	s24 =	sld [smem:$0x3FFE];
	[sflag:s23] =	ssyncadd.s32 $0xFFFFFFFF  }
0xa6: {  	s26 =	simm.s32 $execute0_lowered;
	[smem:$0x3FD2] =	sst s25  }
0xa7: {  	s6 =	sshll.u32 s26, $0x1;
	_ =	strace $0x80000046;
	[dreg:$0x1] =	wrdreg $0xFFFFFFFF  }
0xa8: {  	s28 =	simm.s32 $_size_execute0_lowered;
	s4 =	sadd.s32 s4, s6;
	[dreg:$0x0] =	wrdreg $0x0  }
0xa9: {  	s6 =	sshll.u32 s28, $0x1;
	[dreg:$0x2] =	wrdreg s4  }
0xaa: {  	[dreg:$0x3] =	wrdreg s6  }
0xab: {  	[dreg:$0x4] =	wrdreg $0xC0  }
0xac: {  	_ =	task [dreg:s8], $0x5FFFF  }
0xad: {  	[dreg:$0x1] =	wrdreg $0xFFFFFFFF  }
0xae: {  	[dreg:$0x0] =	wrdreg $0x60  }
0xaf: {  	[dreg:$0x2] =	wrdreg s2  }
0xb0: {  	[dreg:$0x3] =	wrdreg s24  }
0xb1: {  	[dreg:$0x4] =	wrdreg s18  }
0xb2: {  	[dreg:$0x5] =	wrdreg $0x9  }
0xb3: {  	_ =	task.clear_ibuf [dreg:s8], $0x6FFFF;
	_ =	strace $0x90000046  }
0xb4: {  	s29 =	simm.s32 $0x9;
	_ =	strace $0x80000048  }
0xb5: {  	_ =	swait.ge [sflag:s29], $0x1  }
0xb6: {  	[sflag:s29] =	ssyncadd.s32 $0xFFFFFFFF  }
0xb7: {  	_ =	strace $0x90000048  }
0xb8: {  	_ =	sfence  }
0xb9: {  	s30 =	sld [smem:$0x0];
	_ =	sdelay $0x2  }
0xba: {  	s31 =	sshll.u32 s1, $0xD;
	s1 =	sshrl.u32 s1, $0x2  }
0xbb: {  	s3 =	sand.u32 $0x4000, s31;
	s1 =	sadd.s32 s1, s30  }
0xbc: {  	s0 =	sor.u32 s3, s0;
	s1 =	sshll.u32 s1, $0x11  }
0xbd: {  	s0 =	sor.u32 s1, s0  }
0xbe: {  	s0 =	sadd.s32 $0x8F2B, s0  }
0xbf: {  	[sflag:s0] =	ssyncadd.remote.s32 $0x1  }
0xc0: {  	_ =	sfence.sel $0xFFFF  }
0xc1: {  	[dreg:$0x0] =	wrdreg $0xFFFFFFFF;
	(pc) =	sbr.abs _section_cstart, $3  }
0xc2: {  	[dreg:$0x1] =	wrdreg $0xFFFFFFFF  }
0xc3: {  	_ =	task.clear_ibuf [dreg:s8], $0x2FFFF;
	_ =	strace $0x9FFFFFFF  }
0xc4: {  	(tm) =	ssettm $0x7FFFFFFF  }
0xc5: {  	_ =	shalt  }
tec
execute0_lowered:
.L_overlay_start_1:
0x0: {  	(tag) =	ssettag $0x1  }
0x1: {  	s1 =	rddreg [dreg:$0x0]  }
0x2: {  	s0 =	rddreg [dreg:$0x1];
	s2 =	srdreg.scid  }
0x3: {  	s3 =	stileid.u32;
	s6 =	rddreg [dreg:$0x2];
	s11 =	simm.s32 $0x400;
	v1 =	vlaneseq.u32  }
0x4: {  	s13 =	simm.s32 $0x1;
	s14 =	simm.s32 $0x10400;
	s15 =	simm.s32 $0x11400;
	v0 =	vmul.u32 $0x80, v1;
	v1 =	vmul.u32 $0x400, v1  }
0x5: {  	s25 =	simm.s32 $0x10C00;
	vm0 =	vmmov $0xffff;
	s2 =	sand.u32 $0x1, s2;
	s3 =	sshll.u32 s3, $0x1  }
0x6: {  	s28 =	simm.s32 $0x8400;
	s4 =	sor.u32 s2, s3;
	s3 =	simm.s32 $0x0;
	v2 =	vor.u32 $0x80, v1;
	v3 =	vor.u32 $0x1, v0;
	v4 =	vor.u32 $0x100, v1  }
0x7: {  	s2 =	ssub.s32 $0x2, s2;
	s7 =	sshll.u32 s4, $0x9;
	s4 =	sshll.u32 s4, $0x7;
	v5 =	vor.u32 $0x2, v0;
	v6 =	vor.u32 $0x180, v1;
	v7 =	vor.u32 $0x3, v0  }
0x8: {  	[smem:$0x7FF] =	sst s3;
	s26 =	sshrl.u32 s2, $0x1;
	v8 =	vor.u32 $0x200, v1;
	v9 =	vor.u32 $0x4, v0;
	v10 =	vor.u32 $0x280, v1;
	s5 =	sand.u32 $0x3000, s7  }
0x9: {  	v11 =	vor.u32 $0x5, v0;
	v12 =	vor.u32 $0x300, v1;
	v13 =	vor.u32 $0x6, v0;
	s4 =	sand.u32 $0x380, s4;
	_ =	strace $0x80000047;
	s2 =	ssub.s32 s2, s26  }
0xa: {  	v14 =	vor.u32 $0x380, v1;
	v15 =	vor.u32 $0x7, v0;
	v16 =	vor.u32 $0x4000, v1;
	s30 =	sadd.s32 s6, s7;
	s5 =	sor.u32 s4, s5;
	s4 =	sadd.s32 $0x187000, s0  }
.Ltmp0:
0xb: {  	v17 =	vor.u32 $0x8, v0;
	v18 =	vor.u32 $0x4080, v1;
	v19 =	vor.u32 $0x9, v0;
	[dreg:$0x6] =	wrdreg s30;
	s8 =	sshrl.u32 s5, $0x3;
	(pc) =	sbr.rel .LBB2_1-.Ltmp0, $4  }
0xc: {  	v20 =	vor.u32 $0x4100, v1;
	v21 =	vor.u32 $0xA, v0;
	v22 =	vor.u32 $0x4180, v1;
	s31 =	smax.u32 s2, $0x1;
	s5 =	sadd.s32 $0x600, s0;
	s0 =	sadd.s32 s8, s0  }
0xd: {  	s16 =	simm.s32 $0x2;
	v23 =	vor.u32 $0xB, v0;
	v24 =	vor.u32 $0x4200, v1;
	v25 =	vor.u32 $0xC, v0;
	[dreg:$0x7] =	wrdreg s31;
	s29 =	sadd.s32 $0x3800, s0  }
0xe: {  	v26 =	vor.u32 $0x4280, v1;
	v27 =	vor.u32 $0xD, v0;
	v28 =	vor.u32 $0x4300, v1;
	s7 =	simm.s32 $0x1000;
	s0 =	sadd.s32 $0x4000, s0;
	[dreg:$0x4] =	wrdreg s29  }
0xf: {  	v29 =	vor.u32 $0xE, v0;
	v30 =	vor.u32 $0x4380, v1;
	v31 =	vor.u32 $0xF, v0;
	s26 =	simm.s32 $0x11C00;
	s6 =	simm.s32 $0x0;
	[dreg:$0x5] =	wrdreg s0  }
.LBB2_5:
0x10: {  	s0 =	rddreg [dreg:$0x6];
	s7 =	simm.s32 $0x1000  }
0x11: {  	s2 =	simm.s32 $0x20000;
	s6 =	simm.s32 $0x12400;
	s29 =	simm.s32 $0x3  }
0x12: {  	[hbm4b:s0+s7] =	stream.strided.scatter [tilespmem:s6], [sflag:$0x3], $0x2000, s2, s7, $0x38;
	[tilespmem:$0x14400] =	vst v63  }
0x13: {  	_ =	swait.ge [sflag:s29], $0x2000  }
0x14: {  	s30 =	rddreg [dreg:$0x8]  }
0x15: {  	s31 =	rddreg [dreg:$0x7];
	s6 =	sadd.s32 $0x1, s30  }
0x16: {  	p0 =	sne.s32 s6, s31  }
.Ltmp1:
0x17: {  	_ = 	snop;
	(pc) =	sbr.rel @!p0 .LBB2_6-.Ltmp1, $3  }
0x18: {  	_ =	sdelay $0x1  }
0x19: {  	[sflag:s29] =	ssyncset.done $0x0  }
0x1a: {  	[sflag:s29] =	ssyncadd.s32 $0xFFFFE000  }
.LBB2_1:
0x1b: {  	[dreg:$0x8] =	wrdreg s6  }
0x1c: {  	s0 =	rddreg [dreg:$0x4];
	s2 =	simm.s32 $0x80  }
0x1d: {  	[tilespmem:s3], [sflag:$0x1] =	stream.strided.gather [hbm4b:s0+s2], $0x200, s11, s2, $0x38;
	[tilespmem:$0x14400] =	vst v63  }
0x1e: {  	s8 =	rddreg [dreg:$0x5];
	s9 =	simm.s32 $0x200  }
0x1f: {  	[tilespmem:s9], [sflag:$0x1] =	stream.strided.gather [hbm4b:s8+s2], $0x200, s11, s2, $0x38;
	[tilespmem:$0x14400] =	vst v63  }
0x20: {  	_ =	swait.ge [sflag:s13], $0x200  }
0x21: {  	[sflag:s13] =	ssyncset.done $0x0  }
0x22: {  	[sflag:s13] =	ssyncadd.s32 $0xFFFFFE00  }
0x23: {  	_ =	swait.ge [sflag:s13], $0x200  }
0x24: {  	[sflag:s13] =	ssyncset.done $0x0  }
0x25: {  	[sflag:s13] =	ssyncadd.s32 $0xFFFFFE00  }
0x26: {  	v32 =	vld [tilespmem:$0x200];
	_ =	sdelay $0x4  }
0x27: {  	v33 =	vshra.s32 v32, $0x3;
	_ =	sdelay $0x1  }
0x28: {  	v32 =	vshra.s32 v32, $0x7;
	_ =	sdelay $0x2  }
0x29: {  	[tilespmem:s14], [sflag:$0x1] =	stream.indirect_vreg.gather [hbm4b:s4+s3], $0x80, v33, vm0, $0xb8;
	[tilespmem:$0x14400] =	vst v63  }
0x2a: {  	_ = 	snop  }
0x2b: {  	[tilespmem:s15], [sflag:$0x1] =	stream.indirect_vreg.gather [hbm4b:s5+s3], $0x80, v32, vm0, $0xb8;
	[tilespmem:$0x14400] =	vst v63  }
0x2c: {  	v32 =	vld [tilespmem:$0x0];
	_ =	sdelay $0x4  }
0x2d: {  	v32 =	vshrl.u32 v32, $0x7  }
0x2e: {  	v32 =	vshll.u32 v32, $0x7  }
0x2f: {  	(v2sf) =	vpush v32, $0x0;
	_ =	sdelay $0x2  }
0x30: {  	(v2sf) =	vpush v32, $0x1;
	_ =	sdelay $0x3  }
0x31: {  	(v2sf) =	vpush v32, $0x2;
	_ =	sdelay $0x7  }
0x32: {  	s10 =	spop (v2sf);
	(v2sf) =	vpush v32, $0x3;
	_ =	sdelay $0x1  }
0x33: {  	s0 =	sand.u32 $0x1FFFFF80, s10  }
0x34: {  	s17 =	spop (v2sf);
	(v2sf) =	vpush v32, $0x4;
	s0 =	sadd.s32 s1, s0  }
0x35: {  	[tilespmem:s11], [sflag:$0x1] =	stream.linear.gather [hbm4b:s0+s3], $0x400, $0x38;
	[tilespmem:$0x14400] =	vst v63  }
0x36: {  	s12 =	simm.s32 $0x4400;
	s0 =	sadd.s32 $0xF4280, s0  }
0x37: {  	[tilespmem:s12], [sflag:$0x1] =	stream.linear.gather [hbm4b:s0+s3], $0x400, $0x38;
	[tilespmem:$0x14400] =	vst v63  }
0x38: {  	s20 =	spop (v2sf);
	(v2sf) =	vpush v32, $0x5;
	s0 =	sand.u32 $0x1FFFFF80, s17  }
0x39: {  	s18 =	simm.s32 $0x800;
	s0 =	sadd.s32 s1, s0  }
0x3a: {  	[tilespmem:s18], [sflag:$0x1] =	stream.linear.gather [hbm4b:s0+s3], $0x400, $0x38;
	[tilespmem:$0x14400] =	vst v63  }
0x3b: {  	s19 =	simm.s32 $0x4800;
	s0 =	sadd.s32 $0xF4280, s0  }
0x3c: {  	[tilespmem:s19], [sflag:$0x1] =	stream.linear.gather [hbm4b:s0+s3], $0x400, $0x38;
	[tilespmem:$0x14400] =	vst v63  }
0x3d: {  	s0 =	sand.u32 $0x1FFFFF80, s20  }
0x3e: {  	s21 =	simm.s32 $0xC00;
	s0 =	sadd.s32 s1, s0  }
0x3f: {  	[tilespmem:s21], [sflag:$0x1] =	stream.linear.gather [hbm4b:s0+s3], $0x400, $0x38;
	[tilespmem:$0x14400] =	vst v63  }
0x40: {  	s22 =	simm.s32 $0x4C00;
	s0 =	sadd.s32 $0xF4280, s0;
	s23 =	spop (v2sf);
	(v2sf) =	vpush v32, $0x6  }
0x41: {  	[tilespmem:s22], [sflag:$0x1] =	stream.linear.gather [hbm4b:s0+s3], $0x400, $0x38;
	[tilespmem:$0x14400] =	vst v63  }
0x42: {  	s0 =	sand.u32 $0x1FFFFF80, s23  }
0x43: {  	s29 =	spop (v2sf);
	(v2sf) =	vpush v32, $0x7;
	s0 =	sadd.s32 s1, s0  }
0x44: {  	[tilespmem:s7], [sflag:$0x1] =	stream.linear.gather [hbm4b:s0+s3], $0x400, $0x38;
	[tilespmem:$0x14400] =	vst v63  }
0x45: {  	s24 =	simm.s32 $0x5000;
	s0 =	sadd.s32 $0xF4280, s0  }
0x46: {  	[tilespmem:s24], [sflag:$0x1] =	stream.linear.gather [hbm4b:s0+s3], $0x400, $0x38;
	[tilespmem:$0x14400] =	vst v63  }
0x47: {  	s2 =	spop (v2sf);
	(v2sf) =	vpush v32, $0x8;
	s0 =	sand.u32 $0x1FFFFF80, s29  }
0x48: {  	s30 =	simm.s32 $0x1400;
	s0 =	sadd.s32 s1, s0  }
0x49: {  	[tilespmem:s30], [sflag:$0x1] =	stream.linear.gather [hbm4b:s0+s3], $0x400, $0x38;
	[tilespmem:$0x14400] =	vst v63  }
0x4a: {  	s31 =	simm.s32 $0x5400;
	s0 =	sadd.s32 $0xF4280, s0  }
0x4b: {  	[tilespmem:s31], [sflag:$0x1] =	stream.linear.gather [hbm4b:s0+s3], $0x400, $0x38;
	[tilespmem:$0x14400] =	vst v63  }
0x4c: {  	s0 =	sand.u32 $0x1FFFFF80, s2  }
0x4d: {  	s6 =	simm.s32 $0x1800;
	s0 =	sadd.s32 s1, s0  }
0x4e: {  	[tilespmem:s6], [sflag:$0x1] =	stream.linear.gather [hbm4b:s0+s3], $0x400, $0x38;
	[tilespmem:$0x14400] =	vst v63  }
0x4f: {  	s7 =	simm.s32 $0x5800;
	s0 =	sadd.s32 $0xF4280, s0;
	s8 =	spop (v2sf);
	(v2sf) =	vpush v32, $0x9  }
0x50: {  	[tilespmem:s7], [sflag:$0x1] =	stream.linear.gather [hbm4b:s0+s3], $0x400, $0x38;
	[tilespmem:$0x14400] =	vst v63  }
0x51: {  	s0 =	sand.u32 $0x1FFFFF80, s8  }
0x52: {  	s9 =	simm.s32 $0x1C00;
	s12 =	spop (v2sf);
	(v2sf) =	vpush v32, $0xA;
	s0 =	sadd.s32 s1, s0  }
0x53: {  	[tilespmem:s9], [sflag:$0x1] =	stream.linear.gather [hbm4b:s0+s3], $0x400, $0x38;
	[tilespmem:$0x14400] =	vst v63  }
0x54: {  	s10 =	simm.s32 $0x5C00;
	s0 =	sadd.s32 $0xF4280, s0  }
0x55: {  	[tilespmem:s10], [sflag:$0x1] =	stream.linear.gather [hbm4b:s0+s3], $0x400, $0x38;
	[tilespmem:$0x14400] =	vst v63  }
0x56: {  	s19 =	spop (v2sf);
	(v2sf) =	vpush v32, $0xB;
	s0 =	sand.u32 $0x1FFFFF80, s12  }
0x57: {  	s17 =	simm.s32 $0x2000;
	s0 =	sadd.s32 s1, s0  }
0x58: {  	[tilespmem:s17], [sflag:$0x1] =	stream.linear.gather [hbm4b:s0+s3], $0x400, $0x38;
	[tilespmem:$0x14400] =	vst v63  }
0x59: {  	s18 =	simm.s32 $0x6000;
	s0 =	sadd.s32 $0xF4280, s0  }
0x5a: {  	[tilespmem:s18], [sflag:$0x1] =	stream.linear.gather [hbm4b:s0+s3], $0x400, $0x38;
	[tilespmem:$0x14400] =	vst v63  }
0x5b: {  	s0 =	sand.u32 $0x1FFFFF80, s19  }
0x5c: {  	s20 =	simm.s32 $0x2400;
	s0 =	sadd.s32 s1, s0  }
0x5d: {  	[tilespmem:s20], [sflag:$0x1] =	stream.linear.gather [hbm4b:s0+s3], $0x400, $0x38;
	[tilespmem:$0x14400] =	vst v63  }
0x5e: {  	s21 =	simm.s32 $0x6400;
	s0 =	sadd.s32 $0xF4280, s0;
	s22 =	spop (v2sf);
	(v2sf) =	vpush v32, $0xC  }
0x5f: {  	[tilespmem:s21], [sflag:$0x1] =	stream.linear.gather [hbm4b:s0+s3], $0x400, $0x38;
	[tilespmem:$0x14400] =	vst v63  }
0x60: {  	s0 =	sand.u32 $0x1FFFFF80, s22  }
0x61: {  	s23 =	simm.s32 $0x2800;
	s29 =	spop (v2sf);
	(v2sf) =	vpush v32, $0xD;
	s0 =	sadd.s32 s1, s0  }
0x62: {  	[tilespmem:s23], [sflag:$0x1] =	stream.linear.gather [hbm4b:s0+s3], $0x400, $0x38;
	[tilespmem:$0x14400] =	vst v63  }
0x63: {  	s24 =	simm.s32 $0x6800;
	s0 =	sadd.s32 $0xF4280, s0  }
0x64: {  	[tilespmem:s24], [sflag:$0x1] =	stream.linear.gather [hbm4b:s0+s3], $0x400, $0x38;
	[tilespmem:$0x14400] =	vst v63  }
0x65: {  	s6 =	spop (v2sf);
	(v2sf) =	vpush v32, $0xE;
	s0 =	sand.u32 $0x1FFFFF80, s29  }
0x66: {  	s30 =	simm.s32 $0x2C00;
	s0 =	sadd.s32 s1, s0  }
0x67: {  	[tilespmem:s30], [sflag:$0x1] =	stream.linear.gather [hbm4b:s0+s3], $0x400, $0x38;
	[tilespmem:$0x14400] =	vst v63  }
0x68: {  	s31 =	simm.s32 $0x6C00;
	s0 =	sadd.s32 $0xF4280, s0  }
0x69: {  	[tilespmem:s31], [sflag:$0x1] =	stream.linear.gather [hbm4b:s0+s3], $0x400, $0x38;
	[tilespmem:$0x14400] =	vst v63  }
0x6a: {  	s0 =	sand.u32 $0x1FFFFF80, s6  }
0x6b: {  	s7 =	simm.s32 $0x3000;
	s0 =	sadd.s32 s1, s0  }
0x6c: {  	[tilespmem:s7], [sflag:$0x1] =	stream.linear.gather [hbm4b:s0+s3], $0x400, $0x38;
	[tilespmem:$0x14400] =	vst v63  }
0x6d: {  	s8 =	simm.s32 $0x7000;
	s0 =	sadd.s32 $0xF4280, s0;
	s9 =	spop (v2sf);
	(v2sf) =	vpush v32, $0xF  }
0x6e: {  	[tilespmem:s8], [sflag:$0x1] =	stream.linear.gather [hbm4b:s0+s3], $0x400, $0x38;
	[tilespmem:$0x14400] =	vst v63  }
0x6f: {  	s0 =	sand.u32 $0x1FFFFF80, s9  }
0x70: {  	s10 =	simm.s32 $0x3400;
	s12 =	spop (v2sf);
	s0 =	sadd.s32 s1, s0  }
0x71: {  	[tilespmem:s10], [sflag:$0x1] =	stream.linear.gather [hbm4b:s0+s3], $0x400, $0x38;
	[tilespmem:$0x14400] =	vst v63  }
0x72: {  	s17 =	simm.s32 $0x7400;
	s18 =	sand.u32 $0x1FFFFF80, s12;
	s0 =	sadd.s32 $0xF4280, s0  }
0x73: {  	[tilespmem:s17], [sflag:$0x1] =	stream.linear.gather [hbm4b:s0+s3], $0x400, $0x38;
	[tilespmem:$0x14400] =	vst v63  }
0x74: {  	s19 =	simm.s32 $0x3800;
	s20 =	spop (v2sf);
	s0 =	sadd.s32 s1, s18  }
0x75: {  	[tilespmem:s19], [sflag:$0x1] =	stream.linear.gather [hbm4b:s0+s3], $0x400, $0x38;
	[tilespmem:$0x14400] =	vst v63  }
0x76: {  	s21 =	simm.s32 $0x7800;
	s22 =	sand.u32 $0x1FFFFF80, s20;
	s0 =	sadd.s32 $0xF4280, s0  }
0x77: {  	[tilespmem:s21], [sflag:$0x1] =	stream.linear.gather [hbm4b:s0+s3], $0x400, $0x38;
	[tilespmem:$0x14400] =	vst v63  }
0x78: {  	s23 =	simm.s32 $0x3C00;
	s0 =	sadd.s32 s1, s22  }
0x79: {  	[tilespmem:s23], [sflag:$0x1] =	stream.linear.gather [hbm4b:s0+s3], $0x400, $0x38;
	[tilespmem:$0x14400] =	vst v63  }
0x7a: {  	s24 =	simm.s32 $0x7C00;
	s0 =	sadd.s32 $0xF4280, s0  }
0x7b: {  	[tilespmem:s24], [sflag:$0x1] =	stream.linear.gather [hbm4b:s0+s3], $0x400, $0x38;
	[tilespmem:$0x14400] =	vst v63  }
0x7c: {  	s30 =	simm.s32 $0x4000;
	s31 =	simm.s32 $0x8000;
	s29 =	spop (v2sf)  }
.Ltmp2:
0x7d: {  	s20 =	simm.s32 $0x0;
	s0 =	sand.u32 $0x1FFFFF80, s29;
	(pc) =	sbr.rel .LBB2_2-.Ltmp2, $4  }
0x7e: {  	s17 =	simm.s32 $0x220;
	s18 =	simm.s32 $0x20;
	s0 =	sadd.s32 s1, s0  }
0x7f: {  	[tilespmem:s30], [sflag:$0x1] =	stream.linear.gather [hbm4b:s0+s3], $0x400, $0x38;
	[tilespmem:$0x14400] =	vst v63  }
0x80: {  	s19 =	simm.s32 $0x0;
	s22 =	simm.s32 $0x0;
	s0 =	sadd.s32 $0xF4280, s0  }
0x81: {  	[tilespmem:s31], [sflag:$0x1] =	stream.linear.gather [hbm4b:s0+s3], $0x400, $0x38;
	[tilespmem:$0x14400] =	vst v63  }
.LBB2_4:
0x82: {  	_ =	swait.ge [sflag:s16], $0x800  }
0x83: {  	[sflag:s16] =	ssyncset.done $0x0  }
0x84: {  	[sflag:s16] =	ssyncadd.s32 $0xFFFFF800  }
0x85: {  	_ =	swait.ge [sflag:s16], $0x800  }
0x86: {  	[sflag:s16] =	ssyncset.done $0x0  }
0x87: {  	[sflag:s16] =	ssyncadd.s32 $0xFFFFF800  }
0x88: {  	_ =	swait.ge [sflag:s16], $0x800  }
0x89: {  	[sflag:s16] =	ssyncset.done $0x0  }
0x8a: {  	[sflag:s16] =	ssyncadd.s32 $0xFFFFF800  }
0x8b: {  	_ =	swait.ge [sflag:s16], $0x800  }
0x8c: {  	[sflag:s16] =	ssyncset.done $0x0  }
0x8d: {  	[sflag:s16] =	ssyncadd.s32 $0xFFFFF800  }
0x8e: {  	_ =	swait.ge [sflag:s16], $0x800  }
0x8f: {  	[sflag:s16] =	ssyncset.done $0x0  }
0x90: {  	[sflag:s16] =	ssyncadd.s32 $0xFFFFF800  }
0x91: {  	_ =	swait.ge [sflag:s16], $0x800  }
0x92: {  	[sflag:s16] =	ssyncset.done $0x0  }
0x93: {  	[sflag:s16] =	ssyncadd.s32 $0xFFFFF800  }
0x94: {  	_ =	swait.ge [sflag:s16], $0x800  }
0x95: {  	[sflag:s16] =	ssyncset.done $0x0  }
0x96: {  	[sflag:s16] =	ssyncadd.s32 $0xFFFFF800  }
0x97: {  	_ =	swait.ge [sflag:s16], $0x800  }
0x98: {  	[sflag:s16] =	ssyncset.done $0x0  }
0x99: {  	[sflag:s16] =	ssyncadd.s32 $0xFFFFF800  }
0x9a: {  	_ =	swait.ge [sflag:s16], $0x800  }
0x9b: {  	[sflag:s16] =	ssyncset.done $0x0  }
0x9c: {  	[sflag:s16] =	ssyncadd.s32 $0xFFFFF800  }
0x9d: {  	_ =	swait.ge [sflag:s16], $0x800  }
0x9e: {  	[sflag:s16] =	ssyncset.done $0x0  }
0x9f: {  	[sflag:s16] =	ssyncadd.s32 $0xFFFFF800  }
0xa0: {  	_ =	swait.ge [sflag:s16], $0x800  }
0xa1: {  	[sflag:s16] =	ssyncset.done $0x0  }
0xa2: {  	[sflag:s16] =	ssyncadd.s32 $0xFFFFF800  }
0xa3: {  	_ =	swait.ge [sflag:s16], $0x800  }
0xa4: {  	[sflag:s16] =	ssyncset.done $0x0  }
0xa5: {  	[sflag:s16] =	ssyncadd.s32 $0xFFFFF800  }
0xa6: {  	_ =	swait.ge [sflag:s16], $0x800  }
0xa7: {  	[sflag:s16] =	ssyncset.done $0x0  }
0xa8: {  	[sflag:s16] =	ssyncadd.s32 $0xFFFFF800  }
0xa9: {  	_ =	swait.ge [sflag:s16], $0x800  }
0xaa: {  	[sflag:s16] =	ssyncset.done $0x0  }
0xab: {  	[sflag:s16] =	ssyncadd.s32 $0xFFFFF800  }
0xac: {  	_ =	swait.ge [sflag:s16], $0x800  }
0xad: {  	[sflag:s16] =	ssyncset.done $0x0  }
0xae: {  	[sflag:s16] =	ssyncadd.s32 $0xFFFFF800  }
0xaf: {  	_ =	swait.ge [sflag:s16], $0x800  }
0xb0: {  	[sflag:s16] =	ssyncset.done $0x0  }
0xb1: {  	[sflag:s16] =	ssyncadd.s32 $0xFFFFF800  }
0xb2: {  	_ =	swait.ge [sflag:s16], $0x800  }
0xb3: {  	[sflag:s16] =	ssyncset.done $0x0  }
0xb4: {  	[sflag:s16] =	ssyncadd.s32 $0xFFFFF800  }
0xb5: {  	_ =	swait.ge [sflag:s16], $0x800  }
0xb6: {  	[sflag:s16] =	ssyncset.done $0x0  }
0xb7: {  	[sflag:s16] =	ssyncadd.s32 $0xFFFFF800  }
0xb8: {  	v32 =	vld [tilespmem:s24+$0x200]  }
0xb9: {  	v33 =	vld [tilespmem:s24+$0x0];
	_ =	sdelay $0x3  }
0xba: {  	v34 =	vand.u32 $0x7F, v32  }
0xbb: {  	v33 =	vand.u32 $0x7F, v33;
	v35 =	vor.u32 v0, v34  }
0xbc: {  	v32 =	vshll.u32 v32, $0x4;
	v36 =	vor.u32 v1, v33  }
0xbd: {  	v34 =	vand.u32 $0x70, v32  }
0xbe: {  	v37 =	vor.u32 v0, v34;
	_ =	sdelay $0x1  }
0xbf: {  	v32 =	vld.idx.msk [tilespmem:v35+s26+$0x0], $0xffff  }
0xc0: {  	v44 =	vld.idx.msk [tilespmem:v36+s28+$0x0], $0xffff;
	_ =	sdelay $0x1  }
0xc1: {  	v45 =	vld.idx.msk [tilespmem:v37+s25+$0x0], $0xffff;
	_ =	sdelay $0x2  }
0xc2: {  	v35 =	vsub.f32 v44, v32;
	_ =	sdelay $0x1  }
0xc3: {  	v35 =	vmul.f32 v35, v45;
	_ =	sdelay $0x1  }
0xc4: {  	v35 =	vmul.f32 $1.702000020e+00, v35;
	_ =	sdelay $0x1  }
0xc5: {  	v35 =	vsub.f32 $0.0e+00, v35;
	_ =	sdelay $0x1  }
0xc6: {  	v35 =	vmul.f32 $1.442695020e+00, v35;
	_ =	sdelay $0x1  }
0xc7: {  	(erf) = vpow2.f32 v35;
	_ =	sdelay $0x8  }
0xc8: {  	v35 =	vpop (erf)  }
0xc9: {  	v35 =	vadd.f32 $1.000000000e+00, v35;
	_ =	sdelay $0x1  }
0xca: {  	(erf) = vrcp.f32 v35;
	_ =	sdelay $0x5  }
0xcb: {  	v46 =	vor.u32 v2, v33;
	_ =	sdelay $0x1  }
0xcc: {  	v47 =	vor.u32 v3, v34  }
0xcd: {  	s21 =	sadd.s32 s23, s21;
	v48 =	vpop (erf)  }
0xce: {  	[tilespmem:s21+$0x0] =	vst v48  }
0xcf: {  	v35 =	vld.idx.msk [tilespmem:v46+s28+$0x0], $0xffff;
	_ =	sdelay $0x1  }
0xd0: {  	v36 =	vld.idx.msk [tilespmem:v47+s25+$0x0], $0xffff;
	_ =	sdelay $0x2  }
0xd1: {  	v35 =	vsub.f32 v35, v32;
	_ =	sdelay $0x1  }
0xd2: {  	v35 =	vmul.f32 v35, v36;
	_ =	sdelay $0x1  }
0xd3: {  	v35 =	vmul.f32 $1.702000020e+00, v35;
	_ =	sdelay $0x1  }
0xd4: {  	v35 =	vsub.f32 $0.0e+00, v35;
	_ =	sdelay $0x1  }
0xd5: {  	v35 =	vmul.f32 $1.442695020e+00, v35;
	_ =	sdelay $0x1  }
0xd6: {  	(erf) = vpow2.f32 v35;
	_ =	sdelay $0x8  }
0xd7: {  	v35 =	vpop (erf)  }
0xd8: {  	v35 =	vadd.f32 $1.000000000e+00, v35;
	_ =	sdelay $0x1  }
0xd9: {  	(erf) = vrcp.f32 v35;
	_ =	sdelay $0x5  }
0xda: {  	v49 =	vor.u32 v4, v33;
	_ =	sdelay $0x1  }
0xdb: {  	v50 =	vor.u32 v5, v34  }
0xdc: {  	v51 =	vpop (erf)  }
0xdd: {  	[tilespmem:s21+$0x80] =	vst v51  }
0xde: {  	v35 =	vld.idx.msk [tilespmem:v49+s28+$0x0], $0xffff;
	_ =	sdelay $0x1  }
0xdf: {  	v36 =	vld.idx.msk [tilespmem:v50+s25+$0x0], $0xffff;
	_ =	sdelay $0x2  }
0xe0: {  	v35 =	vsub.f32 v35, v32;
	_ =	sdelay $0x1  }
0xe1: {  	v35 =	vmul.f32 v35, v36;
	_ =	sdelay $0x1  }
0xe2: {  	v35 =	vmul.f32 $1.702000020e+00, v35;
	_ =	sdelay $0x1  }
0xe3: {  	v35 =	vsub.f32 $0.0e+00, v35;
	_ =	sdelay $0x1  }
0xe4: {  	v35 =	vmul.f32 $1.442695020e+00, v35;
	_ =	sdelay $0x1  }
0xe5: {  	(erf) = vpow2.f32 v35;
	_ =	sdelay $0x8  }
0xe6: {  	v35 =	vpop (erf)  }
0xe7: {  	v35 =	vadd.f32 $1.000000000e+00, v35;
	_ =	sdelay $0x1  }
0xe8: {  	(erf) = vrcp.f32 v35;
	_ =	sdelay $0x5  }
0xe9: {  	v52 =	vor.u32 v6, v33;
	_ =	sdelay $0x1  }
0xea: {  	v53 =	vor.u32 v7, v34  }
0xeb: {  	v54 =	vpop (erf)  }
0xec: {  	[tilespmem:s21+$0x100] =	vst v54  }
0xed: {  	v35 =	vld.idx.msk [tilespmem:v52+s28+$0x0], $0xffff;
	_ =	sdelay $0x1  }
0xee: {  	v36 =	vld.idx.msk [tilespmem:v53+s25+$0x0], $0xffff;
	_ =	sdelay $0x2  }
0xef: {  	v35 =	vsub.f32 v35, v32;
	_ =	sdelay $0x1  }
0xf0: {  	v35 =	vmul.f32 v35, v36;
	_ =	sdelay $0x1  }
0xf1: {  	v35 =	vmul.f32 $1.702000020e+00, v35;
	_ =	sdelay $0x1  }
0xf2: {  	v35 =	vsub.f32 $0.0e+00, v35;
	_ =	sdelay $0x1  }
0xf3: {  	v35 =	vmul.f32 $1.442695020e+00, v35;
	_ =	sdelay $0x1  }
0xf4: {  	(erf) = vpow2.f32 v35;
	_ =	sdelay $0x8  }
0xf5: {  	v35 =	vpop (erf)  }
0xf6: {  	v35 =	vadd.f32 $1.000000000e+00, v35;
	_ =	sdelay $0x1  }
0xf7: {  	(erf) = vrcp.f32 v35;
	_ =	sdelay $0x5  }
0xf8: {  	v55 =	vor.u32 v8, v33;
	_ =	sdelay $0x1  }
0xf9: {  	v56 =	vor.u32 v9, v34  }
0xfa: {  	v57 =	vpop (erf)  }
0xfb: {  	[tilespmem:s21+$0x180] =	vst v57  }
0xfc: {  	v35 =	vld.idx.msk [tilespmem:v55+s28+$0x0], $0xffff;
	_ =	sdelay $0x1  }
0xfd: {  	v36 =	vld.idx.msk [tilespmem:v56+s25+$0x0], $0xffff;
	_ =	sdelay $0x2  }
0xfe: {  	v35 =	vsub.f32 v35, v32;
	_ =	sdelay $0x1  }
0xff: {  	v35 =	vmul.f32 v35, v36;
	_ =	sdelay $0x1  }
0x100: {  	v35 =	vmul.f32 $1.702000020e+00, v35;
	_ =	sdelay $0x1  }
0x101: {  	v35 =	vsub.f32 $0.0e+00, v35;
	_ =	sdelay $0x1  }
0x102: {  	v35 =	vmul.f32 $1.442695020e+00, v35;
	_ =	sdelay $0x1  }
0x103: {  	(erf) = vpow2.f32 v35;
	_ =	sdelay $0x8  }
0x104: {  	v35 =	vpop (erf)  }
0x105: {  	v35 =	vadd.f32 $1.000000000e+00, v35;
	_ =	sdelay $0x1  }
0x106: {  	(erf) = vrcp.f32 v35;
	_ =	sdelay $0x5  }
0x107: {  	v58 =	vor.u32 v10, v33;
	_ =	sdelay $0x1  }
0x108: {  	v59 =	vor.u32 v11, v34  }
0x109: {  	v60 =	vpop (erf)  }
0x10a: {  	[tilespmem:s21+$0x200] =	vst v60  }
0x10b: {  	v35 =	vld.idx.msk [tilespmem:v58+s28+$0x0], $0xffff;
	_ =	sdelay $0x1  }
0x10c: {  	v36 =	vld.idx.msk [tilespmem:v59+s25+$0x0], $0xffff;
	_ =	sdelay $0x2  }
0x10d: {  	v35 =	vsub.f32 v35, v32;
	_ =	sdelay $0x1  }
0x10e: {  	v35 =	vmul.f32 v35, v36;
	_ =	sdelay $0x1  }
0x10f: {  	v35 =	vmul.f32 $1.702000020e+00, v35;
	_ =	sdelay $0x1  }
0x110: {  	v35 =	vsub.f32 $0.0e+00, v35;
	_ =	sdelay $0x1  }
0x111: {  	v35 =	vmul.f32 $1.442695020e+00, v35;
	_ =	sdelay $0x1  }
0x112: {  	(erf) = vpow2.f32 v35;
	_ =	sdelay $0x8  }
0x113: {  	v35 =	vpop (erf)  }
0x114: {  	v35 =	vadd.f32 $1.000000000e+00, v35;
	_ =	sdelay $0x1  }
0x115: {  	(erf) = vrcp.f32 v35;
	_ =	sdelay $0x5  }
0x116: {  	v61 =	vor.u32 v12, v33;
	_ =	sdelay $0x1  }
0x117: {  	v62 =	vor.u32 v13, v34  }
0x118: {  	v63 =	vpop (erf)  }
0x119: {  	[tilespmem:s21+$0x280] =	vst v63  }
0x11a: {  	v35 =	vld.idx.msk [tilespmem:v61+s28+$0x0], $0xffff;
	_ =	sdelay $0x1  }
0x11b: {  	v36 =	vld.idx.msk [tilespmem:v62+s25+$0x0], $0xffff;
	_ =	sdelay $0x2  }
0x11c: {  	v35 =	vsub.f32 v35, v32;
	_ =	sdelay $0x1  }
0x11d: {  	v35 =	vmul.f32 v35, v36;
	_ =	sdelay $0x1  }
0x11e: {  	v35 =	vmul.f32 $1.702000020e+00, v35;
	_ =	sdelay $0x1  }
0x11f: {  	v35 =	vsub.f32 $0.0e+00, v35;
	_ =	sdelay $0x1  }
0x120: {  	v35 =	vmul.f32 $1.442695020e+00, v35;
	_ =	sdelay $0x1  }
0x121: {  	(erf) = vpow2.f32 v35;
	_ =	sdelay $0x8  }
0x122: {  	v35 =	vpop (erf)  }
0x123: {  	v35 =	vadd.f32 $1.000000000e+00, v35;
	_ =	sdelay $0x1  }
0x124: {  	(erf) = vrcp.f32 v35;
	_ =	sdelay $0x5  }
0x125: {  	v40 =	vor.u32 v14, v33;
	_ =	sdelay $0x1  }
0x126: {  	s2 =	sadd.s32 $0x10, s2;
	v41 =	vor.u32 v15, v34  }
0x127: {  	s9 =	sor.u32 $0x300, s2;
	v42 =	vpop (erf)  }
0x128: {  	[tilespmem:s9+$0x12400] =	vst v42  }
0x129: {  	v35 =	vld.idx.msk [tilespmem:v40+s28+$0x0], $0xffff;
	_ =	sdelay $0x1  }
0x12a: {  	v36 =	vld.idx.msk [tilespmem:v41+s25+$0x0], $0xffff;
	_ =	sdelay $0x2  }
0x12b: {  	v35 =	vsub.f32 v35, v32;
	_ =	sdelay $0x1  }
0x12c: {  	v35 =	vmul.f32 v35, v36;
	_ =	sdelay $0x1  }
0x12d: {  	v35 =	vmul.f32 $1.702000020e+00, v35;
	_ =	sdelay $0x1  }
0x12e: {  	v35 =	vsub.f32 $0.0e+00, v35;
	_ =	sdelay $0x1  }
0x12f: {  	v35 =	vmul.f32 $1.442695020e+00, v35;
	_ =	sdelay $0x1  }
0x130: {  	(erf) = vpow2.f32 v35;
	_ =	sdelay $0x8  }
0x131: {  	v35 =	vpop (erf)  }
0x132: {  	v35 =	vadd.f32 $1.000000000e+00, v35;
	_ =	sdelay $0x1  }
0x133: {  	(erf) = vrcp.f32 v35;
	_ =	sdelay $0x5  }
0x134: {  	v43 =	vor.u32 v16, v33;
	_ =	sdelay $0x1  }
0x135: {  	v44 =	vor.u32 v17, v34  }
0x136: {  	s2 =	sor.u32 $0x380, s2;
	v45 =	vpop (erf)  }
0x137: {  	[tilespmem:s2+$0x12400] =	vst v45  }
0x138: {  	v35 =	vld.idx.msk [tilespmem:v43+s28+$0x0], $0xffff;
	_ =	sdelay $0x1  }
0x139: {  	v36 =	vld.idx.msk [tilespmem:v44+s25+$0x0], $0xffff;
	_ =	sdelay $0x2  }
0x13a: {  	v35 =	vsub.f32 v35, v32;
	_ =	sdelay $0x1  }
0x13b: {  	v35 =	vmul.f32 v35, v36;
	_ =	sdelay $0x1  }
0x13c: {  	v35 =	vmul.f32 $1.702000020e+00, v35;
	_ =	sdelay $0x1  }
0x13d: {  	v35 =	vsub.f32 $0.0e+00, v35;
	_ =	sdelay $0x1  }
0x13e: {  	v35 =	vmul.f32 $1.442695020e+00, v35;
	_ =	sdelay $0x1  }
0x13f: {  	(erf) = vpow2.f32 v35;
	_ =	sdelay $0x8  }
0x140: {  	v35 =	vpop (erf)  }
0x141: {  	v35 =	vadd.f32 $1.000000000e+00, v35;
	_ =	sdelay $0x1  }
0x142: {  	(erf) = vrcp.f32 v35;
	_ =	sdelay $0x5  }
0x143: {  	v46 =	vor.u32 v18, v33;
	_ =	sdelay $0x1  }
0x144: {  	v47 =	vor.u32 v19, v34  }
0x145: {  	s30 =	sadd.s32 s23, s29;
	v48 =	vpop (erf)  }
0x146: {  	[tilespmem:s30+$0x0] =	vst v48  }
0x147: {  	v35 =	vld.idx.msk [tilespmem:v46+s28+$0x0], $0xffff;
	_ =	sdelay $0x1  }
0x148: {  	v36 =	vld.idx.msk [tilespmem:v47+s25+$0x0], $0xffff;
	_ =	sdelay $0x2  }
0x149: {  	v35 =	vsub.f32 v35, v32;
	_ =	sdelay $0x1  }
0x14a: {  	v35 =	vmul.f32 v35, v36;
	_ =	sdelay $0x1  }
0x14b: {  	v35 =	vmul.f32 $1.702000020e+00, v35;
	_ =	sdelay $0x1  }
0x14c: {  	v35 =	vsub.f32 $0.0e+00, v35;
	_ =	sdelay $0x1  }
0x14d: {  	v35 =	vmul.f32 $1.442695020e+00, v35;
	_ =	sdelay $0x1  }
0x14e: {  	(erf) = vpow2.f32 v35;
	_ =	sdelay $0x8  }
0x14f: {  	v35 =	vpop (erf)  }
0x150: {  	v35 =	vadd.f32 $1.000000000e+00, v35;
	_ =	sdelay $0x1  }
0x151: {  	(erf) = vrcp.f32 v35;
	_ =	sdelay $0x5  }
0x152: {  	v49 =	vor.u32 v20, v33;
	_ =	sdelay $0x1  }
0x153: {  	v50 =	vor.u32 v21, v34  }
0x154: {  	s9 =	sadd.s32 s23, s31;
	v51 =	vpop (erf)  }
0x155: {  	[tilespmem:s9+$0x0] =	vst v51  }
0x156: {  	v35 =	vld.idx.msk [tilespmem:v49+s28+$0x0], $0xffff;
	_ =	sdelay $0x1  }
0x157: {  	v36 =	vld.idx.msk [tilespmem:v50+s25+$0x0], $0xffff;
	_ =	sdelay $0x2  }
0x158: {  	v35 =	vsub.f32 v35, v32;
	_ =	sdelay $0x1  }
0x159: {  	v35 =	vmul.f32 v35, v36;
	_ =	sdelay $0x1  }
0x15a: {  	v35 =	vmul.f32 $1.702000020e+00, v35;
	_ =	sdelay $0x1  }
0x15b: {  	v35 =	vsub.f32 $0.0e+00, v35;
	_ =	sdelay $0x1  }
0x15c: {  	v35 =	vmul.f32 $1.442695020e+00, v35;
	_ =	sdelay $0x1  }
0x15d: {  	(erf) = vpow2.f32 v35;
	_ =	sdelay $0x8  }
0x15e: {  	v35 =	vpop (erf)  }
0x15f: {  	v35 =	vadd.f32 $1.000000000e+00, v35;
	_ =	sdelay $0x1  }
0x160: {  	(erf) = vrcp.f32 v35;
	_ =	sdelay $0x5  }
0x161: {  	v52 =	vor.u32 v22, v33;
	_ =	sdelay $0x1  }
0x162: {  	v53 =	vor.u32 v23, v34  }
0x163: {  	s0 =	sadd.s32 s23, s0;
	v54 =	vpop (erf)  }
0x164: {  	[tilespmem:s0+$0x0] =	vst v54  }
0x165: {  	v35 =	vld.idx.msk [tilespmem:v52+s28+$0x0], $0xffff;
	_ =	sdelay $0x1  }
0x166: {  	v36 =	vld.idx.msk [tilespmem:v53+s25+$0x0], $0xffff;
	_ =	sdelay $0x2  }
0x167: {  	v35 =	vsub.f32 v35, v32;
	_ =	sdelay $0x1  }
0x168: {  	v35 =	vmul.f32 v35, v36;
	_ =	sdelay $0x1  }
0x169: {  	v35 =	vmul.f32 $1.702000020e+00, v35;
	_ =	sdelay $0x1  }
0x16a: {  	v35 =	vsub.f32 $0.0e+00, v35;
	_ =	sdelay $0x1  }
0x16b: {  	v35 =	vmul.f32 $1.442695020e+00, v35;
	_ =	sdelay $0x1  }
0x16c: {  	(erf) = vpow2.f32 v35;
	_ =	sdelay $0x8  }
0x16d: {  	v35 =	vpop (erf)  }
0x16e: {  	v35 =	vadd.f32 $1.000000000e+00, v35;
	_ =	sdelay $0x1  }
0x16f: {  	(erf) = vrcp.f32 v35;
	_ =	sdelay $0x5  }
0x170: {  	v55 =	vor.u32 v24, v33;
	_ =	sdelay $0x1  }
0x171: {  	v56 =	vor.u32 v25, v34  }
0x172: {  	s21 =	sadd.s32 s23, s12;
	v57 =	vpop (erf)  }
0x173: {  	[tilespmem:s21+$0x0] =	vst v57  }
0x174: {  	v35 =	vld.idx.msk [tilespmem:v55+s28+$0x0], $0xffff;
	_ =	sdelay $0x1  }
0x175: {  	v36 =	vld.idx.msk [tilespmem:v56+s25+$0x0], $0xffff;
	_ =	sdelay $0x2  }
0x176: {  	v35 =	vsub.f32 v35, v32;
	_ =	sdelay $0x1  }
0x177: {  	v35 =	vmul.f32 v35, v36;
	_ =	sdelay $0x1  }
0x178: {  	v35 =	vmul.f32 $1.702000020e+00, v35;
	_ =	sdelay $0x1  }
0x179: {  	v35 =	vsub.f32 $0.0e+00, v35;
	_ =	sdelay $0x1  }
0x17a: {  	v35 =	vmul.f32 $1.442695020e+00, v35;
	_ =	sdelay $0x1  }
0x17b: {  	(erf) = vpow2.f32 v35;
	_ =	sdelay $0x8  }
0x17c: {  	v35 =	vpop (erf)  }
0x17d: {  	v35 =	vadd.f32 $1.000000000e+00, v35;
	_ =	sdelay $0x1  }
0x17e: {  	(erf) = vrcp.f32 v35;
	_ =	sdelay $0x5  }
0x17f: {  	v58 =	vor.u32 v26, v33;
	_ =	sdelay $0x1  }
0x180: {  	v59 =	vor.u32 v27, v34  }
0x181: {  	s24 =	sadd.s32 s23, s10;
	v60 =	vpop (erf)  }
0x182: {  	[tilespmem:s24+$0x0] =	vst v60  }
0x183: {  	v35 =	vld.idx.msk [tilespmem:v58+s28+$0x0], $0xffff;
	_ =	sdelay $0x1  }
0x184: {  	v36 =	vld.idx.msk [tilespmem:v59+s25+$0x0], $0xffff;
	_ =	sdelay $0x2  }
0x185: {  	v35 =	vsub.f32 v35, v32;
	_ =	sdelay $0x1  }
0x186: {  	v35 =	vmul.f32 v35, v36;
	_ =	sdelay $0x1  }
0x187: {  	v35 =	vmul.f32 $1.702000020e+00, v35;
	_ =	sdelay $0x1  }
0x188: {  	v35 =	vsub.f32 $0.0e+00, v35;
	_ =	sdelay $0x1  }
0x189: {  	v35 =	vmul.f32 $1.442695020e+00, v35;
	_ =	sdelay $0x1  }
0x18a: {  	(erf) = vpow2.f32 v35;
	_ =	sdelay $0x8  }
0x18b: {  	v35 =	vpop (erf)  }
0x18c: {  	v35 =	vadd.f32 $1.000000000e+00, v35;
	_ =	sdelay $0x1  }
0x18d: {  	(erf) = vrcp.f32 v35;
	_ =	sdelay $0x5  }
0x18e: {  	v61 =	vor.u32 v28, v33;
	_ =	sdelay $0x1  }
0x18f: {  	v62 =	vor.u32 v29, v34  }
0x190: {  	s29 =	sadd.s32 s23, s6;
	v63 =	vpop (erf)  }
0x191: {  	[tilespmem:s29+$0x0] =	vst v63  }
0x192: {  	v35 =	vld.idx.msk [tilespmem:v61+s28+$0x0], $0xffff;
	_ =	sdelay $0x1  }
0x193: {  	v36 =	vld.idx.msk [tilespmem:v62+s25+$0x0], $0xffff;
	_ =	sdelay $0x2  }
0x194: {  	v35 =	vsub.f32 v35, v32;
	_ =	sdelay $0x1  }
0x195: {  	v35 =	vmul.f32 v35, v36;
	_ =	sdelay $0x1  }
0x196: {  	v35 =	vmul.f32 $1.702000020e+00, v35;
	_ =	sdelay $0x1  }
0x197: {  	v35 =	vsub.f32 $0.0e+00, v35;
	_ =	sdelay $0x1  }
0x198: {  	v35 =	vmul.f32 $1.442695020e+00, v35;
	_ =	sdelay $0x1  }
0x199: {  	(erf) = vpow2.f32 v35;
	_ =	sdelay $0x8  }
0x19a: {  	v35 =	vpop (erf)  }
0x19b: {  	v35 =	vadd.f32 $1.000000000e+00, v35;
	_ =	sdelay $0x1  }
0x19c: {  	(erf) = vrcp.f32 v35;
	_ =	sdelay $0x5  }
0x19d: {  	v33 =	vor.u32 v30, v33;
	_ =	sdelay $0x1  }
0x19e: {  	v34 =	vor.u32 v31, v34  }
0x19f: {  	s30 =	sadd.s32 s23, s7;
	v35 =	vpop (erf)  }
0x1a0: {  	[tilespmem:s30+$0x0] =	vst v35  }
0x1a1: {  	v33 =	vld.idx.msk [tilespmem:v33+s28+$0x0], $0xffff;
	_ =	sdelay $0x1  }
0x1a2: {  	v34 =	vld.idx.msk [tilespmem:v34+s25+$0x0], $0xffff;
	_ =	sdelay $0x2  }
0x1a3: {  	v32 =	vsub.f32 v33, v32;
	_ =	sdelay $0x1  }
0x1a4: {  	v32 =	vmul.f32 v32, v34;
	_ =	sdelay $0x1  }
0x1a5: {  	v32 =	vmul.f32 $1.702000020e+00, v32;
	_ =	sdelay $0x1  }
0x1a6: {  	v32 =	vsub.f32 $0.0e+00, v32;
	_ =	sdelay $0x1  }
0x1a7: {  	v32 =	vmul.f32 $1.442695020e+00, v32;
	_ =	sdelay $0x1  }
0x1a8: {  	(erf) = vpow2.f32 v32;
	_ =	sdelay $0x8  }
0x1a9: {  	v32 =	vpop (erf)  }
0x1aa: {  	v32 =	vadd.f32 $1.000000000e+00, v32;
	_ =	sdelay $0x1  }
0x1ab: {  	(erf) = vrcp.f32 v32;
	_ =	sdelay $0x3  }
0x1ac: {  	s22 =	sadd.s32 $0x100, s22  }
0x1ad: {  	p0 =	sne.s32 s22, $0x1000  }
.Ltmp3:
0x1ae: {  	_ = 	snop;
	(pc) =	sbr.rel @!p0 .LBB2_5-.Ltmp3, $3  }
0x1af: {  	_ =	sdelay $0x1  }
0x1b0: {  	s20 =	sadd.s32 $0x1, s20;
	s31 =	sadd.s32 s23, s8;
	v32 =	vpop (erf)  }
0x1b1: {  	s19 =	sadd.s32 $0x20, s19;
	s17 =	sadd.s32 $0x20, s17;
	s18 =	sadd.s32 $0x20, s18;
	[tilespmem:s31+$0x0] =	vst v32  }
.LBB2_2:
0x1b2: {  	s30 =	sand.u32 $0x60, s19  }
0x1b3: {  	s0 =	sand.u32 $0x180, s19;
	s23 =	sor.u32 $0x10, s30  }
0x1b4: {  	s24 =	sor.u32 s0, s23  }
0x1b5: {  	v32 =	vld [tilespmem:s24+$0x200];
	_ =	sdelay $0x4  }
0x1b6: {  	v33 =	vshra.s32 v32, $0x3;
	_ =	sdelay $0x1  }
0x1b7: {  	v32 =	vshra.s32 v32, $0x7;
	_ =	sdelay $0x2  }
0x1b8: {  	[tilespmem:s25], [sflag:$0x2] =	stream.indirect_vreg.gather [hbm4b:s4+s3], $0x80, v33, vm0, $0xb8;
	[tilespmem:$0x14400] =	vst v63  }
0x1b9: {  	_ = 	snop  }
0x1ba: {  	[tilespmem:s26], [sflag:$0x2] =	stream.indirect_vreg.gather [hbm4b:s5+s3], $0x80, v32, vm0, $0xb8;
	[tilespmem:$0x14400] =	vst v63  }
0x1bb: {  	v32 =	vld [tilespmem:s24+$0x0];
	_ =	sdelay $0x4  }
0x1bc: {  	v32 =	vshrl.u32 v32, $0x7  }
0x1bd: {  	v32 =	vshll.u32 v32, $0x7  }
0x1be: {  	(v2sf) =	vpush v32, $0x0;
	_ =	sdelay $0x2  }
0x1bf: {  	(v2sf) =	vpush v32, $0x1;
	_ =	sdelay $0x3  }
0x1c0: {  	(v2sf) =	vpush v32, $0x2;
	_ =	sdelay $0x7  }
0x1c1: {  	s9 =	spop (v2sf);
	(v2sf) =	vpush v32, $0x3;
	_ =	sdelay $0x1  }
0x1c2: {  	s0 =	sand.u32 $0x1FFFFF80, s9  }
0x1c3: {  	s10 =	spop (v2sf);
	(v2sf) =	vpush v32, $0x4;
	s0 =	sadd.s32 s1, s0  }
0x1c4: {  	[tilespmem:s28], [sflag:$0x2] =	stream.linear.gather [hbm4b:s0+s3], $0x400, $0x38;
	[tilespmem:$0x14400] =	vst v63  }
0x1c5: {  	s2 =	simm.s32 $0xC400;
	s0 =	sadd.s32 $0xF4280, s0  }
0x1c6: {  	[tilespmem:s2], [sflag:$0x2] =	stream.linear.gather [hbm4b:s0+s3], $0x400, $0x38;
	[tilespmem:$0x14400] =	vst v63  }
0x1c7: {  	s0 =	sand.u32 $0x1FFFFF80, s10;
	s2 =	spop (v2sf);
	(v2sf) =	vpush v32, $0x5  }
0x1c8: {  	s12 =	simm.s32 $0x8800;
	s0 =	sadd.s32 s1, s0  }
0x1c9: {  	[tilespmem:s12], [sflag:$0x2] =	stream.linear.gather [hbm4b:s0+s3], $0x400, $0x38;
	[tilespmem:$0x14400] =	vst v63  }
0x1ca: {  	s21 =	simm.s32 $0xC800;
	s0 =	sadd.s32 $0xF4280, s0  }
0x1cb: {  	[tilespmem:s21], [sflag:$0x2] =	stream.linear.gather [hbm4b:s0+s3], $0x400, $0x38;
	[tilespmem:$0x14400] =	vst v63  }
0x1cc: {  	s0 =	sand.u32 $0x1FFFFF80, s2  }
0x1cd: {  	s6 =	simm.s32 $0x8C00;
	s0 =	sadd.s32 s1, s0  }
0x1ce: {  	[tilespmem:s6], [sflag:$0x2] =	stream.linear.gather [hbm4b:s0+s3], $0x400, $0x38;
	[tilespmem:$0x14400] =	vst v63  }
0x1cf: {  	s7 =	simm.s32 $0xCC00;
	s0 =	sadd.s32 $0xF4280, s0;
	s8 =	spop (v2sf);
	(v2sf) =	vpush v32, $0x6  }
0x1d0: {  	[tilespmem:s7], [sflag:$0x2] =	stream.linear.gather [hbm4b:s0+s3], $0x400, $0x38;
	[tilespmem:$0x14400] =	vst v63  }
0x1d1: {  	s0 =	sand.u32 $0x1FFFFF80, s8  }
0x1d2: {  	s9 =	simm.s32 $0x9000;
	s12 =	spop (v2sf);
	(v2sf) =	vpush v32, $0x7;
	s0 =	sadd.s32 s1, s0  }
0x1d3: {  	[tilespmem:s9], [sflag:$0x2] =	stream.linear.gather [hbm4b:s0+s3], $0x400, $0x38;
	[tilespmem:$0x14400] =	vst v63  }
0x1d4: {  	s10 =	simm.s32 $0xD000;
	s0 =	sadd.s32 $0xF4280, s0  }
0x1d5: {  	[tilespmem:s10], [sflag:$0x2] =	stream.linear.gather [hbm4b:s0+s3], $0x400, $0x38;
	[tilespmem:$0x14400] =	vst v63  }
0x1d6: {  	s0 =	sand.u32 $0x1FFFFF80, s12;
	s7 =	spop (v2sf);
	(v2sf) =	vpush v32, $0x8  }
0x1d7: {  	s21 =	simm.s32 $0x9400;
	s0 =	sadd.s32 s1, s0  }
0x1d8: {  	[tilespmem:s21], [sflag:$0x2] =	stream.linear.gather [hbm4b:s0+s3], $0x400, $0x38;
	[tilespmem:$0x14400] =	vst v63  }
0x1d9: {  	s6 =	simm.s32 $0xD400;
	s0 =	sadd.s32 $0xF4280, s0  }
0x1da: {  	[tilespmem:s6], [sflag:$0x2] =	stream.linear.gather [hbm4b:s0+s3], $0x400, $0x38;
	[tilespmem:$0x14400] =	vst v63  }
0x1db: {  	s0 =	sand.u32 $0x1FFFFF80, s7  }
0x1dc: {  	s8 =	simm.s32 $0x9800;
	s0 =	sadd.s32 s1, s0  }
0x1dd: {  	[tilespmem:s8], [sflag:$0x2] =	stream.linear.gather [hbm4b:s0+s3], $0x400, $0x38;
	[tilespmem:$0x14400] =	vst v63  }
0x1de: {  	s9 =	simm.s32 $0xD800;
	s0 =	sadd.s32 $0xF4280, s0;
	s10 =	spop (v2sf);
	(v2sf) =	vpush v32, $0x9  }
0x1df: {  	[tilespmem:s9], [sflag:$0x2] =	stream.linear.gather [hbm4b:s0+s3], $0x400, $0x38;
	[tilespmem:$0x14400] =	vst v63  }
0x1e0: {  	s0 =	sand.u32 $0x1FFFFF80, s10  }
0x1e1: {  	s12 =	simm.s32 $0x9C00;
	s2 =	spop (v2sf);
	(v2sf) =	vpush v32, $0xA;
	s0 =	sadd.s32 s1, s0  }
0x1e2: {  	[tilespmem:s12], [sflag:$0x2] =	stream.linear.gather [hbm4b:s0+s3], $0x400, $0x38;
	[tilespmem:$0x14400] =	vst v63  }
0x1e3: {  	s21 =	simm.s32 $0xDC00;
	s0 =	sadd.s32 $0xF4280, s0  }
0x1e4: {  	[tilespmem:s21], [sflag:$0x2] =	stream.linear.gather [hbm4b:s0+s3], $0x400, $0x38;
	[tilespmem:$0x14400] =	vst v63  }
0x1e5: {  	s0 =	sand.u32 $0x1FFFFF80, s2;
	s8 =	spop (v2sf);
	(v2sf) =	vpush v32, $0xB  }
0x1e6: {  	s6 =	simm.s32 $0xA000;
	s0 =	sadd.s32 s1, s0  }
0x1e7: {  	[tilespmem:s6], [sflag:$0x2] =	stream.linear.gather [hbm4b:s0+s3], $0x400, $0x38;
	[tilespmem:$0x14400] =	vst v63  }
0x1e8: {  	s7 =	simm.s32 $0xE000;
	s0 =	sadd.s32 $0xF4280, s0  }
0x1e9: {  	[tilespmem:s7], [sflag:$0x2] =	stream.linear.gather [hbm4b:s0+s3], $0x400, $0x38;
	[tilespmem:$0x14400] =	vst v63  }
0x1ea: {  	s0 =	sand.u32 $0x1FFFFF80, s8  }
0x1eb: {  	s9 =	simm.s32 $0xA400;
	s0 =	sadd.s32 s1, s0  }
0x1ec: {  	[tilespmem:s9], [sflag:$0x2] =	stream.linear.gather [hbm4b:s0+s3], $0x400, $0x38;
	[tilespmem:$0x14400] =	vst v63  }
0x1ed: {  	s10 =	simm.s32 $0xE400;
	s0 =	sadd.s32 $0xF4280, s0;
	s12 =	spop (v2sf);
	(v2sf) =	vpush v32, $0xC  }
0x1ee: {  	[tilespmem:s10], [sflag:$0x2] =	stream.linear.gather [hbm4b:s0+s3], $0x400, $0x38;
	[tilespmem:$0x14400] =	vst v63  }
0x1ef: {  	s0 =	sand.u32 $0x1FFFFF80, s12  }
0x1f0: {  	s21 =	simm.s32 $0xA800;
	s7 =	spop (v2sf);
	(v2sf) =	vpush v32, $0xD;
	s0 =	sadd.s32 s1, s0  }
0x1f1: {  	[tilespmem:s21], [sflag:$0x2] =	stream.linear.gather [hbm4b:s0+s3], $0x400, $0x38;
	[tilespmem:$0x14400] =	vst v63  }
0x1f2: {  	s6 =	simm.s32 $0xE800;
	s0 =	sadd.s32 $0xF4280, s0  }
0x1f3: {  	[tilespmem:s6], [sflag:$0x2] =	stream.linear.gather [hbm4b:s0+s3], $0x400, $0x38;
	[tilespmem:$0x14400] =	vst v63  }
0x1f4: {  	s0 =	sand.u32 $0x1FFFFF80, s7;
	s10 =	spop (v2sf);
	(v2sf) =	vpush v32, $0xE  }
0x1f5: {  	s8 =	simm.s32 $0xAC00;
	s0 =	sadd.s32 s1, s0  }
0x1f6: {  	[tilespmem:s8], [sflag:$0x2] =	stream.linear.gather [hbm4b:s0+s3], $0x400, $0x38;
	[tilespmem:$0x14400] =	vst v63  }
0x1f7: {  	s9 =	simm.s32 $0xEC00;
	s0 =	sadd.s32 $0xF4280, s0  }
0x1f8: {  	[tilespmem:s9], [sflag:$0x2] =	stream.linear.gather [hbm4b:s0+s3], $0x400, $0x38;
	[tilespmem:$0x14400] =	vst v63  }
0x1f9: {  	s0 =	sand.u32 $0x1FFFFF80, s10  }
0x1fa: {  	s12 =	simm.s32 $0xB000;
	s0 =	sadd.s32 s1, s0  }
0x1fb: {  	[tilespmem:s12], [sflag:$0x2] =	stream.linear.gather [hbm4b:s0+s3], $0x400, $0x38;
	[tilespmem:$0x14400] =	vst v63  }
0x1fc: {  	s21 =	simm.s32 $0xF000;
	s0 =	sadd.s32 $0xF4280, s0;
	s6 =	spop (v2sf);
	(v2sf) =	vpush v32, $0xF  }
0x1fd: {  	[tilespmem:s21], [sflag:$0x2] =	stream.linear.gather [hbm4b:s0+s3], $0x400, $0x38;
	[tilespmem:$0x14400] =	vst v63  }
0x1fe: {  	s0 =	sand.u32 $0x1FFFFF80, s6  }
0x1ff: {  	s7 =	simm.s32 $0xB400;
	s8 =	spop (v2sf);
	s0 =	sadd.s32 s1, s0  }
0x200: {  	[tilespmem:s7], [sflag:$0x2] =	stream.linear.gather [hbm4b:s0+s3], $0x400, $0x38;
	[tilespmem:$0x14400] =	vst v63  }
0x201: {  	s6 =	simm.s32 $0xF400;
	s9 =	sand.u32 $0x1FFFFF80, s8;
	s0 =	sadd.s32 $0xF4280, s0  }
0x202: {  	[tilespmem:s6], [sflag:$0x2] =	stream.linear.gather [hbm4b:s0+s3], $0x400, $0x38;
	[tilespmem:$0x14400] =	vst v63  }
0x203: {  	s10 =	simm.s32 $0xB800;
	s0 =	sadd.s32 s1, s9;
	s12 =	spop (v2sf)  }
0x204: {  	[tilespmem:s10], [sflag:$0x2] =	stream.linear.gather [hbm4b:s0+s3], $0x400, $0x38;
	[tilespmem:$0x14400] =	vst v63  }
0x205: {  	s21 =	simm.s32 $0xF800;
	s7 =	sand.u32 $0x1FFFFF80, s12;
	s0 =	sadd.s32 $0xF4280, s0  }
0x206: {  	[tilespmem:s21], [sflag:$0x2] =	stream.linear.gather [hbm4b:s0+s3], $0x400, $0x38;
	[tilespmem:$0x14400] =	vst v63  }
0x207: {  	s8 =	simm.s32 $0xBC00;
	s0 =	sadd.s32 s1, s7  }
0x208: {  	[tilespmem:s8], [sflag:$0x2] =	stream.linear.gather [hbm4b:s0+s3], $0x400, $0x38;
	[tilespmem:$0x14400] =	vst v63  }
0x209: {  	s9 =	simm.s32 $0xFC00;
	s0 =	sadd.s32 $0xF4280, s0  }
0x20a: {  	[tilespmem:s9], [sflag:$0x2] =	stream.linear.gather [hbm4b:s0+s3], $0x400, $0x38;
	[tilespmem:$0x14400] =	vst v63  }
0x20b: {  	s10 =	spop (v2sf)  }
0x20c: {  	s0 =	sand.u32 $0x1FFFFF80, s10  }
0x20d: {  	s12 =	simm.s32 $0xC000;
	s0 =	sadd.s32 s1, s0  }
0x20e: {  	[tilespmem:s12], [sflag:$0x2] =	stream.linear.gather [hbm4b:s0+s3], $0x400, $0x38;
	[tilespmem:$0x14400] =	vst v63  }
0x20f: {  	s21 =	simm.s32 $0x10000;
	s0 =	sadd.s32 $0xF4280, s0  }
0x210: {  	[tilespmem:s21], [sflag:$0x2] =	stream.linear.gather [hbm4b:s0+s3], $0x400, $0x38;
	[tilespmem:$0x14400] =	vst v63  }
0x211: {  	_ =	swait.ge [sflag:s13], $0x800  }
0x212: {  	[sflag:s13] =	ssyncset.done $0x0  }
0x213: {  	[sflag:s13] =	ssyncadd.s32 $0xFFFFF800  }
0x214: {  	_ =	swait.ge [sflag:s13], $0x800  }
0x215: {  	[sflag:s13] =	ssyncset.done $0x0  }
0x216: {  	[sflag:s13] =	ssyncadd.s32 $0xFFFFF800  }
0x217: {  	_ =	swait.ge [sflag:s13], $0x800  }
0x218: {  	[sflag:s13] =	ssyncset.done $0x0  }
0x219: {  	[sflag:s13] =	ssyncadd.s32 $0xFFFFF800  }
0x21a: {  	_ =	swait.ge [sflag:s13], $0x800  }
0x21b: {  	[sflag:s13] =	ssyncset.done $0x0  }
0x21c: {  	[sflag:s13] =	ssyncadd.s32 $0xFFFFF800  }
0x21d: {  	_ =	swait.ge [sflag:s13], $0x800  }
0x21e: {  	[sflag:s13] =	ssyncset.done $0x0  }
0x21f: {  	[sflag:s13] =	ssyncadd.s32 $0xFFFFF800  }
0x220: {  	_ =	swait.ge [sflag:s13], $0x800  }
0x221: {  	[sflag:s13] =	ssyncset.done $0x0  }
0x222: {  	[sflag:s13] =	ssyncadd.s32 $0xFFFFF800  }
0x223: {  	_ =	swait.ge [sflag:s13], $0x800  }
0x224: {  	[sflag:s13] =	ssyncset.done $0x0  }
0x225: {  	[sflag:s13] =	ssyncadd.s32 $0xFFFFF800  }
0x226: {  	_ =	swait.ge [sflag:s13], $0x800  }
0x227: {  	[sflag:s13] =	ssyncset.done $0x0  }
0x228: {  	[sflag:s13] =	ssyncadd.s32 $0xFFFFF800  }
0x229: {  	_ =	swait.ge [sflag:s13], $0x800  }
0x22a: {  	[sflag:s13] =	ssyncset.done $0x0  }
0x22b: {  	[sflag:s13] =	ssyncadd.s32 $0xFFFFF800  }
0x22c: {  	_ =	swait.ge [sflag:s13], $0x800  }
0x22d: {  	[sflag:s13] =	ssyncset.done $0x0  }
0x22e: {  	[sflag:s13] =	ssyncadd.s32 $0xFFFFF800  }
0x22f: {  	_ =	swait.ge [sflag:s13], $0x800  }
0x230: {  	[sflag:s13] =	ssyncset.done $0x0  }
0x231: {  	[sflag:s13] =	ssyncadd.s32 $0xFFFFF800  }
0x232: {  	_ =	swait.ge [sflag:s13], $0x800  }
0x233: {  	[sflag:s13] =	ssyncset.done $0x0  }
0x234: {  	[sflag:s13] =	ssyncadd.s32 $0xFFFFF800  }
0x235: {  	_ =	swait.ge [sflag:s13], $0x800  }
0x236: {  	[sflag:s13] =	ssyncset.done $0x0  }
0x237: {  	[sflag:s13] =	ssyncadd.s32 $0xFFFFF800  }
0x238: {  	_ =	swait.ge [sflag:s13], $0x800  }
0x239: {  	[sflag:s13] =	ssyncset.done $0x0  }
0x23a: {  	[sflag:s13] =	ssyncadd.s32 $0xFFFFF800  }
0x23b: {  	_ =	swait.ge [sflag:s13], $0x800  }
0x23c: {  	[sflag:s13] =	ssyncset.done $0x0  }
0x23d: {  	[sflag:s13] =	ssyncadd.s32 $0xFFFFF800  }
0x23e: {  	_ =	swait.ge [sflag:s13], $0x800  }
0x23f: {  	[sflag:s13] =	ssyncset.done $0x0  }
0x240: {  	[sflag:s13] =	ssyncadd.s32 $0xFFFFF800  }
0x241: {  	_ =	swait.ge [sflag:s13], $0x800  }
0x242: {  	[sflag:s13] =	ssyncset.done $0x0  }
0x243: {  	[sflag:s13] =	ssyncadd.s32 $0xFFFFF800  }
0x244: {  	_ =	swait.ge [sflag:s13], $0x800  }
0x245: {  	[sflag:s13] =	ssyncset.done $0x0  }
0x246: {  	[sflag:s13] =	ssyncadd.s32 $0xFFFFF800  }
0x247: {  	v42 =	vld [tilespmem:s17+$0xFFFFFFE0]  }
0x248: {  	v43 =	vld [tilespmem:s18+$0xFFFFFFE0];
	_ =	sdelay $0x3  }
0x249: {  	v34 =	vand.u32 $0x7F, v42  }
0x24a: {  	v33 =	vand.u32 $0x7F, v43;
	v35 =	vor.u32 v0, v34  }
0x24b: {  	v32 =	vshll.u32 v42, $0x4;
	v36 =	vor.u32 v1, v33  }
0x24c: {  	v34 =	vand.u32 $0x70, v32  }
0x24d: {  	v37 =	vor.u32 v0, v34;
	_ =	sdelay $0x1  }
0x24e: {  	v32 =	vld.idx.msk [tilespmem:v35+s15+$0x0], $0xffff  }
0x24f: {  	v44 =	vld.idx.msk [tilespmem:v36+s11+$0x0], $0xffff;
	_ =	sdelay $0x1  }
0x250: {  	v45 =	vld.idx.msk [tilespmem:v37+s14+$0x0], $0xffff;
	_ =	sdelay $0x2  }
0x251: {  	v35 =	vsub.f32 v44, v32;
	_ =	sdelay $0x1  }
0x252: {  	v35 =	vmul.f32 v35, v45;
	_ =	sdelay $0x1  }
0x253: {  	v35 =	vmul.f32 $1.702000020e+00, v35;
	_ =	sdelay $0x1  }
0x254: {  	v35 =	vsub.f32 $0.0e+00, v35;
	_ =	sdelay $0x1  }
0x255: {  	v35 =	vmul.f32 $1.442695020e+00, v35;
	_ =	sdelay $0x1  }
0x256: {  	(erf) = vpow2.f32 v35;
	_ =	sdelay $0x8  }
0x257: {  	v35 =	vpop (erf)  }
0x258: {  	v35 =	vadd.f32 $1.000000000e+00, v35;
	_ =	sdelay $0x1  }
0x259: {  	(erf) = vrcp.f32 v35;
	_ =	sdelay $0x5  }
0x25a: {  	v46 =	vor.u32 v2, v33  }
0x25b: {  	s8 =	sand.u32 $0xC00, s22  }
0x25c: {  	s21 =	sadd.s32 $0x12400, s8;
	v47 =	vor.u32 v3, v34  }
0x25d: {  	s2 =	sor.u32 s30, s21;
	v48 =	vpop (erf)  }
0x25e: {  	[tilespmem:s2+$0x0] =	vst v48  }
0x25f: {  	v35 =	vld.idx.msk [tilespmem:v46+s11+$0x0], $0xffff;
	_ =	sdelay $0x1  }
0x260: {  	v36 =	vld.idx.msk [tilespmem:v47+s14+$0x0], $0xffff;
	_ =	sdelay $0x2  }
0x261: {  	v35 =	vsub.f32 v35, v32;
	_ =	sdelay $0x1  }
0x262: {  	v35 =	vmul.f32 v35, v36;
	_ =	sdelay $0x1  }
0x263: {  	v35 =	vmul.f32 $1.702000020e+00, v35;
	_ =	sdelay $0x1  }
0x264: {  	v35 =	vsub.f32 $0.0e+00, v35;
	_ =	sdelay $0x1  }
0x265: {  	v35 =	vmul.f32 $1.442695020e+00, v35;
	_ =	sdelay $0x1  }
0x266: {  	(erf) = vpow2.f32 v35;
	_ =	sdelay $0x8  }
0x267: {  	v35 =	vpop (erf)  }
0x268: {  	v35 =	vadd.f32 $1.000000000e+00, v35;
	_ =	sdelay $0x1  }
0x269: {  	(erf) = vrcp.f32 v35;
	_ =	sdelay $0x5  }
0x26a: {  	v49 =	vor.u32 v4, v33;
	_ =	sdelay $0x1  }
0x26b: {  	v50 =	vor.u32 v5, v34  }
0x26c: {  	v51 =	vpop (erf)  }
0x26d: {  	[tilespmem:s2+$0x80] =	vst v51  }
0x26e: {  	v35 =	vld.idx.msk [tilespmem:v49+s11+$0x0], $0xffff;
	_ =	sdelay $0x1  }
0x26f: {  	v36 =	vld.idx.msk [tilespmem:v50+s14+$0x0], $0xffff;
	_ =	sdelay $0x2  }
0x270: {  	v35 =	vsub.f32 v35, v32;
	_ =	sdelay $0x1  }
0x271: {  	v35 =	vmul.f32 v35, v36;
	_ =	sdelay $0x1  }
0x272: {  	v35 =	vmul.f32 $1.702000020e+00, v35;
	_ =	sdelay $0x1  }
0x273: {  	v35 =	vsub.f32 $0.0e+00, v35;
	_ =	sdelay $0x1  }
0x274: {  	v35 =	vmul.f32 $1.442695020e+00, v35;
	_ =	sdelay $0x1  }
0x275: {  	(erf) = vpow2.f32 v35;
	_ =	sdelay $0x8  }
0x276: {  	v35 =	vpop (erf)  }
0x277: {  	v35 =	vadd.f32 $1.000000000e+00, v35;
	_ =	sdelay $0x1  }
0x278: {  	(erf) = vrcp.f32 v35;
	_ =	sdelay $0x5  }
0x279: {  	v52 =	vor.u32 v6, v33;
	_ =	sdelay $0x1  }
0x27a: {  	v53 =	vor.u32 v7, v34  }
0x27b: {  	v54 =	vpop (erf)  }
0x27c: {  	[tilespmem:s2+$0x100] =	vst v54  }
0x27d: {  	v35 =	vld.idx.msk [tilespmem:v52+s11+$0x0], $0xffff;
	_ =	sdelay $0x1  }
0x27e: {  	v36 =	vld.idx.msk [tilespmem:v53+s14+$0x0], $0xffff;
	_ =	sdelay $0x2  }
0x27f: {  	v35 =	vsub.f32 v35, v32;
	_ =	sdelay $0x1  }
0x280: {  	v35 =	vmul.f32 v35, v36;
	_ =	sdelay $0x1  }
0x281: {  	v35 =	vmul.f32 $1.702000020e+00, v35;
	_ =	sdelay $0x1  }
0x282: {  	v35 =	vsub.f32 $0.0e+00, v35;
	_ =	sdelay $0x1  }
0x283: {  	v35 =	vmul.f32 $1.442695020e+00, v35;
	_ =	sdelay $0x1  }
0x284: {  	(erf) = vpow2.f32 v35;
	_ =	sdelay $0x8  }
0x285: {  	v35 =	vpop (erf)  }
0x286: {  	v35 =	vadd.f32 $1.000000000e+00, v35;
	_ =	sdelay $0x1  }
0x287: {  	(erf) = vrcp.f32 v35;
	_ =	sdelay $0x5  }
0x288: {  	v55 =	vor.u32 v8, v33;
	_ =	sdelay $0x1  }
0x289: {  	v56 =	vor.u32 v9, v34  }
0x28a: {  	v57 =	vpop (erf)  }
0x28b: {  	[tilespmem:s2+$0x180] =	vst v57  }
0x28c: {  	v35 =	vld.idx.msk [tilespmem:v55+s11+$0x0], $0xffff;
	_ =	sdelay $0x1  }
0x28d: {  	v36 =	vld.idx.msk [tilespmem:v56+s14+$0x0], $0xffff;
	_ =	sdelay $0x2  }
0x28e: {  	v35 =	vsub.f32 v35, v32;
	_ =	sdelay $0x1  }
0x28f: {  	v35 =	vmul.f32 v35, v36;
	_ =	sdelay $0x1  }
0x290: {  	v35 =	vmul.f32 $1.702000020e+00, v35;
	_ =	sdelay $0x1  }
0x291: {  	v35 =	vsub.f32 $0.0e+00, v35;
	_ =	sdelay $0x1  }
0x292: {  	v35 =	vmul.f32 $1.442695020e+00, v35;
	_ =	sdelay $0x1  }
0x293: {  	(erf) = vpow2.f32 v35;
	_ =	sdelay $0x8  }
0x294: {  	v35 =	vpop (erf)  }
0x295: {  	v35 =	vadd.f32 $1.000000000e+00, v35;
	_ =	sdelay $0x1  }
0x296: {  	(erf) = vrcp.f32 v35;
	_ =	sdelay $0x5  }
0x297: {  	v58 =	vor.u32 v10, v33;
	_ =	sdelay $0x1  }
0x298: {  	v59 =	vor.u32 v11, v34  }
0x299: {  	v60 =	vpop (erf)  }
0x29a: {  	[tilespmem:s2+$0x200] =	vst v60  }
0x29b: {  	v35 =	vld.idx.msk [tilespmem:v58+s11+$0x0], $0xffff;
	_ =	sdelay $0x1  }
0x29c: {  	v36 =	vld.idx.msk [tilespmem:v59+s14+$0x0], $0xffff;
	_ =	sdelay $0x2  }
0x29d: {  	v35 =	vsub.f32 v35, v32;
	_ =	sdelay $0x1  }
0x29e: {  	v35 =	vmul.f32 v35, v36;
	_ =	sdelay $0x1  }
0x29f: {  	v35 =	vmul.f32 $1.702000020e+00, v35;
	_ =	sdelay $0x1  }
0x2a0: {  	v35 =	vsub.f32 $0.0e+00, v35;
	_ =	sdelay $0x1  }
0x2a1: {  	v35 =	vmul.f32 $1.442695020e+00, v35;
	_ =	sdelay $0x1  }
0x2a2: {  	(erf) = vpow2.f32 v35;
	_ =	sdelay $0x8  }
0x2a3: {  	v35 =	vpop (erf)  }
0x2a4: {  	v35 =	vadd.f32 $1.000000000e+00, v35;
	_ =	sdelay $0x1  }
0x2a5: {  	(erf) = vrcp.f32 v35;
	_ =	sdelay $0x5  }
0x2a6: {  	v61 =	vor.u32 v12, v33;
	_ =	sdelay $0x1  }
0x2a7: {  	v62 =	vor.u32 v13, v34  }
0x2a8: {  	v63 =	vpop (erf)  }
0x2a9: {  	[tilespmem:s2+$0x280] =	vst v63  }
0x2aa: {  	v35 =	vld.idx.msk [tilespmem:v61+s11+$0x0], $0xffff;
	_ =	sdelay $0x1  }
0x2ab: {  	v36 =	vld.idx.msk [tilespmem:v62+s14+$0x0], $0xffff;
	_ =	sdelay $0x2  }
0x2ac: {  	v35 =	vsub.f32 v35, v32;
	_ =	sdelay $0x1  }
0x2ad: {  	v35 =	vmul.f32 v35, v36;
	_ =	sdelay $0x1  }
0x2ae: {  	v35 =	vmul.f32 $1.702000020e+00, v35;
	_ =	sdelay $0x1  }
0x2af: {  	v35 =	vsub.f32 $0.0e+00, v35;
	_ =	sdelay $0x1  }
0x2b0: {  	v35 =	vmul.f32 $1.442695020e+00, v35;
	_ =	sdelay $0x1  }
0x2b1: {  	(erf) = vpow2.f32 v35;
	_ =	sdelay $0x8  }
0x2b2: {  	v35 =	vpop (erf)  }
0x2b3: {  	v35 =	vadd.f32 $1.000000000e+00, v35;
	_ =	sdelay $0x1  }
0x2b4: {  	(erf) = vrcp.f32 v35;
	_ =	sdelay $0x5  }
0x2b5: {  	s6 =	sshll.u32 s20, $0x5;
	v40 =	vor.u32 v14, v33  }
0x2b6: {  	s0 =	sand.u32 $0x60, s6  }
0x2b7: {  	v41 =	vor.u32 v15, v34;
	s2 =	sadd.s32 s0, s22  }
0x2b8: {  	s0 =	sor.u32 $0x300, s2;
	v42 =	vpop (erf)  }
0x2b9: {  	[tilespmem:s0+$0x12400] =	vst v42  }
0x2ba: {  	v35 =	vld.idx.msk [tilespmem:v40+s11+$0x0], $0xffff;
	_ =	sdelay $0x1  }
0x2bb: {  	v36 =	vld.idx.msk [tilespmem:v41+s14+$0x0], $0xffff;
	_ =	sdelay $0x2  }
0x2bc: {  	v35 =	vsub.f32 v35, v32;
	_ =	sdelay $0x1  }
0x2bd: {  	v35 =	vmul.f32 v35, v36;
	_ =	sdelay $0x1  }
0x2be: {  	v35 =	vmul.f32 $1.702000020e+00, v35;
	_ =	sdelay $0x1  }
0x2bf: {  	v35 =	vsub.f32 $0.0e+00, v35;
	_ =	sdelay $0x1  }
0x2c0: {  	v35 =	vmul.f32 $1.442695020e+00, v35;
	_ =	sdelay $0x1  }
0x2c1: {  	(erf) = vpow2.f32 v35;
	_ =	sdelay $0x8  }
0x2c2: {  	v35 =	vpop (erf)  }
0x2c3: {  	v35 =	vadd.f32 $1.000000000e+00, v35;
	_ =	sdelay $0x1  }
0x2c4: {  	(erf) = vrcp.f32 v35;
	_ =	sdelay $0x5  }
0x2c5: {  	v43 =	vor.u32 v16, v33;
	_ =	sdelay $0x1  }
0x2c6: {  	s7 =	sor.u32 s22, s19;
	v44 =	vor.u32 v17, v34  }
0x2c7: {  	s0 =	sor.u32 $0x380, s7;
	v45 =	vpop (erf)  }
0x2c8: {  	[tilespmem:s0+$0x12400] =	vst v45  }
0x2c9: {  	v35 =	vld.idx.msk [tilespmem:v43+s11+$0x0], $0xffff;
	_ =	sdelay $0x1  }
0x2ca: {  	v36 =	vld.idx.msk [tilespmem:v44+s14+$0x0], $0xffff;
	_ =	sdelay $0x2  }
0x2cb: {  	v35 =	vsub.f32 v35, v32;
	_ =	sdelay $0x1  }
0x2cc: {  	v35 =	vmul.f32 v35, v36;
	_ =	sdelay $0x1  }
0x2cd: {  	v35 =	vmul.f32 $1.702000020e+00, v35;
	_ =	sdelay $0x1  }
0x2ce: {  	v35 =	vsub.f32 $0.0e+00, v35;
	_ =	sdelay $0x1  }
0x2cf: {  	v35 =	vmul.f32 $1.442695020e+00, v35;
	_ =	sdelay $0x1  }
0x2d0: {  	(erf) = vpow2.f32 v35;
	_ =	sdelay $0x8  }
0x2d1: {  	v35 =	vpop (erf)  }
0x2d2: {  	v35 =	vadd.f32 $1.000000000e+00, v35;
	_ =	sdelay $0x1  }
0x2d3: {  	(erf) = vrcp.f32 v35;
	_ =	sdelay $0x5  }
0x2d4: {  	v46 =	vor.u32 v18, v33;
	_ =	sdelay $0x1  }
0x2d5: {  	s29 =	sadd.s32 $0x13400, s8;
	v47 =	vor.u32 v19, v34  }
0x2d6: {  	s9 =	sor.u32 s30, s29;
	v48 =	vpop (erf)  }
0x2d7: {  	[tilespmem:s9+$0x0] =	vst v48  }
0x2d8: {  	v35 =	vld.idx.msk [tilespmem:v46+s11+$0x0], $0xffff;
	_ =	sdelay $0x1  }
0x2d9: {  	v36 =	vld.idx.msk [tilespmem:v47+s14+$0x0], $0xffff;
	_ =	sdelay $0x2  }
0x2da: {  	v35 =	vsub.f32 v35, v32;
	_ =	sdelay $0x1  }
0x2db: {  	v35 =	vmul.f32 v35, v36;
	_ =	sdelay $0x1  }
0x2dc: {  	v35 =	vmul.f32 $1.702000020e+00, v35;
	_ =	sdelay $0x1  }
0x2dd: {  	v35 =	vsub.f32 $0.0e+00, v35;
	_ =	sdelay $0x1  }
0x2de: {  	v35 =	vmul.f32 $1.442695020e+00, v35;
	_ =	sdelay $0x1  }
0x2df: {  	(erf) = vpow2.f32 v35;
	_ =	sdelay $0x8  }
0x2e0: {  	v35 =	vpop (erf)  }
0x2e1: {  	v35 =	vadd.f32 $1.000000000e+00, v35;
	_ =	sdelay $0x1  }
0x2e2: {  	(erf) = vrcp.f32 v35;
	_ =	sdelay $0x5  }
0x2e3: {  	v49 =	vor.u32 v20, v33;
	_ =	sdelay $0x1  }
0x2e4: {  	s31 =	sadd.s32 $0x13480, s8;
	v50 =	vor.u32 v21, v34  }
0x2e5: {  	s10 =	sor.u32 s30, s31;
	v51 =	vpop (erf)  }
0x2e6: {  	[tilespmem:s10+$0x0] =	vst v51  }
0x2e7: {  	v35 =	vld.idx.msk [tilespmem:v49+s11+$0x0], $0xffff;
	_ =	sdelay $0x1  }
0x2e8: {  	v36 =	vld.idx.msk [tilespmem:v50+s14+$0x0], $0xffff;
	_ =	sdelay $0x2  }
0x2e9: {  	v35 =	vsub.f32 v35, v32;
	_ =	sdelay $0x1  }
0x2ea: {  	v35 =	vmul.f32 v35, v36;
	_ =	sdelay $0x1  }
0x2eb: {  	v35 =	vmul.f32 $1.702000020e+00, v35;
	_ =	sdelay $0x1  }
0x2ec: {  	v35 =	vsub.f32 $0.0e+00, v35;
	_ =	sdelay $0x1  }
0x2ed: {  	v35 =	vmul.f32 $1.442695020e+00, v35;
	_ =	sdelay $0x1  }
0x2ee: {  	(erf) = vpow2.f32 v35;
	_ =	sdelay $0x8  }
0x2ef: {  	v35 =	vpop (erf)  }
0x2f0: {  	v35 =	vadd.f32 $1.000000000e+00, v35;
	_ =	sdelay $0x1  }
0x2f1: {  	(erf) = vrcp.f32 v35;
	_ =	sdelay $0x5  }
0x2f2: {  	v52 =	vor.u32 v22, v33;
	_ =	sdelay $0x1  }
0x2f3: {  	v53 =	vor.u32 v23, v34;
	s0 =	sadd.s32 $0x13500, s8  }
0x2f4: {  	s12 =	sor.u32 s30, s0;
	v54 =	vpop (erf)  }
0x2f5: {  	[tilespmem:s12+$0x0] =	vst v54  }
0x2f6: {  	v35 =	vld.idx.msk [tilespmem:v52+s11+$0x0], $0xffff;
	_ =	sdelay $0x1  }
0x2f7: {  	v36 =	vld.idx.msk [tilespmem:v53+s14+$0x0], $0xffff;
	_ =	sdelay $0x2  }
0x2f8: {  	v35 =	vsub.f32 v35, v32;
	_ =	sdelay $0x1  }
0x2f9: {  	v35 =	vmul.f32 v35, v36;
	_ =	sdelay $0x1  }
0x2fa: {  	v35 =	vmul.f32 $1.702000020e+00, v35;
	_ =	sdelay $0x1  }
0x2fb: {  	v35 =	vsub.f32 $0.0e+00, v35;
	_ =	sdelay $0x1  }
0x2fc: {  	v35 =	vmul.f32 $1.442695020e+00, v35;
	_ =	sdelay $0x1  }
0x2fd: {  	(erf) = vpow2.f32 v35;
	_ =	sdelay $0x8  }
0x2fe: {  	v35 =	vpop (erf)  }
0x2ff: {  	v35 =	vadd.f32 $1.000000000e+00, v35;
	_ =	sdelay $0x1  }
0x300: {  	(erf) = vrcp.f32 v35;
	_ =	sdelay $0x5  }
0x301: {  	v55 =	vor.u32 v24, v33;
	_ =	sdelay $0x1  }
0x302: {  	v56 =	vor.u32 v25, v34;
	s12 =	sadd.s32 $0x13580, s8  }
0x303: {  	s7 =	sor.u32 s30, s12;
	v57 =	vpop (erf)  }
0x304: {  	[tilespmem:s7+$0x0] =	vst v57  }
0x305: {  	v35 =	vld.idx.msk [tilespmem:v55+s11+$0x0], $0xffff;
	_ =	sdelay $0x1  }
0x306: {  	v36 =	vld.idx.msk [tilespmem:v56+s14+$0x0], $0xffff;
	_ =	sdelay $0x2  }
0x307: {  	v35 =	vsub.f32 v35, v32;
	_ =	sdelay $0x1  }
0x308: {  	v35 =	vmul.f32 v35, v36;
	_ =	sdelay $0x1  }
0x309: {  	v35 =	vmul.f32 $1.702000020e+00, v35;
	_ =	sdelay $0x1  }
0x30a: {  	v35 =	vsub.f32 $0.0e+00, v35;
	_ =	sdelay $0x1  }
0x30b: {  	v35 =	vmul.f32 $1.442695020e+00, v35;
	_ =	sdelay $0x1  }
0x30c: {  	(erf) = vpow2.f32 v35;
	_ =	sdelay $0x8  }
0x30d: {  	v35 =	vpop (erf)  }
0x30e: {  	v35 =	vadd.f32 $1.000000000e+00, v35;
	_ =	sdelay $0x1  }
0x30f: {  	(erf) = vrcp.f32 v35;
	_ =	sdelay $0x5  }
0x310: {  	v58 =	vor.u32 v26, v33;
	_ =	sdelay $0x1  }
0x311: {  	v59 =	vor.u32 v27, v34;
	s10 =	sadd.s32 $0x13600, s8  }
0x312: {  	s9 =	sor.u32 s30, s10;
	v60 =	vpop (erf)  }
0x313: {  	[tilespmem:s9+$0x0] =	vst v60  }
0x314: {  	v35 =	vld.idx.msk [tilespmem:v58+s11+$0x0], $0xffff;
	_ =	sdelay $0x1  }
0x315: {  	v36 =	vld.idx.msk [tilespmem:v59+s14+$0x0], $0xffff;
	_ =	sdelay $0x2  }
0x316: {  	v35 =	vsub.f32 v35, v32;
	_ =	sdelay $0x1  }
0x317: {  	v35 =	vmul.f32 v35, v36;
	_ =	sdelay $0x1  }
0x318: {  	v35 =	vmul.f32 $1.702000020e+00, v35;
	_ =	sdelay $0x1  }
0x319: {  	v35 =	vsub.f32 $0.0e+00, v35;
	_ =	sdelay $0x1  }
0x31a: {  	v35 =	vmul.f32 $1.442695020e+00, v35;
	_ =	sdelay $0x1  }
0x31b: {  	(erf) = vpow2.f32 v35;
	_ =	sdelay $0x8  }
0x31c: {  	v35 =	vpop (erf)  }
0x31d: {  	v35 =	vadd.f32 $1.000000000e+00, v35;
	_ =	sdelay $0x1  }
0x31e: {  	(erf) = vrcp.f32 v35;
	_ =	sdelay $0x5  }
0x31f: {  	v61 =	vor.u32 v28, v33;
	_ =	sdelay $0x1  }
0x320: {  	s6 =	sadd.s32 $0x13680, s8;
	v62 =	vor.u32 v29, v34  }
0x321: {  	s7 =	sor.u32 s30, s6;
	v63 =	vpop (erf)  }
0x322: {  	[tilespmem:s7+$0x0] =	vst v63  }
0x323: {  	v35 =	vld.idx.msk [tilespmem:v61+s11+$0x0], $0xffff;
	_ =	sdelay $0x1  }
0x324: {  	v36 =	vld.idx.msk [tilespmem:v62+s14+$0x0], $0xffff;
	_ =	sdelay $0x2  }
0x325: {  	v35 =	vsub.f32 v35, v32;
	_ =	sdelay $0x1  }
0x326: {  	v35 =	vmul.f32 v35, v36;
	_ =	sdelay $0x1  }
0x327: {  	v35 =	vmul.f32 $1.702000020e+00, v35;
	_ =	sdelay $0x1  }
0x328: {  	v35 =	vsub.f32 $0.0e+00, v35;
	_ =	sdelay $0x1  }
0x329: {  	v35 =	vmul.f32 $1.442695020e+00, v35;
	_ =	sdelay $0x1  }
0x32a: {  	(erf) = vpow2.f32 v35;
	_ =	sdelay $0x8  }
0x32b: {  	v35 =	vpop (erf)  }
0x32c: {  	v35 =	vadd.f32 $1.000000000e+00, v35;
	_ =	sdelay $0x1  }
0x32d: {  	(erf) = vrcp.f32 v35;
	_ =	sdelay $0x5  }
0x32e: {  	v33 =	vor.u32 v30, v33;
	_ =	sdelay $0x1  }
0x32f: {  	v34 =	vor.u32 v31, v34;
	s7 =	sadd.s32 $0x13700, s8  }
0x330: {  	s9 =	sor.u32 s30, s7;
	v35 =	vpop (erf)  }
0x331: {  	[tilespmem:s9+$0x0] =	vst v35  }
0x332: {  	v33 =	vld.idx.msk [tilespmem:v33+s11+$0x0], $0xffff;
	_ =	sdelay $0x1  }
0x333: {  	v34 =	vld.idx.msk [tilespmem:v34+s14+$0x0], $0xffff;
	_ =	sdelay $0x2  }
0x334: {  	v32 =	vsub.f32 v33, v32;
	_ =	sdelay $0x1  }
0x335: {  	v32 =	vmul.f32 v32, v34;
	_ =	sdelay $0x1  }
0x336: {  	v32 =	vmul.f32 $1.702000020e+00, v32;
	_ =	sdelay $0x1  }
0x337: {  	v32 =	vsub.f32 $0.0e+00, v32;
	_ =	sdelay $0x1  }
0x338: {  	v32 =	vmul.f32 $1.442695020e+00, v32;
	_ =	sdelay $0x1  }
0x339: {  	(erf) = vpow2.f32 v32;
	_ =	sdelay $0x8  }
0x33a: {  	v32 =	vpop (erf)  }
0x33b: {  	v32 =	vadd.f32 $1.000000000e+00, v32;
	_ =	sdelay $0x1  }
0x33c: {  	(erf) = vrcp.f32 v32;
	_ =	sdelay $0x4  }
0x33d: {  	p0 =	seq.s32 s22, $0xF00  }
.Ltmp4:
0x33e: {  	_ = 	snop;
	(pc) =	sbr.rel @p0 .LBB2_4-.Ltmp4, $4  }
0x33f: {  	_ = 	snop  }
0x340: {  	s8 =	sadd.s32 $0x13780, s8  }
0x341: {  	s30 =	sor.u32 s30, s8;
	v32 =	vpop (erf)  }
0x342: {  	[tilespmem:s30+$0x0] =	vst v32  }
0x343: {  	v32 =	vld [tilespmem:s17+$0x0];
	_ =	sdelay $0x4  }
0x344: {  	v33 =	vshra.s32 v32, $0x3;
	_ =	sdelay $0x1  }
0x345: {  	v32 =	vshra.s32 v32, $0x7;
	_ =	sdelay $0x2  }
0x346: {  	[tilespmem:s14], [sflag:$0x1] =	stream.indirect_vreg.gather [hbm4b:s4+s3], $0x80, v33, vm0, $0xb8;
	[tilespmem:$0x14400] =	vst v63  }
0x347: {  	_ = 	snop  }
0x348: {  	[tilespmem:s15], [sflag:$0x1] =	stream.indirect_vreg.gather [hbm4b:s5+s3], $0x80, v32, vm0, $0xb8;
	[tilespmem:$0x14400] =	vst v63  }
0x349: {  	v32 =	vld [tilespmem:s18+$0x0];
	_ =	sdelay $0x4  }
0x34a: {  	v32 =	vshrl.u32 v32, $0x7  }
0x34b: {  	v32 =	vshll.u32 v32, $0x7  }
0x34c: {  	(v2sf) =	vpush v32, $0x0;
	_ =	sdelay $0x5  }
0x34d: {  	(v2sf) =	vpush v32, $0x1;
	_ =	sdelay $0x5  }
0x34e: {  	(v2sf) =	vpush v32, $0x2;
	_ =	sdelay $0x2  }
0x34f: {  	s9 =	spop (v2sf)  }
0x350: {  	s9 =	sand.u32 $0x1FFFFF80, s9  }
0x351: {  	s9 =	sadd.s32 s1, s9  }
0x352: {  	(v2sf) =	vpush v32, $0x3;
	[tilespmem:s11], [sflag:$0x1] =	stream.linear.gather [hbm4b:s9+s3], $0x400, $0x38;
	[tilespmem:$0x14400] =	vst v63  }
0x353: {  	s30 =	simm.s32 $0x4400;
	s9 =	sadd.s32 $0xF4280, s9  }
0x354: {  	[tilespmem:s30], [sflag:$0x1] =	stream.linear.gather [hbm4b:s9+s3], $0x400, $0x38;
	[tilespmem:$0x14400] =	vst v63  }
0x355: {  	s30 =	spop (v2sf)  }
0x356: {  	s9 =	sand.u32 $0x1FFFFF80, s30  }
0x357: {  	s30 =	simm.s32 $0x800;
	s9 =	sadd.s32 s1, s9  }
0x358: {  	(v2sf) =	vpush v32, $0x4;
	[tilespmem:s30], [sflag:$0x1] =	stream.linear.gather [hbm4b:s9+s3], $0x400, $0x38;
	[tilespmem:$0x14400] =	vst v63  }
0x359: {  	s9 =	sadd.s32 $0xF4280, s9;
	s30 =	simm.s32 $0x4800  }
0x35a: {  	[tilespmem:s30], [sflag:$0x1] =	stream.linear.gather [hbm4b:s9+s3], $0x400, $0x38;
	[tilespmem:$0x14400] =	vst v63  }
0x35b: {  	s30 =	spop (v2sf)  }
0x35c: {  	s9 =	sand.u32 $0x1FFFFF80, s30  }
0x35d: {  	s30 =	simm.s32 $0xC00;
	s9 =	sadd.s32 s1, s9  }
0x35e: {  	(v2sf) =	vpush v32, $0x5;
	[tilespmem:s30], [sflag:$0x1] =	stream.linear.gather [hbm4b:s9+s3], $0x400, $0x38;
	[tilespmem:$0x14400] =	vst v63  }
0x35f: {  	s9 =	sadd.s32 $0xF4280, s9;
	s30 =	simm.s32 $0x4C00  }
0x360: {  	[tilespmem:s30], [sflag:$0x1] =	stream.linear.gather [hbm4b:s9+s3], $0x400, $0x38;
	[tilespmem:$0x14400] =	vst v63  }
0x361: {  	s30 =	spop (v2sf)  }
0x362: {  	s9 =	sand.u32 $0x1FFFFF80, s30  }
0x363: {  	s30 =	simm.s32 $0x1000;
	s9 =	sadd.s32 s1, s9  }
0x364: {  	(v2sf) =	vpush v32, $0x6;
	[tilespmem:s30], [sflag:$0x1] =	stream.linear.gather [hbm4b:s9+s3], $0x400, $0x38;
	[tilespmem:$0x14400] =	vst v63  }
0x365: {  	s9 =	sadd.s32 $0xF4280, s9;
	s30 =	simm.s32 $0x5000  }
0x366: {  	[tilespmem:s30], [sflag:$0x1] =	stream.linear.gather [hbm4b:s9+s3], $0x400, $0x38;
	[tilespmem:$0x14400] =	vst v63  }
0x367: {  	s30 =	spop (v2sf)  }
0x368: {  	s9 =	sand.u32 $0x1FFFFF80, s30  }
0x369: {  	s30 =	simm.s32 $0x1400;
	s9 =	sadd.s32 s1, s9  }
0x36a: {  	(v2sf) =	vpush v32, $0x7;
	[tilespmem:s30], [sflag:$0x1] =	stream.linear.gather [hbm4b:s9+s3], $0x400, $0x38;
	[tilespmem:$0x14400] =	vst v63  }
0x36b: {  	s9 =	sadd.s32 $0xF4280, s9;
	s30 =	simm.s32 $0x5400  }
0x36c: {  	[tilespmem:s30], [sflag:$0x1] =	stream.linear.gather [hbm4b:s9+s3], $0x400, $0x38;
	[tilespmem:$0x14400] =	vst v63  }
0x36d: {  	s30 =	spop (v2sf)  }
0x36e: {  	s9 =	sand.u32 $0x1FFFFF80, s30  }
0x36f: {  	s30 =	simm.s32 $0x1800;
	s9 =	sadd.s32 s1, s9  }
0x370: {  	(v2sf) =	vpush v32, $0x8;
	[tilespmem:s30], [sflag:$0x1] =	stream.linear.gather [hbm4b:s9+s3], $0x400, $0x38;
	[tilespmem:$0x14400] =	vst v63  }
0x371: {  	s9 =	sadd.s32 $0xF4280, s9;
	s30 =	simm.s32 $0x5800  }
0x372: {  	[tilespmem:s30], [sflag:$0x1] =	stream.linear.gather [hbm4b:s9+s3], $0x400, $0x38;
	[tilespmem:$0x14400] =	vst v63  }
0x373: {  	s30 =	spop (v2sf)  }
0x374: {  	s9 =	sand.u32 $0x1FFFFF80, s30  }
0x375: {  	s30 =	simm.s32 $0x1C00;
	s9 =	sadd.s32 s1, s9  }
0x376: {  	(v2sf) =	vpush v32, $0x9;
	[tilespmem:s30], [sflag:$0x1] =	stream.linear.gather [hbm4b:s9+s3], $0x400, $0x38;
	[tilespmem:$0x14400] =	vst v63  }
0x377: {  	s9 =	sadd.s32 $0xF4280, s9;
	s30 =	simm.s32 $0x5C00  }
0x378: {  	[tilespmem:s30], [sflag:$0x1] =	stream.linear.gather [hbm4b:s9+s3], $0x400, $0x38;
	[tilespmem:$0x14400] =	vst v63  }
0x379: {  	s30 =	spop (v2sf)  }
0x37a: {  	s9 =	sand.u32 $0x1FFFFF80, s30  }
0x37b: {  	s30 =	simm.s32 $0x2000;
	s9 =	sadd.s32 s1, s9  }
0x37c: {  	(v2sf) =	vpush v32, $0xA;
	[tilespmem:s30], [sflag:$0x1] =	stream.linear.gather [hbm4b:s9+s3], $0x400, $0x38;
	[tilespmem:$0x14400] =	vst v63  }
0x37d: {  	s9 =	sadd.s32 $0xF4280, s9;
	s30 =	simm.s32 $0x6000  }
0x37e: {  	[tilespmem:s30], [sflag:$0x1] =	stream.linear.gather [hbm4b:s9+s3], $0x400, $0x38;
	[tilespmem:$0x14400] =	vst v63  }
0x37f: {  	s30 =	spop (v2sf)  }
0x380: {  	s9 =	sand.u32 $0x1FFFFF80, s30  }
0x381: {  	s30 =	simm.s32 $0x2400;
	s9 =	sadd.s32 s1, s9  }
0x382: {  	(v2sf) =	vpush v32, $0xB;
	[tilespmem:s30], [sflag:$0x1] =	stream.linear.gather [hbm4b:s9+s3], $0x400, $0x38;
	[tilespmem:$0x14400] =	vst v63  }
0x383: {  	s9 =	sadd.s32 $0xF4280, s9;
	s30 =	simm.s32 $0x6400  }
0x384: {  	[tilespmem:s30], [sflag:$0x1] =	stream.linear.gather [hbm4b:s9+s3], $0x400, $0x38;
	[tilespmem:$0x14400] =	vst v63  }
0x385: {  	s30 =	spop (v2sf)  }
0x386: {  	s9 =	sand.u32 $0x1FFFFF80, s30  }
0x387: {  	s30 =	simm.s32 $0x2800;
	s9 =	sadd.s32 s1, s9  }
0x388: {  	(v2sf) =	vpush v32, $0xC;
	[tilespmem:s30], [sflag:$0x1] =	stream.linear.gather [hbm4b:s9+s3], $0x400, $0x38;
	[tilespmem:$0x14400] =	vst v63  }
0x389: {  	s9 =	sadd.s32 $0xF4280, s9;
	s30 =	simm.s32 $0x6800  }
0x38a: {  	[tilespmem:s30], [sflag:$0x1] =	stream.linear.gather [hbm4b:s9+s3], $0x400, $0x38;
	[tilespmem:$0x14400] =	vst v63  }
0x38b: {  	s30 =	spop (v2sf)  }
0x38c: {  	s9 =	sand.u32 $0x1FFFFF80, s30  }
0x38d: {  	s30 =	simm.s32 $0x2C00;
	s9 =	sadd.s32 s1, s9  }
0x38e: {  	(v2sf) =	vpush v32, $0xD;
	[tilespmem:s30], [sflag:$0x1] =	stream.linear.gather [hbm4b:s9+s3], $0x400, $0x38;
	[tilespmem:$0x14400] =	vst v63  }
0x38f: {  	s9 =	sadd.s32 $0xF4280, s9;
	s30 =	simm.s32 $0x6C00  }
0x390: {  	[tilespmem:s30], [sflag:$0x1] =	stream.linear.gather [hbm4b:s9+s3], $0x400, $0x38;
	[tilespmem:$0x14400] =	vst v63  }
0x391: {  	s30 =	spop (v2sf)  }
0x392: {  	s9 =	sand.u32 $0x1FFFFF80, s30  }
0x393: {  	s30 =	simm.s32 $0x3000;
	s9 =	sadd.s32 s1, s9  }
0x394: {  	(v2sf) =	vpush v32, $0xE;
	[tilespmem:s30], [sflag:$0x1] =	stream.linear.gather [hbm4b:s9+s3], $0x400, $0x38;
	[tilespmem:$0x14400] =	vst v63  }
0x395: {  	s9 =	sadd.s32 $0xF4280, s9;
	s30 =	simm.s32 $0x7000  }
0x396: {  	[tilespmem:s30], [sflag:$0x1] =	stream.linear.gather [hbm4b:s9+s3], $0x400, $0x38;
	[tilespmem:$0x14400] =	vst v63  }
0x397: {  	s30 =	spop (v2sf)  }
0x398: {  	s9 =	sand.u32 $0x1FFFFF80, s30  }
0x399: {  	s30 =	simm.s32 $0x3400;
	s9 =	sadd.s32 s1, s9  }
0x39a: {  	(v2sf) =	vpush v32, $0xF;
	[tilespmem:s30], [sflag:$0x1] =	stream.linear.gather [hbm4b:s9+s3], $0x400, $0x38;
	[tilespmem:$0x14400] =	vst v63  }
0x39b: {  	s9 =	sadd.s32 $0xF4280, s9;
	s30 =	simm.s32 $0x7400  }
0x39c: {  	[tilespmem:s30], [sflag:$0x1] =	stream.linear.gather [hbm4b:s9+s3], $0x400, $0x38;
	[tilespmem:$0x14400] =	vst v63  }
0x39d: {  	s30 =	spop (v2sf)  }
0x39e: {  	s9 =	sand.u32 $0x1FFFFF80, s30  }
0x39f: {  	s30 =	simm.s32 $0x3800;
	s9 =	sadd.s32 s1, s9  }
0x3a0: {  	[tilespmem:s30], [sflag:$0x1] =	stream.linear.gather [hbm4b:s9+s3], $0x400, $0x38;
	[tilespmem:$0x14400] =	vst v63  }
0x3a1: {  	s9 =	sadd.s32 $0xF4280, s9;
	s30 =	simm.s32 $0x7800  }
0x3a2: {  	[tilespmem:s30], [sflag:$0x1] =	stream.linear.gather [hbm4b:s9+s3], $0x400, $0x38;
	[tilespmem:$0x14400] =	vst v63  }
0x3a3: {  	s30 =	spop (v2sf)  }
0x3a4: {  	s9 =	sand.u32 $0x1FFFFF80, s30  }
0x3a5: {  	s30 =	simm.s32 $0x3C00;
	s9 =	sadd.s32 s1, s9  }
0x3a6: {  	[tilespmem:s30], [sflag:$0x1] =	stream.linear.gather [hbm4b:s9+s3], $0x400, $0x38;
	[tilespmem:$0x14400] =	vst v63  }
0x3a7: {  	s9 =	sadd.s32 $0xF4280, s9;
	s30 =	simm.s32 $0x7C00  }
0x3a8: {  	[tilespmem:s30], [sflag:$0x1] =	stream.linear.gather [hbm4b:s9+s3], $0x400, $0x38;
	[tilespmem:$0x14400] =	vst v63  }
0x3a9: {  	s30 =	spop (v2sf)  }
.Ltmp5:
0x3aa: {  	s9 =	sand.u32 $0x1FFFFF80, s30;
	(pc) =	sbr.rel .LBB2_4-.Ltmp5, $4  }
0x3ab: {  	s30 =	simm.s32 $0x4000;
	s9 =	sadd.s32 s1, s9  }
0x3ac: {  	[tilespmem:s30], [sflag:$0x1] =	stream.linear.gather [hbm4b:s9+s3], $0x400, $0x38;
	[tilespmem:$0x14400] =	vst v63  }
0x3ad: {  	s9 =	sadd.s32 $0xF4280, s9;
	s30 =	simm.s32 $0x8000  }
0x3ae: {  	[tilespmem:s30], [sflag:$0x1] =	stream.linear.gather [hbm4b:s9+s3], $0x400, $0x38;
	[tilespmem:$0x14400] =	vst v63  }
.LBB2_6:
0x3af: {  	_ =	sfence.sel $0x180000  }
0x3b0: {  	[bflag:$0x0] =	sbarrier.arrive $0xFFFF  }
0x3b1: {  	_ =	strace $0x90000047  }
0x3b2: {  	s0 =	stileid.u32;
	[bflag:$0x2] =	sbarrier.arrive $0xFFFF  }
0x3b3: {  	p0 =	sne.s32 s0, $0x0;
	s0 =	rddreg [dreg:$0x3]  }
0x3b4: {  	s0 =	sadd.s32 @!p0 $0x100000, s0  }
0x3b5: {  	[sflag:s0] =	ssyncadd.tile.s32 @!p0 $0x1;
	_ =	shalt  }
.Lfunc_end2:
_tile_overlayer_lowered:
.L_overlay_start_2:
0x3b6: {  	(tag) =	ssettag $0x2  }
0x3b7: {  	s0 =	rddreg [dreg:$0x0];
	s2 =	stileid.u32  }
0x3b8: {  	s1 =	rddreg [dreg:$0x1];
	p0 =	sne.s32 s2, $0x0  }
0x3b9: {  	s3 =	rddreg [dreg:$0x2];
	[bflag:$0x3] =	sbarrier.arrive $0xFFFF;
	s2 =	simm.s32 @!p0 $0x1C03  }
0x3ba: {  	[timem:s3], [sflag:s2] =	dma.local @!p0 [hbm:s0], s1  }
0x3bb: {  	s0 =	simm.s32 @!p0 $0x3  }
0x3bc: {  	_ =	swait.ge @!p0 [sflag:s0], s1  }
0x3bd: {  	s1 =	ssub.s32 @!p0 $0x0, s1;
	[sflag:s0] =	ssyncset.done @!p0 $0x0  }
0x3be: {  	[sflag:s0] =	ssyncadd.s32 @!p0 s1  }
0x3bf: {  	[bflag:$0x3] =	sbarrier.arrive $0xFFFF  }
0x3c0: {  	_ =	shalt  }

</sc_bundles>
